<compile_context>
chip_gen: v7x
topology: tpu7x:2x2x1
jax: 0.10.2.dev20260603
libtpu: 0.0.44.dev20260713+nightly
codegen_flags: <defaults>
</compile_context>

<pallas_src>
import functools

import jax
import jax.numpy as jnp
from jax import lax
from jax.experimental import pallas as pl
from jax.experimental.pallas import tpu as pltpu
from jax.experimental.pallas import tpu_sc as plsc

_NUM_EMBEDDINGS = 1000000
_DIM = 64
_BATCH = 16384

_info = plsc.get_sparse_core_info()
_NC, _NS = _info.num_cores, _info.num_subcores
_NW = _NC * _NS
_B_PER_W = _BATCH // _NW
_NBUF = 8
_W = 128

_IOTA16 = None


def _extract_column(block, cols, d, t):
    d_vec = jnp.full((16,), d, dtype=jnp.int32)
    t_vec = jnp.full((16,), t, dtype=jnp.int32)
    base_rows = lax.iota(jnp.int32, 16)
    for g in range(_DIM // 16):
        rows = base_rows + (16 * g)
        vals = plsc.load_gather(block, [rows, d_vec])
        plsc.store_scatter(cols, [rows, t_vec], vals)


def _body(table_t, idx_hbm, out_t, idx_v, blocks, cols, *sems):
    wid = lax.axis_index("s") * _NC + lax.axis_index("c")
    base = pl.multiple_of(wid * _B_PER_W, 128)
    pltpu.sync_copy(idx_hbm.at[pl.ds(base, _B_PER_W)], idx_v)

    def fetch_tok(tok, p):
        blk = pl.multiple_of(tok & jnp.int32(-_W), _W)
        pltpu.async_copy(
            table_t.at[:, pl.ds(blk, _W)], blocks.at[p], sems[p]
        )

    n_groups = _B_PER_W // 16
    vec0 = idx_v[pl.ds(0, 16)]
    vec1 = idx_v[pl.ds(16, 16)]
    for p in range(_NBUF):
        fetch_tok(vec0[p], p)

    def outer(g, carry):
        cur, nxt = carry
        for l in range(16):
            t = g * 16 + l
            p = l % _NBUF
            pltpu.make_async_copy(
                table_t.at[:, pl.ds(0, _W)], blocks.at[p], sems[p]
            ).wait()
            tok = cur[l]
            d = tok & jnp.int32(_W - 1)
            _extract_column(blocks.at[p], cols, d, t)
            ntok = cur[l + _NBUF] if l < 16 - _NBUF else nxt[l - (16 - _NBUF)]

            @pl.when(t + _NBUF < _B_PER_W)
            def _():
                fetch_tok(ntok, p)

        off = jnp.minimum((g + 2) * 16, _B_PER_W - 16)
        new_nxt = idx_v[pl.ds(off, 16)]
        return nxt, new_nxt

    lax.fori_loop(0, n_groups, outer, (vec0, vec1))
    pltpu.sync_copy(cols, out_t.at[:, pl.ds(base, _B_PER_W)])


_gather = functools.partial(
    pl.kernel,
    mesh=plsc.VectorSubcoreMesh(core_axis_name="c", subcore_axis_name="s"),
    out_type=jax.ShapeDtypeStruct((_DIM, _BATCH), jnp.float32),
    scratch_types=[
        pltpu.VMEM((_B_PER_W,), jnp.int32),
        pltpu.VMEM((_NBUF, _DIM, _W), jnp.float32),
        pltpu.VMEM((_DIM, _B_PER_W), jnp.float32),
    ]
    + [pltpu.SemaphoreType.DMA] * _NBUF,
    compiler_params=pltpu.CompilerParams(needs_layout_passes=False),
)(_body)


@jax.jit
def kernel(token_ids, embedding_weights):
    idx = token_ids.astype(jnp.int32)
    out_t = _gather(embedding_weights.T, idx)
    return out_t.T

# --- scband reference (transcript-rebuilt; emitter-appended) ---
"""Pipeline reference for scband-embedding-87308095193705 (READ-ONLY COPY).

The authoritative reference and input builder live on the scoring server;
editing this copy changes nothing except your own understanding.
"""

import jax, jax.numpy as jnp
import numpy as np

NUM_EMBEDDINGS = 1000000
EMBEDDING_DIM = 64
BATCH = 16384


def setup_inputs(seed: int = 0) -> dict:
    key = jax.random.key(seed)
    k_idx, k_w = jax.random.split(key)
    token_ids = jax.random.randint(k_idx, (BATCH,), 0, NUM_EMBEDDINGS, dtype=jnp.int64 if jax.config.read('jax_enable_x64') else jnp.int32)
    # trunc_normal_(mean=0, std=1, a=-3, b=3)
    embedding_weights = jax.random.truncated_normal(k_w, -3.0, 3.0, (NUM_EMBEDDINGS, EMBEDDING_DIM), dtype=jnp.float32)
    return {"token_ids": token_ids, "embedding_weights": embedding_weights}


def reference(token_ids, embedding_weights):
    # Faithful translation of: self.embedding_weights[token_ids]
    return jnp.take(embedding_weights, token_ids, axis=0)

if __name__ == "__main__":
    import jax
    _d = setup_inputs()
    print(jax.jit(kernel)(*tuple(_d.values())))

</pallas_src>

<mosaic_0001>
#map = affine_map<(d0, d1) -> (0, 0)>
#map1 = affine_map<(d0, d1) -> (0)>
module attributes {stable_mosaic.version = 14 : i64} {
  func.func @_body(%arg0: i32, %arg1: i32, %arg2: memref<64x1000000xf32, #tpu.memory_space<hbm>>, %arg3: memref<16384xi32, #tpu.memory_space<hbm>>, %arg4: memref<64x16384xf32, #tpu.memory_space<hbm>>, %arg5: memref<512xi32, #tpu.memory_space<vmem>>, %arg6: memref<8x64x128xf32, #tpu.memory_space<vmem>>, %arg7: memref<64x512xf32, #tpu.memory_space<vmem>>, %arg8: memref<!tpu.dma_semaphore, #tpu.memory_space<semaphore_mem>>, %arg9: memref<!tpu.dma_semaphore, #tpu.memory_space<semaphore_mem>>, %arg10: memref<!tpu.dma_semaphore, #tpu.memory_space<semaphore_mem>>, %arg11: memref<!tpu.dma_semaphore, #tpu.memory_space<semaphore_mem>>, %arg12: memref<!tpu.dma_semaphore, #tpu.memory_space<semaphore_mem>>, %arg13: memref<!tpu.dma_semaphore, #tpu.memory_space<semaphore_mem>>, %arg14: memref<!tpu.dma_semaphore, #tpu.memory_space<semaphore_mem>>, %arg15: memref<!tpu.dma_semaphore, #tpu.memory_space<semaphore_mem>>) attributes {dimension_semantics = [#tpu.dimension_semantics<core_parallel>, #tpu.dimension_semantics<subcore_parallel>], iteration_bounds = array<i64: 2, 16>, scalar_prefetch = 0 : i64, scratch_operands = 11 : i64, tpu.core_type = #tpu.core_type<sc_vector_subcore>, window_params = [{transform_indices = #map}, {transform_indices = #map1}, {transform_indices = #map}]} {
    %mul3A = arith.constant 2 : i32
    %mul3A_0 = arith.muli %arg1, %mul3A : i32
    %add3A = arith.addi %mul3A_0, %arg0 : i32
    %mul3A_1 = arith.constant 512 : i32
    %mul3A_2 = arith.muli %add3A, %mul3A_1 : i32
    %multiple_of3A = tpu.assume_multiple %mul3A_2, 128 : i32
    "tpu.region"() ({
      %run_scoped3A = tpu.sem_alloc : memref<!tpu.dma_semaphore, #tpu.memory_space<semaphore_mem>>
      %dma_start3A_151 = tpu.memref_slice %arg3[%multiple_of3A] : memref<16384xi32, #tpu.memory_space<hbm>> -> memref<512xi32, #tpu.memory_space<hbm>>
      %dma_start3A_152 = tpu.memref_slice %arg3[%multiple_of3A] : memref<16384xi32, #tpu.memory_space<hbm>> -> memref<512xi32, #tpu.memory_space<hbm>>
      tpu.enqueue_dma source(%dma_start3A_152 : memref<512xi32, #tpu.memory_space<hbm>>) target(%arg5 : memref<512xi32, #tpu.memory_space<vmem>>) target_semaphore(%run_scoped3A : memref<!tpu.dma_semaphore, #tpu.memory_space<semaphore_mem>>)
      %dma_wait3A = tpu.memref_slice %arg3[%multiple_of3A] : memref<16384xi32, #tpu.memory_space<hbm>> -> memref<512xi32, #tpu.memory_space<hbm>>
      %dma_wait3A_153 = tpu.memref_slice %arg3[%multiple_of3A] : memref<16384xi32, #tpu.memory_space<hbm>> -> memref<512xi32, #tpu.memory_space<hbm>>
      tpu.wait_dma2 semaphore(%run_scoped3A : memref<!tpu.dma_semaphore, #tpu.memory_space<semaphore_mem>>) src(%dma_wait3A_153 : memref<512xi32, #tpu.memory_space<hbm>>) dst(%arg5 : memref<512xi32, #tpu.memory_space<vmem>>)
      tpu.yield
    }) : () -> ()
    %get3A = arith.constant 0 : index
    %get3A_3 = tpu.vector_load %arg5[%get3A] {strides = array<i32>} : memref<512xi32, #tpu.memory_space<vmem>>, vector<16xi32>,
    %get3A_4 = arith.constant 16 : index
    %get3A_5 = tpu.vector_load %arg5[%get3A_4] {strides = array<i32>} : memref<512xi32, #tpu.memory_space<vmem>>, vector<16xi32>,
    %slice3A = vector.extract_strided_slice %get3A_3 {offsets = [0], sizes = [1], strides = [1]} : vector<16xi32> to vector<1xi32>
    %squeeze3A = vector.extract %slice3A[0] : i32 from vector<1xi32>
    %and3A = arith.constant -128 : i32
    %and3A_6 = arith.andi %squeeze3A, %and3A : i32
    %multiple_of3A_7 = tpu.assume_multiple %and3A_6, 128 : i32
    %dma_start3A = arith.constant 0 : i32
    %dma_start3A_8 = arith.constant 0 : i32
    %dma_start3A_9 = arith.constant 0 : i32
    %dma_start3A_10 = tpu.memref_slice %arg6[%dma_start3A, %dma_start3A_8, %dma_start3A_9] : memref<8x64x128xf32, #tpu.memory_space<vmem>> -> memref<1x64x128xf32, #tpu.memory_space<vmem>>
    %dma_start3A_11 = tpu.memref_squeeze %dma_start3A_10 : memref<1x64x128xf32, #tpu.memory_space<vmem>> -> memref<64x128xf32, #tpu.memory_space<vmem>>
    %dma_start3A_12 = arith.constant 0 : i32
    %dma_start3A_13 = tpu.memref_slice %arg2[%dma_start3A_12, %multiple_of3A_7] : memref<64x1000000xf32, #tpu.memory_space<hbm>> -> memref<64x128xf32, #tpu.memory_space<hbm>>
    %dma_start3A_14 = arith.constant 0 : i32
    %dma_start3A_15 = arith.constant 0 : i32
    %dma_start3A_16 = tpu.memref_slice %arg6[%dma_start3A, %dma_start3A_14, %dma_start3A_15] : memref<8x64x128xf32, #tpu.memory_space<vmem>> -> memref<1x64x128xf32, #tpu.memory_space<vmem>>
    %dma_start3A_17 = tpu.memref_squeeze %dma_start3A_16 : memref<1x64x128xf32, #tpu.memory_space<vmem>> -> memref<64x128xf32, #tpu.memory_space<vmem>>
    %dma_start3A_18 = arith.constant 0 : i32
    %dma_start3A_19 = tpu.memref_slice %arg2[%dma_start3A_18, %multiple_of3A_7] : memref<64x1000000xf32, #tpu.memory_space<hbm>> -> memref<64x128xf32, #tpu.memory_space<hbm>>
    tpu.enqueue_dma source(%dma_start3A_19 : memref<64x128xf32, #tpu.memory_space<hbm>>) target(%dma_start3A_17 : memref<64x128xf32, #tpu.memory_space<vmem>>) target_semaphore(%arg8 : memref<!tpu.dma_semaphore, #tpu.memory_space<semaphore_mem>>)
    %slice3A_20 = vector.extract_strided_slice %get3A_3 {offsets = [1], sizes = [1], strides = [1]} : vector<16xi32> to vector<1xi32>
    %squeeze3A_21 = vector.extract %slice3A_20[0] : i32 from vector<1xi32>
    %and3A_22 = arith.constant -128 : i32
    %and3A_23 = arith.andi %squeeze3A_21, %and3A_22 : i32
    %multiple_of3A_24 = tpu.assume_multiple %and3A_23, 128 : i32
    %dma_start3A_25 = arith.constant 1 : i32
    %dma_start3A_26 = arith.constant 0 : i32
    %dma_start3A_27 = arith.constant 0 : i32
    %dma_start3A_28 = tpu.memref_slice %arg6[%dma_start3A_25, %dma_start3A_26, %dma_start3A_27] : memref<8x64x128xf32, #tpu.memory_space<vmem>> -> memref<1x64x128xf32, #tpu.memory_space<vmem>>
    %dma_start3A_29 = tpu.memref_squeeze %dma_start3A_28 : memref<1x64x128xf32, #tpu.memory_space<vmem>> -> memref<64x128xf32, #tpu.memory_space<vmem>>
    %dma_start3A_30 = arith.constant 0 : i32
    %dma_start3A_31 = tpu.memref_slice %arg2[%dma_start3A_30, %multiple_of3A_24] : memref<64x1000000xf32, #tpu.memory_space<hbm>> -> memref<64x128xf32, #tpu.memory_space<hbm>>
    %dma_start3A_32 = arith.constant 0 : i32
    %dma_start3A_33 = arith.constant 0 : i32
    %dma_start3A_34 = tpu.memref_slice %arg6[%dma_start3A_25, %dma_start3A_32, %dma_start3A_33] : memref<8x64x128xf32, #tpu.memory_space<vmem>> -> memref<1x64x128xf32, #tpu.memory_space<vmem>>
    %dma_start3A_35 = tpu.memref_squeeze %dma_start3A_34 : memref<1x64x128xf32, #tpu.memory_space<vmem>> -> memref<64x128xf32, #tpu.memory_space<vmem>>
    %dma_start3A_36 = arith.constant 0 : i32
    %dma_start3A_37 = tpu.memref_slice %arg2[%dma_start3A_36, %multiple_of3A_24] : memref<64x1000000xf32, #tpu.memory_space<hbm>> -> memref<64x128xf32, #tpu.memory_space<hbm>>
    tpu.enqueue_dma source(%dma_start3A_37 : memref<64x128xf32, #tpu.memory_space<hbm>>) target(%dma_start3A_35 : memref<64x128xf32, #tpu.memory_space<vmem>>) target_semaphore(%arg9 : memref<!tpu.dma_semaphore, #tpu.memory_space<semaphore_mem>>)
    %slice3A_38 = vector.extract_strided_slice %get3A_3 {offsets = [2], sizes = [1], strides = [1]} : vector<16xi32> to vector<1xi32>
    %squeeze3A_39 = vector.extract %slice3A_38[0] : i32 from vector<1xi32>
    %and3A_40 = arith.constant -128 : i32
    %and3A_41 = arith.andi %squeeze3A_39, %and3A_40 : i32
    %multiple_of3A_42 = tpu.assume_multiple %and3A_41, 128 : i32
    %dma_start3A_43 = arith.constant 2 : i32
    %dma_start3A_44 = arith.constant 0 : i32
    %dma_start3A_45 = arith.constant 0 : i32
    %dma_start3A_46 = tpu.memref_slice %arg6[%dma_start3A_43, %dma_start3A_44, %dma_start3A_45] : memref<8x64x128xf32, #tpu.memory_space<vmem>> -> memref<1x64x128xf32, #tpu.memory_space<vmem>>
    %dma_start3A_47 = tpu.memref_squeeze %dma_start3A_46 : memref<1x64x128xf32, #tpu.memory_space<vmem>> -> memref<64x128xf32, #tpu.memory_space<vmem>>
    %dma_start3A_48 = arith.constant 0 : i32
    %dma_start3A_49 = tpu.memref_slice %arg2[%dma_start3A_48, %multiple_of3A_42] : memref<64x1000000xf32, #tpu.memory_space<hbm>> -> memref<64x128xf32, #tpu.memory_space<hbm>>
    %dma_start3A_50 = arith.constant 0 : i32
    %dma_start3A_51 = arith.constant 0 : i32
    %dma_start3A_52 = tpu.memref_slice %arg6[%dma_start3A_43, %dma_start3A_50, %dma_start3A_51] : memref<8x64x128xf32, #tpu.memory_space<vmem>> -> memref<1x64x128xf32, #tpu.memory_space<vmem>>
    %dma_start3A_53 = tpu.memref_squeeze %dma_start3A_52 : memref<1x64x128xf32, #tpu.memory_space<vmem>> -> memref<64x128xf32, #tpu.memory_space<vmem>>
    %dma_start3A_54 = arith.constant 0 : i32
    %dma_start3A_55 = tpu.memref_slice %arg2[%dma_start3A_54, %multiple_of3A_42] : memref<64x1000000xf32, #tpu.memory_space<hbm>> -> memref<64x128xf32, #tpu.memory_space<hbm>>
    tpu.enqueue_dma source(%dma_start3A_55 : memref<64x128xf32, #tpu.memory_space<hbm>>) target(%dma_start3A_53 : memref<64x128xf32, #tpu.memory_space<vmem>>) target_semaphore(%arg10 : memref<!tpu.dma_semaphore, #tpu.memory_space<semaphore_mem>>)
    %slice3A_56 = vector.extract_strided_slice %get3A_3 {offsets = [3], sizes = [1], strides = [1]} : vector<16xi32> to vector<1xi32>
    %squeeze3A_57 = vector.extract %slice3A_56[0] : i32 from vector<1xi32>
    %and3A_58 = arith.constant -128 : i32
    %and3A_59 = arith.andi %squeeze3A_57, %and3A_58 : i32
    %multiple_of3A_60 = tpu.assume_multiple %and3A_59, 128 : i32
    %dma_start3A_61 = arith.constant 3 : i32
    %dma_start3A_62 = arith.constant 0 : i32
    %dma_start3A_63 = arith.constant 0 : i32
    %dma_start3A_64 = tpu.memref_slice %arg6[%dma_start3A_61, %dma_start3A_62, %dma_start3A_63] : memref<8x64x128xf32, #tpu.memory_space<vmem>> -> memref<1x64x128xf32, #tpu.memory_space<vmem>>
    %dma_start3A_65 = tpu.memref_squeeze %dma_start3A_64 : memref<1x64x128xf32, #tpu.memory_space<vmem>> -> memref<64x128xf32, #tpu.memory_space<vmem>>
    %dma_start3A_66 = arith.constant 0 : i32
    %dma_start3A_67 = tpu.memref_slice %arg2[%dma_start3A_66, %multiple_of3A_60] : memref<64x1000000xf32, #tpu.memory_space<hbm>> -> memref<64x128xf32, #tpu.memory_space<hbm>>
    %dma_start3A_68 = arith.constant 0 : i32
    %dma_start3A_69 = arith.constant 0 : i32
    %dma_start3A_70 = tpu.memref_slice %arg6[%dma_start3A_61, %dma_start3A_68, %dma_start3A_69] : memref<8x64x128xf32, #tpu.memory_space<vmem>> -> memref<1x64x128xf32, #tpu.memory_space<vmem>>
    %dma_start3A_71 = tpu.memref_squeeze %dma_start3A_70 : memref<1x64x128xf32, #tpu.memory_space<vmem>> -> memref<64x128xf32, #tpu.memory_space<vmem>>
    %dma_start3A_72 = arith.constant 0 : i32
    %dma_start3A_73 = tpu.memref_slice %arg2[%dma_start3A_72, %multiple_of3A_60] : memref<64x1000000xf32, #tpu.memory_space<hbm>> -> memref<64x128xf32, #tpu.memory_space<hbm>>
    tpu.enqueue_dma source(%dma_start3A_73 : memref<64x128xf32, #tpu.memory_space<hbm>>) target(%dma_start3A_71 : memref<64x128xf32, #tpu.memory_space<vmem>>) target_semaphore(%arg11 : memref<!tpu.dma_semaphore, #tpu.memory_space<semaphore_mem>>)
    %slice3A_74 = vector.extract_strided_slice %get3A_3 {offsets = [4], sizes = [1], strides = [1]} : vector<16xi32> to vector<1xi32>
    %squeeze3A_75 = vector.extract %slice3A_74[0] : i32 from vector<1xi32>
    %and3A_76 = arith.constant -128 : i32
    %and3A_77 = arith.andi %squeeze3A_75, %and3A_76 : i32
    %multiple_of3A_78 = tpu.assume_multiple %and3A_77, 128 : i32
    %dma_start3A_79 = arith.constant 4 : i32
    %dma_start3A_80 = arith.constant 0 : i32
    %dma_start3A_81 = arith.constant 0 : i32
    %dma_start3A_82 = tpu.memref_slice %arg6[%dma_start3A_79, %dma_start3A_80, %dma_start3A_81] : memref<8x64x128xf32, #tpu.memory_space<vmem>> -> memref<1x64x128xf32, #tpu.memory_space<vmem>>
    %dma_start3A_83 = tpu.memref_squeeze %dma_start3A_82 : memref<1x64x128xf32, #tpu.memory_space<vmem>> -> memref<64x128xf32, #tpu.memory_space<vmem>>
    %dma_start3A_84 = arith.constant 0 : i32
    %dma_start3A_85 = tpu.memref_slice %arg2[%dma_start3A_84, %multiple_of3A_78] : memref<64x1000000xf32, #tpu.memory_space<hbm>> -> memref<64x128xf32, #tpu.memory_space<hbm>>
    %dma_start3A_86 = arith.constant 0 : i32
    %dma_start3A_87 = arith.constant 0 : i32
    %dma_start3A_88 = tpu.memref_slice %arg6[%dma_start3A_79, %dma_start3A_86, %dma_start3A_87] : memref<8x64x128xf32, #tpu.memory_space<vmem>> -> memref<1x64x128xf32, #tpu.memory_space<vmem>>
    %dma_start3A_89 = tpu.memref_squeeze %dma_start3A_88 : memref<1x64x128xf32, #tpu.memory_space<vmem>> -> memref<64x128xf32, #tpu.memory_space<vmem>>
    %dma_start3A_90 = arith.constant 0 : i32
    %dma_start3A_91 = tpu.memref_slice %arg2[%dma_start3A_90, %multiple_of3A_78] : memref<64x1000000xf32, #tpu.memory_space<hbm>> -> memref<64x128xf32, #tpu.memory_space<hbm>>
    tpu.enqueue_dma source(%dma_start3A_91 : memref<64x128xf32, #tpu.memory_space<hbm>>) target(%dma_start3A_89 : memref<64x128xf32, #tpu.memory_space<vmem>>) target_semaphore(%arg12 : memref<!tpu.dma_semaphore, #tpu.memory_space<semaphore_mem>>)
    %slice3A_92 = vector.extract_strided_slice %get3A_3 {offsets = [5], sizes = [1], strides = [1]} : vector<16xi32> to vector<1xi32>
    %squeeze3A_93 = vector.extract %slice3A_92[0] : i32 from vector<1xi32>
    %and3A_94 = arith.constant -128 : i32
    %and3A_95 = arith.andi %squeeze3A_93, %and3A_94 : i32
    %multiple_of3A_96 = tpu.assume_multiple %and3A_95, 128 : i32
    %dma_start3A_97 = arith.constant 5 : i32
    %dma_start3A_98 = arith.constant 0 : i32
    %dma_start3A_99 = arith.constant 0 : i32
    %dma_start3A_100 = tpu.memref_slice %arg6[%dma_start3A_97, %dma_start3A_98, %dma_start3A_99] : memref<8x64x128xf32, #tpu.memory_space<vmem>> -> memref<1x64x128xf32, #tpu.memory_space<vmem>>
    %dma_start3A_101 = tpu.memref_squeeze %dma_start3A_100 : memref<1x64x128xf32, #tpu.memory_space<vmem>> -> memref<64x128xf32, #tpu.memory_space<vmem>>
    %dma_start3A_102 = arith.constant 0 : i32
    %dma_start3A_103 = tpu.memref_slice %arg2[%dma_start3A_102, %multiple_of3A_96] : memref<64x1000000xf32, #tpu.memory_space<hbm>> -> memref<64x128xf32, #tpu.memory_space<hbm>>
    %dma_start3A_104 = arith.constant 0 : i32
    %dma_start3A_105 = arith.constant 0 : i32
    %dma_start3A_106 = tpu.memref_slice %arg6[%dma_start3A_97, %dma_start3A_104, %dma_start3A_105] : memref<8x64x128xf32, #tpu.memory_space<vmem>> -> memref<1x64x128xf32, #tpu.memory_space<vmem>>
    %dma_start3A_107 = tpu.memref_squeeze %dma_start3A_106 : memref<1x64x128xf32, #tpu.memory_space<vmem>> -> memref<64x128xf32, #tpu.memory_space<vmem>>
    %dma_start3A_108 = arith.constant 0 : i32
    %dma_start3A_109 = tpu.memref_slice %arg2[%dma_start3A_108, %multiple_of3A_96] : memref<64x1000000xf32, #tpu.memory_space<hbm>> -> memref<64x128xf32, #tpu.memory_space<hbm>>
    tpu.enqueue_dma source(%dma_start3A_109 : memref<64x128xf32, #tpu.memory_space<hbm>>) target(%dma_start3A_107 : memref<64x128xf32, #tpu.memory_space<vmem>>) target_semaphore(%arg13 : memref<!tpu.dma_semaphore, #tpu.memory_space<semaphore_mem>>)
    %slice3A_110 = vector.extract_strided_slice %get3A_3 {offsets = [6], sizes = [1], strides = [1]} : vector<16xi32> to vector<1xi32>
    %squeeze3A_111 = vector.extract %slice3A_110[0] : i32 from vector<1xi32>
    %and3A_112 = arith.constant -128 : i32
    %and3A_113 = arith.andi %squeeze3A_111, %and3A_112 : i32
    %multiple_of3A_114 = tpu.assume_multiple %and3A_113, 128 : i32
    %dma_start3A_115 = arith.constant 6 : i32
    %dma_start3A_116 = arith.constant 0 : i32
    %dma_start3A_117 = arith.constant 0 : i32
    %dma_start3A_118 = tpu.memref_slice %arg6[%dma_start3A_115, %dma_start3A_116, %dma_start3A_117] : memref<8x64x128xf32, #tpu.memory_space<vmem>> -> memref<1x64x128xf32, #tpu.memory_space<vmem>>
    %dma_start3A_119 = tpu.memref_squeeze %dma_start3A_118 : memref<1x64x128xf32, #tpu.memory_space<vmem>> -> memref<64x128xf32, #tpu.memory_space<vmem>>
    %dma_start3A_120 = arith.constant 0 : i32
    %dma_start3A_121 = tpu.memref_slice %arg2[%dma_start3A_120, %multiple_of3A_114] : memref<64x1000000xf32, #tpu.memory_space<hbm>> -> memref<64x128xf32, #tpu.memory_space<hbm>>
    %dma_start3A_122 = arith.constant 0 : i32
    %dma_start3A_123 = arith.constant 0 : i32
    %dma_start3A_124 = tpu.memref_slice %arg6[%dma_start3A_115, %dma_start3A_122, %dma_start3A_123] : memref<8x64x128xf32, #tpu.memory_space<vmem>> -> memref<1x64x128xf32, #tpu.memory_space<vmem>>
    %dma_start3A_125 = tpu.memref_squeeze %dma_start3A_124 : memref<1x64x128xf32, #tpu.memory_space<vmem>> -> memref<64x128xf32, #tpu.memory_space<vmem>>
    %dma_start3A_126 = arith.constant 0 : i32
    %dma_start3A_127 = tpu.memref_slice %arg2[%dma_start3A_126, %multiple_of3A_114] : memref<64x1000000xf32, #tpu.memory_space<hbm>> -> memref<64x128xf32, #tpu.memory_space<hbm>>
    tpu.enqueue_dma source(%dma_start3A_127 : memref<64x128xf32, #tpu.memory_space<hbm>>) target(%dma_start3A_125 : memref<64x128xf32, #tpu.memory_space<vmem>>) target_semaphore(%arg14 : memref<!tpu.dma_semaphore, #tpu.memory_space<semaphore_mem>>)
    %slice3A_128 = vector.extract_strided_slice %get3A_3 {offsets = [7], sizes = [1], strides = [1]} : vector<16xi32> to vector<1xi32>
    %squeeze3A_129 = vector.extract %slice3A_128[0] : i32 from vector<1xi32>
    %and3A_130 = arith.constant -128 : i32
    %and3A_131 = arith.andi %squeeze3A_129, %and3A_130 : i32
    %multiple_of3A_132 = tpu.assume_multiple %and3A_131, 128 : i32
    %dma_start3A_133 = arith.constant 7 : i32
    %dma_start3A_134 = arith.constant 0 : i32
    %dma_start3A_135 = arith.constant 0 : i32
    %dma_start3A_136 = tpu.memref_slice %arg6[%dma_start3A_133, %dma_start3A_134, %dma_start3A_135] : memref<8x64x128xf32, #tpu.memory_space<vmem>> -> memref<1x64x128xf32, #tpu.memory_space<vmem>>
    %dma_start3A_137 = tpu.memref_squeeze %dma_start3A_136 : memref<1x64x128xf32, #tpu.memory_space<vmem>> -> memref<64x128xf32, #tpu.memory_space<vmem>>
    %dma_start3A_138 = arith.constant 0 : i32
    %dma_start3A_139 = tpu.memref_slice %arg2[%dma_start3A_138, %multiple_of3A_132] : memref<64x1000000xf32, #tpu.memory_space<hbm>> -> memref<64x128xf32, #tpu.memory_space<hbm>>
    %dma_start3A_140 = arith.constant 0 : i32
    %dma_start3A_141 = arith.constant 0 : i32
    %dma_start3A_142 = tpu.memref_slice %arg6[%dma_start3A_133, %dma_start3A_140, %dma_start3A_141] : memref<8x64x128xf32, #tpu.memory_space<vmem>> -> memref<1x64x128xf32, #tpu.memory_space<vmem>>
    %dma_start3A_143 = tpu.memref_squeeze %dma_start3A_142 : memref<1x64x128xf32, #tpu.memory_space<vmem>> -> memref<64x128xf32, #tpu.memory_space<vmem>>
    %dma_start3A_144 = arith.constant 0 : i32
    %dma_start3A_145 = tpu.memref_slice %arg2[%dma_start3A_144, %multiple_of3A_132] : memref<64x1000000xf32, #tpu.memory_space<hbm>> -> memref<64x128xf32, #tpu.memory_space<hbm>>
    tpu.enqueue_dma source(%dma_start3A_145 : memref<64x128xf32, #tpu.memory_space<hbm>>) target(%dma_start3A_143 : memref<64x128xf32, #tpu.memory_space<vmem>>) target_semaphore(%arg15 : memref<!tpu.dma_semaphore, #tpu.memory_space<semaphore_mem>>)
    %scan3A = arith.constant 0 : i32
    %scan3A_146 = arith.constant 32 : i32
    %scan3A_147 = arith.addi %scan3A, %scan3A_146 : i32
    %scan3A_148 = arith.constant 1 : i32
    %scan3A_149:2 = scf.for %scan3A_151 = %scan3A to %scan3A_147 step %scan3A_148 iter_args(%scan3A_152 = %get3A_3, %scan3A_153 = %get3A_5) -> (vector<16xi32>, vector<16xi32>)  : i32 {
      %mul3A_154 = arith.constant 16 : i32
      %mul3A_155 = arith.muli %scan3A_151, %mul3A_154 : i32
      %add3A_156 = arith.constant 0 : i32
      %add3A_157 = arith.addi %mul3A_155, %add3A_156 : i32
      %dma_wait3A = arith.constant 0 : i32
      %dma_wait3A_158 = arith.constant 0 : i32
      %dma_wait3A_159 = arith.constant 0 : i32
      %dma_wait3A_160 = tpu.memref_slice %arg6[%dma_wait3A, %dma_wait3A_158, %dma_wait3A_159] : memref<8x64x128xf32, #tpu.memory_space<vmem>> -> memref<1x64x128xf32, #tpu.memory_space<vmem>>
      %dma_wait3A_161 = tpu.memref_squeeze %dma_wait3A_160 : memref<1x64x128xf32, #tpu.memory_space<vmem>> -> memref<64x128xf32, #tpu.memory_space<vmem>>
      %dma_wait3A_162 = arith.constant 0 : i32
      %dma_wait3A_163 = arith.constant 0 : i32
      %dma_wait3A_164 = tpu.memref_slice %arg2[%dma_wait3A_162, %dma_wait3A_163] : memref<64x1000000xf32, #tpu.memory_space<hbm>> -> memref<64x128xf32, #tpu.memory_space<hbm>>
      %dma_wait3A_165 = arith.constant 0 : i32
      %dma_wait3A_166 = arith.constant 0 : i32
      %dma_wait3A_167 = tpu.memref_slice %arg6[%dma_wait3A, %dma_wait3A_165, %dma_wait3A_166] : memref<8x64x128xf32, #tpu.memory_space<vmem>> -> memref<1x64x128xf32, #tpu.memory_space<vmem>>
      %dma_wait3A_168 = tpu.memref_squeeze %dma_wait3A_167 : memref<1x64x128xf32, #tpu.memory_space<vmem>> -> memref<64x128xf32, #tpu.memory_space<vmem>>
      %dma_wait3A_169 = arith.constant 0 : i32
      %dma_wait3A_170 = arith.constant 0 : i32
      %dma_wait3A_171 = tpu.memref_slice %arg2[%dma_wait3A_169, %dma_wait3A_170] : memref<64x1000000xf32, #tpu.memory_space<hbm>> -> memref<64x128xf32, #tpu.memory_space<hbm>>
      tpu.wait_dma2 semaphore(%arg8 : memref<!tpu.dma_semaphore, #tpu.memory_space<semaphore_mem>>) src(%dma_wait3A_171 : memref<64x128xf32, #tpu.memory_space<hbm>>) dst(%dma_wait3A_168 : memref<64x128xf32, #tpu.memory_space<vmem>>)
      %slice3A_172 = vector.extract_strided_slice %scan3A_152 {offsets = [0], sizes = [1], strides = [1]} : vector<16xi32> to vector<1xi32>
      %squeeze3A_173 = vector.extract %slice3A_172[0] : i32 from vector<1xi32>
      %and3A_174 = arith.constant 127 : i32
      %and3A_175 = arith.andi %squeeze3A_173, %and3A_174 : i32
      %broadcast_in_dim3A = vector.broadcast %and3A_175 : i32 to vector<16xi32>
      %broadcast_in_dim3A_176 = vector.broadcast %add3A_157 : i32 to vector<16xi32>
      %iota3A = tpu.iota {dimensions = array<i32: 0>} : vector<16xi32>
      %add3A_177 = arith.constant 0 : i32
      %add3A_178 = vector.broadcast %add3A_177 : i32 to vector<16xi32>
      %add3A_179 = arith.addi %iota3A, %add3A_178 : vector<16xi32>
      %gather3A = arith.constant 0 : i32
      %gather3A_180 = arith.constant 0 : i32
      %gather3A_181 = arith.constant 0 : i32
      %gather3A_182 = tpu.memref_slice %arg6[%gather3A, %gather3A_180, %gather3A_181] : memref<8x64x128xf32, #tpu.memory_space<vmem>> -> memref<1x64x128xf32, #tpu.memory_space<vmem>>
      %gather3A_183 = tpu.memref_squeeze %gather3A_182 : memref<1x64x128xf32, #tpu.memory_space<vmem>> -> memref<64x128xf32, #tpu.memory_space<vmem>>
      %gather3A_184 = tpu.vector_load_idx %gather3A_183[%add3A_179, %broadcast_in_dim3A] : memref<64x128xf32, #tpu.memory_space<vmem>>[vector<16xi32>, vector<16xi32>], vector<16xf32>,
      tpu.vector_store_idx %arg7[%add3A_179, %broadcast_in_dim3A_176], %gather3A_184 : memref<64x512xf32, #tpu.memory_space<vmem>>[vector<16xi32>, vector<16xi32>], vector<16xf32>,
      %add3A_185 = arith.constant 16 : i32
      %add3A_186 = vector.broadcast %add3A_185 : i32 to vector<16xi32>
      %add3A_187 = arith.addi %iota3A, %add3A_186 : vector<16xi32>
      %gather3A_188 = arith.constant 0 : i32
      %gather3A_189 = arith.constant 0 : i32
      %gather3A_190 = arith.constant 0 : i32
      %gather3A_191 = tpu.memref_slice %arg6[%gather3A_188, %gather3A_189, %gather3A_190] : memref<8x64x128xf32, #tpu.memory_space<vmem>> -> memref<1x64x128xf32, #tpu.memory_space<vmem>>
      %gather3A_192 = tpu.memref_squeeze %gather3A_191 : memref<1x64x128xf32, #tpu.memory_space<vmem>> -> memref<64x128xf32, #tpu.memory_space<vmem>>
      %gather3A_193 = tpu.vector_load_idx %gather3A_192[%add3A_187, %broadcast_in_dim3A] : memref<64x128xf32, #tpu.memory_space<vmem>>[vector<16xi32>, vector<16xi32>], vector<16xf32>,
      tpu.vector_store_idx %arg7[%add3A_187, %broadcast_in_dim3A_176], %gather3A_193 : memref<64x512xf32, #tpu.memory_space<vmem>>[vector<16xi32>, vector<16xi32>], vector<16xf32>,
      %add3A_194 = arith.constant 32 : i32
      %add3A_195 = vector.broadcast %add3A_194 : i32 to vector<16xi32>
      %add3A_196 = arith.addi %iota3A, %add3A_195 : vector<16xi32>
      %gather3A_197 = arith.constant 0 : i32
      %gather3A_198 = arith.constant 0 : i32
      %gather3A_199 = arith.constant 0 : i32
      %gather3A_200 = tpu.memref_slice %arg6[%gather3A_197, %gather3A_198, %gather3A_199] : memref<8x64x128xf32, #tpu.memory_space<vmem>> -> memref<1x64x128xf32, #tpu.memory_space<vmem>>
      %gather3A_201 = tpu.memref_squeeze %gather3A_200 : memref<1x64x128xf32, #tpu.memory_space<vmem>> -> memref<64x128xf32, #tpu.memory_space<vmem>>
      %gather3A_202 = tpu.vector_load_idx %gather3A_201[%add3A_196, %broadcast_in_dim3A] : memref<64x128xf32, #tpu.memory_space<vmem>>[vector<16xi32>, vector<16xi32>], vector<16xf32>,
      tpu.vector_store_idx %arg7[%add3A_196, %broadcast_in_dim3A_176], %gather3A_202 : memref<64x512xf32, #tpu.memory_space<vmem>>[vector<16xi32>, vector<16xi32>], vector<16xf32>,
      %add3A_203 = arith.constant 48 : i32
      %add3A_204 = vector.broadcast %add3A_203 : i32 to vector<16xi32>
      %add3A_205 = arith.addi %iota3A, %add3A_204 : vector<16xi32>
      %gather3A_206 = arith.constant 0 : i32
      %gather3A_207 = arith.constant 0 : i32
      %gather3A_208 = arith.constant 0 : i32
      %gather3A_209 = tpu.memref_slice %arg6[%gather3A_206, %gather3A_207, %gather3A_208] : memref<8x64x128xf32, #tpu.memory_space<vmem>> -> memref<1x64x128xf32, #tpu.memory_space<vmem>>
      %gather3A_210 = tpu.memref_squeeze %gather3A_209 : memref<1x64x128xf32, #tpu.memory_space<vmem>> -> memref<64x128xf32, #tpu.memory_space<vmem>>
      %gather3A_211 = tpu.vector_load_idx %gather3A_210[%add3A_205, %broadcast_in_dim3A] : memref<64x128xf32, #tpu.memory_space<vmem>>[vector<16xi32>, vector<16xi32>], vector<16xf32>,
      tpu.vector_store_idx %arg7[%add3A_205, %broadcast_in_dim3A_176], %gather3A_211 : memref<64x512xf32, #tpu.memory_space<vmem>>[vector<16xi32>, vector<16xi32>], vector<16xf32>,
      %slice3A_212 = vector.extract_strided_slice %scan3A_152 {offsets = [8], sizes = [1], strides = [1]} : vector<16xi32> to vector<1xi32>
      %squeeze3A_213 = vector.extract %slice3A_212[0] : i32 from vector<1xi32>
      %add3A_214 = arith.constant 8 : i32
      %add3A_215 = arith.addi %add3A_157, %add3A_214 : i32
      %lt3A = arith.constant 512 : i32
      %lt3A_216 = arith.cmpi slt, %add3A_215, %lt3A : i32
      %convert_element_type3A = arith.extui %lt3A_216 : i1 to i32
      %cond3A = arith.constant 0 : i32
      %cond3A_217 = arith.cmpi ne, %convert_element_type3A, %cond3A : i32
      scf.if %cond3A_217 {
        %and3A_1290 = arith.constant -128 : i32
        %and3A_1291 = arith.andi %squeeze3A_213, %and3A_1290 : i32
        %multiple_of3A_1292 = tpu.assume_multiple %and3A_1291, 128 : i32
        %dma_start3A_1293 = arith.constant 0 : i32
        %dma_start3A_1294 = arith.constant 0 : i32
        %dma_start3A_1295 = arith.constant 0 : i32
        %dma_start3A_1296 = tpu.memref_slice %arg6[%dma_start3A_1293, %dma_start3A_1294, %dma_start3A_1295] : memref<8x64x128xf32, #tpu.memory_space<vmem>> -> memref<1x64x128xf32, #tpu.memory_space<vmem>>
        %dma_start3A_1297 = tpu.memref_squeeze %dma_start3A_1296 : memref<1x64x128xf32, #tpu.memory_space<vmem>> -> memref<64x128xf32, #tpu.memory_space<vmem>>
        %dma_start3A_1298 = arith.constant 0 : i32
        %dma_start3A_1299 = tpu.memref_slice %arg2[%dma_start3A_1298, %multiple_of3A_1292] : memref<64x1000000xf32, #tpu.memory_space<hbm>> -> memref<64x128xf32, #tpu.memory_space<hbm>>
        %dma_start3A_1300 = arith.constant 0 : i32
        %dma_start3A_1301 = arith.constant 0 : i32
        %dma_start3A_1302 = tpu.memref_slice %arg6[%dma_start3A_1293, %dma_start3A_1300, %dma_start3A_1301] : memref<8x64x128xf32, #tpu.memory_space<vmem>> -> memref<1x64x128xf32, #tpu.memory_space<vmem>>
        %dma_start3A_1303 = tpu.memref_squeeze %dma_start3A_1302 : memref<1x64x128xf32, #tpu.memory_space<vmem>> -> memref<64x128xf32, #tpu.memory_space<vmem>>
        %dma_start3A_1304 = arith.constant 0 : i32
        %dma_start3A_1305 = tpu.memref_slice %arg2[%dma_start3A_1304, %multiple_of3A_1292] : memref<64x1000000xf32, #tpu.memory_space<hbm>> -> memref<64x128xf32, #tpu.memory_space<hbm>>
        tpu.enqueue_dma source(%dma_start3A_1305 : memref<64x128xf32, #tpu.memory_space<hbm>>) target(%dma_start3A_1303 : memref<64x128xf32, #tpu.memory_space<vmem>>) target_semaphore(%arg8 : memref<!tpu.dma_semaphore, #tpu.memory_space<semaphore_mem>>)
      } else {
      }
      %mul3A_218 = arith.constant 16 : i32
      %mul3A_219 = arith.muli %scan3A_151, %mul3A_218 : i32
      %add3A_220 = arith.constant 1 : i32
      %add3A_221 = arith.addi %mul3A_219, %add3A_220 : i32
      %dma_wait3A_222 = arith.constant 1 : i32
      %dma_wait3A_223 = arith.constant 0 : i32
      %dma_wait3A_224 = arith.constant 0 : i32
      %dma_wait3A_225 = tpu.memref_slice %arg6[%dma_wait3A_222, %dma_wait3A_223, %dma_wait3A_224] : memref<8x64x128xf32, #tpu.memory_space<vmem>> -> memref<1x64x128xf32, #tpu.memory_space<vmem>>
      %dma_wait3A_226 = tpu.memref_squeeze %dma_wait3A_225 : memref<1x64x128xf32, #tpu.memory_space<vmem>> -> memref<64x128xf32, #tpu.memory_space<vmem>>
      %dma_wait3A_227 = arith.constant 0 : i32
      %dma_wait3A_228 = arith.constant 0 : i32
      %dma_wait3A_229 = tpu.memref_slice %arg2[%dma_wait3A_227, %dma_wait3A_228] : memref<64x1000000xf32, #tpu.memory_space<hbm>> -> memref<64x128xf32, #tpu.memory_space<hbm>>
      %dma_wait3A_230 = arith.constant 0 : i32
      %dma_wait3A_231 = arith.constant 0 : i32
      %dma_wait3A_232 = tpu.memref_slice %arg6[%dma_wait3A_222, %dma_wait3A_230, %dma_wait3A_231] : memref<8x64x128xf32, #tpu.memory_space<vmem>> -> memref<1x64x128xf32, #tpu.memory_space<vmem>>
      %dma_wait3A_233 = tpu.memref_squeeze %dma_wait3A_232 : memref<1x64x128xf32, #tpu.memory_space<vmem>> -> memref<64x128xf32, #tpu.memory_space<vmem>>
      %dma_wait3A_234 = arith.constant 0 : i32
      %dma_wait3A_235 = arith.constant 0 : i32
      %dma_wait3A_236 = tpu.memref_slice %arg2[%dma_wait3A_234, %dma_wait3A_235] : memref<64x1000000xf32, #tpu.memory_space<hbm>> -> memref<64x128xf32, #tpu.memory_space<hbm>>
      tpu.wait_dma2 semaphore(%arg9 : memref<!tpu.dma_semaphore, #tpu.memory_space<semaphore_mem>>) src(%dma_wait3A_236 : memref<64x128xf32, #tpu.memory_space<hbm>>) dst(%dma_wait3A_233 : memref<64x128xf32, #tpu.memory_space<vmem>>)
      %slice3A_237 = vector.extract_strided_slice %scan3A_152 {offsets = [1], sizes = [1], strides = [1]} : vector<16xi32> to vector<1xi32>
      %squeeze3A_238 = vector.extract %slice3A_237[0] : i32 from vector<1xi32>
      %and3A_239 = arith.constant 127 : i32
      %and3A_240 = arith.andi %squeeze3A_238, %and3A_239 : i32
      %broadcast_in_dim3A_241 = vector.broadcast %and3A_240 : i32 to vector<16xi32>
      %broadcast_in_dim3A_242 = vector.broadcast %add3A_221 : i32 to vector<16xi32>
      %iota3A_243 = tpu.iota {dimensions = array<i32: 0>} : vector<16xi32>
      %add3A_244 = arith.constant 0 : i32
      %add3A_245 = vector.broadcast %add3A_244 : i32 to vector<16xi32>
      %add3A_246 = arith.addi %iota3A_243, %add3A_245 : vector<16xi32>
      %gather3A_247 = arith.constant 1 : i32
      %gather3A_248 = arith.constant 0 : i32
      %gather3A_249 = arith.constant 0 : i32
      %gather3A_250 = tpu.memref_slice %arg6[%gather3A_247, %gather3A_248, %gather3A_249] : memref<8x64x128xf32, #tpu.memory_space<vmem>> -> memref<1x64x128xf32, #tpu.memory_space<vmem>>
      %gather3A_251 = tpu.memref_squeeze %gather3A_250 : memref<1x64x128xf32, #tpu.memory_space<vmem>> -> memref<64x128xf32, #tpu.memory_space<vmem>>
      %gather3A_252 = tpu.vector_load_idx %gather3A_251[%add3A_246, %broadcast_in_dim3A_241] : memref<64x128xf32, #tpu.memory_space<vmem>>[vector<16xi32>, vector<16xi32>], vector<16xf32>,
      tpu.vector_store_idx %arg7[%add3A_246, %broadcast_in_dim3A_242], %gather3A_252 : memref<64x512xf32, #tpu.memory_space<vmem>>[vector<16xi32>, vector<16xi32>], vector<16xf32>,
      %add3A_253 = arith.constant 16 : i32
      %add3A_254 = vector.broadcast %add3A_253 : i32 to vector<16xi32>
      %add3A_255 = arith.addi %iota3A_243, %add3A_254 : vector<16xi32>
      %gather3A_256 = arith.constant 1 : i32
      %gather3A_257 = arith.constant 0 : i32
      %gather3A_258 = arith.constant 0 : i32
      %gather3A_259 = tpu.memref_slice %arg6[%gather3A_256, %gather3A_257, %gather3A_258] : memref<8x64x128xf32, #tpu.memory_space<vmem>> -> memref<1x64x128xf32, #tpu.memory_space<vmem>>
      %gather3A_260 = tpu.memref_squeeze %gather3A_259 : memref<1x64x128xf32, #tpu.memory_space<vmem>> -> memref<64x128xf32, #tpu.memory_space<vmem>>
      %gather3A_261 = tpu.vector_load_idx %gather3A_260[%add3A_255, %broadcast_in_dim3A_241] : memref<64x128xf32, #tpu.memory_space<vmem>>[vector<16xi32>, vector<16xi32>], vector<16xf32>,
      tpu.vector_store_idx %arg7[%add3A_255, %broadcast_in_dim3A_242], %gather3A_261 : memref<64x512xf32, #tpu.memory_space<vmem>>[vector<16xi32>, vector<16xi32>], vector<16xf32>,
      %add3A_262 = arith.constant 32 : i32
      %add3A_263 = vector.broadcast %add3A_262 : i32 to vector<16xi32>
      %add3A_264 = arith.addi %iota3A_243, %add3A_263 : vector<16xi32>
      %gather3A_265 = arith.constant 1 : i32
      %gather3A_266 = arith.constant 0 : i32
      %gather3A_267 = arith.constant 0 : i32
      %gather3A_268 = tpu.memref_slice %arg6[%gather3A_265, %gather3A_266, %gather3A_267] : memref<8x64x128xf32, #tpu.memory_space<vmem>> -> memref<1x64x128xf32, #tpu.memory_space<vmem>>
      %gather3A_269 = tpu.memref_squeeze %gather3A_268 : memref<1x64x128xf32, #tpu.memory_space<vmem>> -> memref<64x128xf32, #tpu.memory_space<vmem>>
      %gather3A_270 = tpu.vector_load_idx %gather3A_269[%add3A_264, %broadcast_in_dim3A_241] : memref<64x128xf32, #tpu.memory_space<vmem>>[vector<16xi32>, vector<16xi32>], vector<16xf32>,
      tpu.vector_store_idx %arg7[%add3A_264, %broadcast_in_dim3A_242], %gather3A_270 : memref<64x512xf32, #tpu.memory_space<vmem>>[vector<16xi32>, vector<16xi32>], vector<16xf32>,
      %add3A_271 = arith.constant 48 : i32
      %add3A_272 = vector.broadcast %add3A_271 : i32 to vector<16xi32>
      %add3A_273 = arith.addi %iota3A_243, %add3A_272 : vector<16xi32>
      %gather3A_274 = arith.constant 1 : i32
      %gather3A_275 = arith.constant 0 : i32
      %gather3A_276 = arith.constant 0 : i32
      %gather3A_277 = tpu.memref_slice %arg6[%gather3A_274, %gather3A_275, %gather3A_276] : memref<8x64x128xf32, #tpu.memory_space<vmem>> -> memref<1x64x128xf32, #tpu.memory_space<vmem>>
      %gather3A_278 = tpu.memref_squeeze %gather3A_277 : memref<1x64x128xf32, #tpu.memory_space<vmem>> -> memref<64x128xf32, #tpu.memory_space<vmem>>
      %gather3A_279 = tpu.vector_load_idx %gather3A_278[%add3A_273, %broadcast_in_dim3A_241] : memref<64x128xf32, #tpu.memory_space<vmem>>[vector<16xi32>, vector<16xi32>], vector<16xf32>,
      tpu.vector_store_idx %arg7[%add3A_273, %broadcast_in_dim3A_242], %gather3A_279 : memref<64x512xf32, #tpu.memory_space<vmem>>[vector<16xi32>, vector<16xi32>], vector<16xf32>,
      %slice3A_280 = vector.extract_strided_slice %scan3A_152 {offsets = [9], sizes = [1], strides = [1]} : vector<16xi32> to vector<1xi32>
      %squeeze3A_281 = vector.extract %slice3A_280[0] : i32 from vector<1xi32>
      %add3A_282 = arith.constant 8 : i32
      %add3A_283 = arith.addi %add3A_221, %add3A_282 : i32
      %lt3A_284 = arith.constant 512 : i32
      %lt3A_285 = arith.cmpi slt, %add3A_283, %lt3A_284 : i32
      %convert_element_type3A_286 = arith.extui %lt3A_285 : i1 to i32
      %cond3A_287 = arith.constant 0 : i32
      %cond3A_288 = arith.cmpi ne, %convert_element_type3A_286, %cond3A_287 : i32
      scf.if %cond3A_288 {
        %and3A_1290 = arith.constant -128 : i32
        %and3A_1291 = arith.andi %squeeze3A_281, %and3A_1290 : i32
        %multiple_of3A_1292 = tpu.assume_multiple %and3A_1291, 128 : i32
        %dma_start3A_1293 = arith.constant 1 : i32
        %dma_start3A_1294 = arith.constant 0 : i32
        %dma_start3A_1295 = arith.constant 0 : i32
        %dma_start3A_1296 = tpu.memref_slice %arg6[%dma_start3A_1293, %dma_start3A_1294, %dma_start3A_1295] : memref<8x64x128xf32, #tpu.memory_space<vmem>> -> memref<1x64x128xf32, #tpu.memory_space<vmem>>
        %dma_start3A_1297 = tpu.memref_squeeze %dma_start3A_1296 : memref<1x64x128xf32, #tpu.memory_space<vmem>> -> memref<64x128xf32, #tpu.memory_space<vmem>>
        %dma_start3A_1298 = arith.constant 0 : i32
        %dma_start3A_1299 = tpu.memref_slice %arg2[%dma_start3A_1298, %multiple_of3A_1292] : memref<64x1000000xf32, #tpu.memory_space<hbm>> -> memref<64x128xf32, #tpu.memory_space<hbm>>
        %dma_start3A_1300 = arith.constant 0 : i32
        %dma_start3A_1301 = arith.constant 0 : i32
        %dma_start3A_1302 = tpu.memref_slice %arg6[%dma_start3A_1293, %dma_start3A_1300, %dma_start3A_1301] : memref<8x64x128xf32, #tpu.memory_space<vmem>> -> memref<1x64x128xf32, #tpu.memory_space<vmem>>
        %dma_start3A_1303 = tpu.memref_squeeze %dma_start3A_1302 : memref<1x64x128xf32, #tpu.memory_space<vmem>> -> memref<64x128xf32, #tpu.memory_space<vmem>>
        %dma_start3A_1304 = arith.constant 0 : i32
        %dma_start3A_1305 = tpu.memref_slice %arg2[%dma_start3A_1304, %multiple_of3A_1292] : memref<64x1000000xf32, #tpu.memory_space<hbm>> -> memref<64x128xf32, #tpu.memory_space<hbm>>
        tpu.enqueue_dma source(%dma_start3A_1305 : memref<64x128xf32, #tpu.memory_space<hbm>>) target(%dma_start3A_1303 : memref<64x128xf32, #tpu.memory_space<vmem>>) target_semaphore(%arg9 : memref<!tpu.dma_semaphore, #tpu.memory_space<semaphore_mem>>)
      } else {
      }
      %mul3A_289 = arith.constant 16 : i32
      %mul3A_290 = arith.muli %scan3A_151, %mul3A_289 : i32
      %add3A_291 = arith.constant 2 : i32
      %add3A_292 = arith.addi %mul3A_290, %add3A_291 : i32
      %dma_wait3A_293 = arith.constant 2 : i32
      %dma_wait3A_294 = arith.constant 0 : i32
      %dma_wait3A_295 = arith.constant 0 : i32
      %dma_wait3A_296 = tpu.memref_slice %arg6[%dma_wait3A_293, %dma_wait3A_294, %dma_wait3A_295] : memref<8x64x128xf32, #tpu.memory_space<vmem>> -> memref<1x64x128xf32, #tpu.memory_space<vmem>>
      %dma_wait3A_297 = tpu.memref_squeeze %dma_wait3A_296 : memref<1x64x128xf32, #tpu.memory_space<vmem>> -> memref<64x128xf32, #tpu.memory_space<vmem>>
      %dma_wait3A_298 = arith.constant 0 : i32
      %dma_wait3A_299 = arith.constant 0 : i32
      %dma_wait3A_300 = tpu.memref_slice %arg2[%dma_wait3A_298, %dma_wait3A_299] : memref<64x1000000xf32, #tpu.memory_space<hbm>> -> memref<64x128xf32, #tpu.memory_space<hbm>>
      %dma_wait3A_301 = arith.constant 0 : i32
      %dma_wait3A_302 = arith.constant 0 : i32
      %dma_wait3A_303 = tpu.memref_slice %arg6[%dma_wait3A_293, %dma_wait3A_301, %dma_wait3A_302] : memref<8x64x128xf32, #tpu.memory_space<vmem>> -> memref<1x64x128xf32, #tpu.memory_space<vmem>>
      %dma_wait3A_304 = tpu.memref_squeeze %dma_wait3A_303 : memref<1x64x128xf32, #tpu.memory_space<vmem>> -> memref<64x128xf32, #tpu.memory_space<vmem>>
      %dma_wait3A_305 = arith.constant 0 : i32
      %dma_wait3A_306 = arith.constant 0 : i32
      %dma_wait3A_307 = tpu.memref_slice %arg2[%dma_wait3A_305, %dma_wait3A_306] : memref<64x1000000xf32, #tpu.memory_space<hbm>> -> memref<64x128xf32, #tpu.memory_space<hbm>>
      tpu.wait_dma2 semaphore(%arg10 : memref<!tpu.dma_semaphore, #tpu.memory_space<semaphore_mem>>) src(%dma_wait3A_307 : memref<64x128xf32, #tpu.memory_space<hbm>>) dst(%dma_wait3A_304 : memref<64x128xf32, #tpu.memory_space<vmem>>)
      %slice3A_308 = vector.extract_strided_slice %scan3A_152 {offsets = [2], sizes = [1], strides = [1]} : vector<16xi32> to vector<1xi32>
      %squeeze3A_309 = vector.extract %slice3A_308[0] : i32 from vector<1xi32>
      %and3A_310 = arith.constant 127 : i32
      %and3A_311 = arith.andi %squeeze3A_309, %and3A_310 : i32
      %broadcast_in_dim3A_312 = vector.broadcast %and3A_311 : i32 to vector<16xi32>
      %broadcast_in_dim3A_313 = vector.broadcast %add3A_292 : i32 to vector<16xi32>
      %iota3A_314 = tpu.iota {dimensions = array<i32: 0>} : vector<16xi32>
      %add3A_315 = arith.constant 0 : i32
      %add3A_316 = vector.broadcast %add3A_315 : i32 to vector<16xi32>
      %add3A_317 = arith.addi %iota3A_314, %add3A_316 : vector<16xi32>
      %gather3A_318 = arith.constant 2 : i32
      %gather3A_319 = arith.constant 0 : i32
      %gather3A_320 = arith.constant 0 : i32
      %gather3A_321 = tpu.memref_slice %arg6[%gather3A_318, %gather3A_319, %gather3A_320] : memref<8x64x128xf32, #tpu.memory_space<vmem>> -> memref<1x64x128xf32, #tpu.memory_space<vmem>>
      %gather3A_322 = tpu.memref_squeeze %gather3A_321 : memref<1x64x128xf32, #tpu.memory_space<vmem>> -> memref<64x128xf32, #tpu.memory_space<vmem>>
      %gather3A_323 = tpu.vector_load_idx %gather3A_322[%add3A_317, %broadcast_in_dim3A_312] : memref<64x128xf32, #tpu.memory_space<vmem>>[vector<16xi32>, vector<16xi32>], vector<16xf32>,
      tpu.vector_store_idx %arg7[%add3A_317, %broadcast_in_dim3A_313], %gather3A_323 : memref<64x512xf32, #tpu.memory_space<vmem>>[vector<16xi32>, vector<16xi32>], vector<16xf32>,
      %add3A_324 = arith.constant 16 : i32
      %add3A_325 = vector.broadcast %add3A_324 : i32 to vector<16xi32>
      %add3A_326 = arith.addi %iota3A_314, %add3A_325 : vector<16xi32>
      %gather3A_327 = arith.constant 2 : i32
      %gather3A_328 = arith.constant 0 : i32
      %gather3A_329 = arith.constant 0 : i32
      %gather3A_330 = tpu.memref_slice %arg6[%gather3A_327, %gather3A_328, %gather3A_329] : memref<8x64x128xf32, #tpu.memory_space<vmem>> -> memref<1x64x128xf32, #tpu.memory_space<vmem>>
      %gather3A_331 = tpu.memref_squeeze %gather3A_330 : memref<1x64x128xf32, #tpu.memory_space<vmem>> -> memref<64x128xf32, #tpu.memory_space<vmem>>
      %gather3A_332 = tpu.vector_load_idx %gather3A_331[%add3A_326, %broadcast_in_dim3A_312] : memref<64x128xf32, #tpu.memory_space<vmem>>[vector<16xi32>, vector<16xi32>], vector<16xf32>,
      tpu.vector_store_idx %arg7[%add3A_326, %broadcast_in_dim3A_313], %gather3A_332 : memref<64x512xf32, #tpu.memory_space<vmem>>[vector<16xi32>, vector<16xi32>], vector<16xf32>,
      %add3A_333 = arith.constant 32 : i32
      %add3A_334 = vector.broadcast %add3A_333 : i32 to vector<16xi32>
      %add3A_335 = arith.addi %iota3A_314, %add3A_334 : vector<16xi32>
      %gather3A_336 = arith.constant 2 : i32
      %gather3A_337 = arith.constant 0 : i32
      %gather3A_338 = arith.constant 0 : i32
      %gather3A_339 = tpu.memref_slice %arg6[%gather3A_336, %gather3A_337, %gather3A_338] : memref<8x64x128xf32, #tpu.memory_space<vmem>> -> memref<1x64x128xf32, #tpu.memory_space<vmem>>
      %gather3A_340 = tpu.memref_squeeze %gather3A_339 : memref<1x64x128xf32, #tpu.memory_space<vmem>> -> memref<64x128xf32, #tpu.memory_space<vmem>>
      %gather3A_341 = tpu.vector_load_idx %gather3A_340[%add3A_335, %broadcast_in_dim3A_312] : memref<64x128xf32, #tpu.memory_space<vmem>>[vector<16xi32>, vector<16xi32>], vector<16xf32>,
      tpu.vector_store_idx %arg7[%add3A_335, %broadcast_in_dim3A_313], %gather3A_341 : memref<64x512xf32, #tpu.memory_space<vmem>>[vector<16xi32>, vector<16xi32>], vector<16xf32>,
      %add3A_342 = arith.constant 48 : i32
      %add3A_343 = vector.broadcast %add3A_342 : i32 to vector<16xi32>
      %add3A_344 = arith.addi %iota3A_314, %add3A_343 : vector<16xi32>
      %gather3A_345 = arith.constant 2 : i32
      %gather3A_346 = arith.constant 0 : i32
      %gather3A_347 = arith.constant 0 : i32
      %gather3A_348 = tpu.memref_slice %arg6[%gather3A_345, %gather3A_346, %gather3A_347] : memref<8x64x128xf32, #tpu.memory_space<vmem>> -> memref<1x64x128xf32, #tpu.memory_space<vmem>>
      %gather3A_349 = tpu.memref_squeeze %gather3A_348 : memref<1x64x128xf32, #tpu.memory_space<vmem>> -> memref<64x128xf32, #tpu.memory_space<vmem>>
      %gather3A_350 = tpu.vector_load_idx %gather3A_349[%add3A_344, %broadcast_in_dim3A_312] : memref<64x128xf32, #tpu.memory_space<vmem>>[vector<16xi32>, vector<16xi32>], vector<16xf32>,
      tpu.vector_store_idx %arg7[%add3A_344, %broadcast_in_dim3A_313], %gather3A_350 : memref<64x512xf32, #tpu.memory_space<vmem>>[vector<16xi32>, vector<16xi32>], vector<16xf32>,
      %slice3A_351 = vector.extract_strided_slice %scan3A_152 {offsets = [10], sizes = [1], strides = [1]} : vector<16xi32> to vector<1xi32>
      %squeeze3A_352 = vector.extract %slice3A_351[0] : i32 from vector<1xi32>
      %add3A_353 = arith.constant 8 : i32
      %add3A_354 = arith.addi %add3A_292, %add3A_353 : i32
      %lt3A_355 = arith.constant 512 : i32
      %lt3A_356 = arith.cmpi slt, %add3A_354, %lt3A_355 : i32
      %convert_element_type3A_357 = arith.extui %lt3A_356 : i1 to i32
      %cond3A_358 = arith.constant 0 : i32
      %cond3A_359 = arith.cmpi ne, %convert_element_type3A_357, %cond3A_358 : i32
      scf.if %cond3A_359 {
        %and3A_1290 = arith.constant -128 : i32
        %and3A_1291 = arith.andi %squeeze3A_352, %and3A_1290 : i32
        %multiple_of3A_1292 = tpu.assume_multiple %and3A_1291, 128 : i32
        %dma_start3A_1293 = arith.constant 2 : i32
        %dma_start3A_1294 = arith.constant 0 : i32
        %dma_start3A_1295 = arith.constant 0 : i32
        %dma_start3A_1296 = tpu.memref_slice %arg6[%dma_start3A_1293, %dma_start3A_1294, %dma_start3A_1295] : memref<8x64x128xf32, #tpu.memory_space<vmem>> -> memref<1x64x128xf32, #tpu.memory_space<vmem>>
        %dma_start3A_1297 = tpu.memref_squeeze %dma_start3A_1296 : memref<1x64x128xf32, #tpu.memory_space<vmem>> -> memref<64x128xf32, #tpu.memory_space<vmem>>
        %dma_start3A_1298 = arith.constant 0 : i32
        %dma_start3A_1299 = tpu.memref_slice %arg2[%dma_start3A_1298, %multiple_of3A_1292] : memref<64x1000000xf32, #tpu.memory_space<hbm>> -> memref<64x128xf32, #tpu.memory_space<hbm>>
        %dma_start3A_1300 = arith.constant 0 : i32
        %dma_start3A_1301 = arith.constant 0 : i32
        %dma_start3A_1302 = tpu.memref_slice %arg6[%dma_start3A_1293, %dma_start3A_1300, %dma_start3A_1301] : memref<8x64x128xf32, #tpu.memory_space<vmem>> -> memref<1x64x128xf32, #tpu.memory_space<vmem>>
        %dma_start3A_1303 = tpu.memref_squeeze %dma_start3A_1302 : memref<1x64x128xf32, #tpu.memory_space<vmem>> -> memref<64x128xf32, #tpu.memory_space<vmem>>
        %dma_start3A_1304 = arith.constant 0 : i32
        %dma_start3A_1305 = tpu.memref_slice %arg2[%dma_start3A_1304, %multiple_of3A_1292] : memref<64x1000000xf32, #tpu.memory_space<hbm>> -> memref<64x128xf32, #tpu.memory_space<hbm>>
        tpu.enqueue_dma source(%dma_start3A_1305 : memref<64x128xf32, #tpu.memory_space<hbm>>) target(%dma_start3A_1303 : memref<64x128xf32, #tpu.memory_space<vmem>>) target_semaphore(%arg10 : memref<!tpu.dma_semaphore, #tpu.memory_space<semaphore_mem>>)
      } else {
      }
      %mul3A_360 = arith.constant 16 : i32
      %mul3A_361 = arith.muli %scan3A_151, %mul3A_360 : i32
      %add3A_362 = arith.constant 3 : i32
      %add3A_363 = arith.addi %mul3A_361, %add3A_362 : i32
      %dma_wait3A_364 = arith.constant 3 : i32
      %dma_wait3A_365 = arith.constant 0 : i32
      %dma_wait3A_366 = arith.constant 0 : i32
      %dma_wait3A_367 = tpu.memref_slice %arg6[%dma_wait3A_364, %dma_wait3A_365, %dma_wait3A_366] : memref<8x64x128xf32, #tpu.memory_space<vmem>> -> memref<1x64x128xf32, #tpu.memory_space<vmem>>
      %dma_wait3A_368 = tpu.memref_squeeze %dma_wait3A_367 : memref<1x64x128xf32, #tpu.memory_space<vmem>> -> memref<64x128xf32, #tpu.memory_space<vmem>>
      %dma_wait3A_369 = arith.constant 0 : i32
      %dma_wait3A_370 = arith.constant 0 : i32
      %dma_wait3A_371 = tpu.memref_slice %arg2[%dma_wait3A_369, %dma_wait3A_370] : memref<64x1000000xf32, #tpu.memory_space<hbm>> -> memref<64x128xf32, #tpu.memory_space<hbm>>
      %dma_wait3A_372 = arith.constant 0 : i32
      %dma_wait3A_373 = arith.constant 0 : i32
      %dma_wait3A_374 = tpu.memref_slice %arg6[%dma_wait3A_364, %dma_wait3A_372, %dma_wait3A_373] : memref<8x64x128xf32, #tpu.memory_space<vmem>> -> memref<1x64x128xf32, #tpu.memory_space<vmem>>
      %dma_wait3A_375 = tpu.memref_squeeze %dma_wait3A_374 : memref<1x64x128xf32, #tpu.memory_space<vmem>> -> memref<64x128xf32, #tpu.memory_space<vmem>>
      %dma_wait3A_376 = arith.constant 0 : i32
      %dma_wait3A_377 = arith.constant 0 : i32
      %dma_wait3A_378 = tpu.memref_slice %arg2[%dma_wait3A_376, %dma_wait3A_377] : memref<64x1000000xf32, #tpu.memory_space<hbm>> -> memref<64x128xf32, #tpu.memory_space<hbm>>
      tpu.wait_dma2 semaphore(%arg11 : memref<!tpu.dma_semaphore, #tpu.memory_space<semaphore_mem>>) src(%dma_wait3A_378 : memref<64x128xf32, #tpu.memory_space<hbm>>) dst(%dma_wait3A_375 : memref<64x128xf32, #tpu.memory_space<vmem>>)
      %slice3A_379 = vector.extract_strided_slice %scan3A_152 {offsets = [3], sizes = [1], strides = [1]} : vector<16xi32> to vector<1xi32>
      %squeeze3A_380 = vector.extract %slice3A_379[0] : i32 from vector<1xi32>
      %and3A_381 = arith.constant 127 : i32
      %and3A_382 = arith.andi %squeeze3A_380, %and3A_381 : i32
      %broadcast_in_dim3A_383 = vector.broadcast %and3A_382 : i32 to vector<16xi32>
      %broadcast_in_dim3A_384 = vector.broadcast %add3A_363 : i32 to vector<16xi32>
      %iota3A_385 = tpu.iota {dimensions = array<i32: 0>} : vector<16xi32>
      %add3A_386 = arith.constant 0 : i32
      %add3A_387 = vector.broadcast %add3A_386 : i32 to vector<16xi32>
      %add3A_388 = arith.addi %iota3A_385, %add3A_387 : vector<16xi32>
      %gather3A_389 = arith.constant 3 : i32
      %gather3A_390 = arith.constant 0 : i32
      %gather3A_391 = arith.constant 0 : i32
      %gather3A_392 = tpu.memref_slice %arg6[%gather3A_389, %gather3A_390, %gather3A_391] : memref<8x64x128xf32, #tpu.memory_space<vmem>> -> memref<1x64x128xf32, #tpu.memory_space<vmem>>
      %gather3A_393 = tpu.memref_squeeze %gather3A_392 : memref<1x64x128xf32, #tpu.memory_space<vmem>> -> memref<64x128xf32, #tpu.memory_space<vmem>>
      %gather3A_394 = tpu.vector_load_idx %gather3A_393[%add3A_388, %broadcast_in_dim3A_383] : memref<64x128xf32, #tpu.memory_space<vmem>>[vector<16xi32>, vector<16xi32>], vector<16xf32>,
      tpu.vector_store_idx %arg7[%add3A_388, %broadcast_in_dim3A_384], %gather3A_394 : memref<64x512xf32, #tpu.memory_space<vmem>>[vector<16xi32>, vector<16xi32>], vector<16xf32>,
      %add3A_395 = arith.constant 16 : i32
      %add3A_396 = vector.broadcast %add3A_395 : i32 to vector<16xi32>
      %add3A_397 = arith.addi %iota3A_385, %add3A_396 : vector<16xi32>
      %gather3A_398 = arith.constant 3 : i32
      %gather3A_399 = arith.constant 0 : i32
      %gather3A_400 = arith.constant 0 : i32
      %gather3A_401 = tpu.memref_slice %arg6[%gather3A_398, %gather3A_399, %gather3A_400] : memref<8x64x128xf32, #tpu.memory_space<vmem>> -> memref<1x64x128xf32, #tpu.memory_space<vmem>>
      %gather3A_402 = tpu.memref_squeeze %gather3A_401 : memref<1x64x128xf32, #tpu.memory_space<vmem>> -> memref<64x128xf32, #tpu.memory_space<vmem>>
      %gather3A_403 = tpu.vector_load_idx %gather3A_402[%add3A_397, %broadcast_in_dim3A_383] : memref<64x128xf32, #tpu.memory_space<vmem>>[vector<16xi32>, vector<16xi32>], vector<16xf32>,
      tpu.vector_store_idx %arg7[%add3A_397, %broadcast_in_dim3A_384], %gather3A_403 : memref<64x512xf32, #tpu.memory_space<vmem>>[vector<16xi32>, vector<16xi32>], vector<16xf32>,
      %add3A_404 = arith.constant 32 : i32
      %add3A_405 = vector.broadcast %add3A_404 : i32 to vector<16xi32>
      %add3A_406 = arith.addi %iota3A_385, %add3A_405 : vector<16xi32>
      %gather3A_407 = arith.constant 3 : i32
      %gather3A_408 = arith.constant 0 : i32
      %gather3A_409 = arith.constant 0 : i32
      %gather3A_410 = tpu.memref_slice %arg6[%gather3A_407, %gather3A_408, %gather3A_409] : memref<8x64x128xf32, #tpu.memory_space<vmem>> -> memref<1x64x128xf32, #tpu.memory_space<vmem>>
      %gather3A_411 = tpu.memref_squeeze %gather3A_410 : memref<1x64x128xf32, #tpu.memory_space<vmem>> -> memref<64x128xf32, #tpu.memory_space<vmem>>
      %gather3A_412 = tpu.vector_load_idx %gather3A_411[%add3A_406, %broadcast_in_dim3A_383] : memref<64x128xf32, #tpu.memory_space<vmem>>[vector<16xi32>, vector<16xi32>], vector<16xf32>,
      tpu.vector_store_idx %arg7[%add3A_406, %broadcast_in_dim3A_384], %gather3A_412 : memref<64x512xf32, #tpu.memory_space<vmem>>[vector<16xi32>, vector<16xi32>], vector<16xf32>,
      %add3A_413 = arith.constant 48 : i32
      %add3A_414 = vector.broadcast %add3A_413 : i32 to vector<16xi32>
      %add3A_415 = arith.addi %iota3A_385, %add3A_414 : vector<16xi32>
      %gather3A_416 = arith.constant 3 : i32
      %gather3A_417 = arith.constant 0 : i32
      %gather3A_418 = arith.constant 0 : i32
      %gather3A_419 = tpu.memref_slice %arg6[%gather3A_416, %gather3A_417, %gather3A_418] : memref<8x64x128xf32, #tpu.memory_space<vmem>> -> memref<1x64x128xf32, #tpu.memory_space<vmem>>
      %gather3A_420 = tpu.memref_squeeze %gather3A_419 : memref<1x64x128xf32, #tpu.memory_space<vmem>> -> memref<64x128xf32, #tpu.memory_space<vmem>>
      %gather3A_421 = tpu.vector_load_idx %gather3A_420[%add3A_415, %broadcast_in_dim3A_383] : memref<64x128xf32, #tpu.memory_space<vmem>>[vector<16xi32>, vector<16xi32>], vector<16xf32>,
      tpu.vector_store_idx %arg7[%add3A_415, %broadcast_in_dim3A_384], %gather3A_421 : memref<64x512xf32, #tpu.memory_space<vmem>>[vector<16xi32>, vector<16xi32>], vector<16xf32>,
      %slice3A_422 = vector.extract_strided_slice %scan3A_152 {offsets = [11], sizes = [1], strides = [1]} : vector<16xi32> to vector<1xi32>
      %squeeze3A_423 = vector.extract %slice3A_422[0] : i32 from vector<1xi32>
      %add3A_424 = arith.constant 8 : i32
      %add3A_425 = arith.addi %add3A_363, %add3A_424 : i32
      %lt3A_426 = arith.constant 512 : i32
      %lt3A_427 = arith.cmpi slt, %add3A_425, %lt3A_426 : i32
      %convert_element_type3A_428 = arith.extui %lt3A_427 : i1 to i32
      %cond3A_429 = arith.constant 0 : i32
      %cond3A_430 = arith.cmpi ne, %convert_element_type3A_428, %cond3A_429 : i32
      scf.if %cond3A_430 {
        %and3A_1290 = arith.constant -128 : i32
        %and3A_1291 = arith.andi %squeeze3A_423, %and3A_1290 : i32
        %multiple_of3A_1292 = tpu.assume_multiple %and3A_1291, 128 : i32
        %dma_start3A_1293 = arith.constant 3 : i32
        %dma_start3A_1294 = arith.constant 0 : i32
        %dma_start3A_1295 = arith.constant 0 : i32
        %dma_start3A_1296 = tpu.memref_slice %arg6[%dma_start3A_1293, %dma_start3A_1294, %dma_start3A_1295] : memref<8x64x128xf32, #tpu.memory_space<vmem>> -> memref<1x64x128xf32, #tpu.memory_space<vmem>>
        %dma_start3A_1297 = tpu.memref_squeeze %dma_start3A_1296 : memref<1x64x128xf32, #tpu.memory_space<vmem>> -> memref<64x128xf32, #tpu.memory_space<vmem>>
        %dma_start3A_1298 = arith.constant 0 : i32
        %dma_start3A_1299 = tpu.memref_slice %arg2[%dma_start3A_1298, %multiple_of3A_1292] : memref<64x1000000xf32, #tpu.memory_space<hbm>> -> memref<64x128xf32, #tpu.memory_space<hbm>>
        %dma_start3A_1300 = arith.constant 0 : i32
        %dma_start3A_1301 = arith.constant 0 : i32
        %dma_start3A_1302 = tpu.memref_slice %arg6[%dma_start3A_1293, %dma_start3A_1300, %dma_start3A_1301] : memref<8x64x128xf32, #tpu.memory_space<vmem>> -> memref<1x64x128xf32, #tpu.memory_space<vmem>>
        %dma_start3A_1303 = tpu.memref_squeeze %dma_start3A_1302 : memref<1x64x128xf32, #tpu.memory_space<vmem>> -> memref<64x128xf32, #tpu.memory_space<vmem>>
        %dma_start3A_1304 = arith.constant 0 : i32
        %dma_start3A_1305 = tpu.memref_slice %arg2[%dma_start3A_1304, %multiple_of3A_1292] : memref<64x1000000xf32, #tpu.memory_space<hbm>> -> memref<64x128xf32, #tpu.memory_space<hbm>>
        tpu.enqueue_dma source(%dma_start3A_1305 : memref<64x128xf32, #tpu.memory_space<hbm>>) target(%dma_start3A_1303 : memref<64x128xf32, #tpu.memory_space<vmem>>) target_semaphore(%arg11 : memref<!tpu.dma_semaphore, #tpu.memory_space<semaphore_mem>>)
      } else {
      }
      %mul3A_431 = arith.constant 16 : i32
      %mul3A_432 = arith.muli %scan3A_151, %mul3A_431 : i32
      %add3A_433 = arith.constant 4 : i32
      %add3A_434 = arith.addi %mul3A_432, %add3A_433 : i32
      %dma_wait3A_435 = arith.constant 4 : i32
      %dma_wait3A_436 = arith.constant 0 : i32
      %dma_wait3A_437 = arith.constant 0 : i32
      %dma_wait3A_438 = tpu.memref_slice %arg6[%dma_wait3A_435, %dma_wait3A_436, %dma_wait3A_437] : memref<8x64x128xf32, #tpu.memory_space<vmem>> -> memref<1x64x128xf32, #tpu.memory_space<vmem>>
      %dma_wait3A_439 = tpu.memref_squeeze %dma_wait3A_438 : memref<1x64x128xf32, #tpu.memory_space<vmem>> -> memref<64x128xf32, #tpu.memory_space<vmem>>
      %dma_wait3A_440 = arith.constant 0 : i32
      %dma_wait3A_441 = arith.constant 0 : i32
      %dma_wait3A_442 = tpu.memref_slice %arg2[%dma_wait3A_440, %dma_wait3A_441] : memref<64x1000000xf32, #tpu.memory_space<hbm>> -> memref<64x128xf32, #tpu.memory_space<hbm>>
      %dma_wait3A_443 = arith.constant 0 : i32
      %dma_wait3A_444 = arith.constant 0 : i32
      %dma_wait3A_445 = tpu.memref_slice %arg6[%dma_wait3A_435, %dma_wait3A_443, %dma_wait3A_444] : memref<8x64x128xf32, #tpu.memory_space<vmem>> -> memref<1x64x128xf32, #tpu.memory_space<vmem>>
      %dma_wait3A_446 = tpu.memref_squeeze %dma_wait3A_445 : memref<1x64x128xf32, #tpu.memory_space<vmem>> -> memref<64x128xf32, #tpu.memory_space<vmem>>
      %dma_wait3A_447 = arith.constant 0 : i32
      %dma_wait3A_448 = arith.constant 0 : i32
      %dma_wait3A_449 = tpu.memref_slice %arg2[%dma_wait3A_447, %dma_wait3A_448] : memref<64x1000000xf32, #tpu.memory_space<hbm>> -> memref<64x128xf32, #tpu.memory_space<hbm>>
      tpu.wait_dma2 semaphore(%arg12 : memref<!tpu.dma_semaphore, #tpu.memory_space<semaphore_mem>>) src(%dma_wait3A_449 : memref<64x128xf32, #tpu.memory_space<hbm>>) dst(%dma_wait3A_446 : memref<64x128xf32, #tpu.memory_space<vmem>>)
      %slice3A_450 = vector.extract_strided_slice %scan3A_152 {offsets = [4], sizes = [1], strides = [1]} : vector<16xi32> to vector<1xi32>
      %squeeze3A_451 = vector.extract %slice3A_450[0] : i32 from vector<1xi32>
      %and3A_452 = arith.constant 127 : i32
      %and3A_453 = arith.andi %squeeze3A_451, %and3A_452 : i32
      %broadcast_in_dim3A_454 = vector.broadcast %and3A_453 : i32 to vector<16xi32>
      %broadcast_in_dim3A_455 = vector.broadcast %add3A_434 : i32 to vector<16xi32>
      %iota3A_456 = tpu.iota {dimensions = array<i32: 0>} : vector<16xi32>
      %add3A_457 = arith.constant 0 : i32
      %add3A_458 = vector.broadcast %add3A_457 : i32 to vector<16xi32>
      %add3A_459 = arith.addi %iota3A_456, %add3A_458 : vector<16xi32>
      %gather3A_460 = arith.constant 4 : i32
      %gather3A_461 = arith.constant 0 : i32
      %gather3A_462 = arith.constant 0 : i32
      %gather3A_463 = tpu.memref_slice %arg6[%gather3A_460, %gather3A_461, %gather3A_462] : memref<8x64x128xf32, #tpu.memory_space<vmem>> -> memref<1x64x128xf32, #tpu.memory_space<vmem>>
      %gather3A_464 = tpu.memref_squeeze %gather3A_463 : memref<1x64x128xf32, #tpu.memory_space<vmem>> -> memref<64x128xf32, #tpu.memory_space<vmem>>
      %gather3A_465 = tpu.vector_load_idx %gather3A_464[%add3A_459, %broadcast_in_dim3A_454] : memref<64x128xf32, #tpu.memory_space<vmem>>[vector<16xi32>, vector<16xi32>], vector<16xf32>,
      tpu.vector_store_idx %arg7[%add3A_459, %broadcast_in_dim3A_455], %gather3A_465 : memref<64x512xf32, #tpu.memory_space<vmem>>[vector<16xi32>, vector<16xi32>], vector<16xf32>,
      %add3A_466 = arith.constant 16 : i32
      %add3A_467 = vector.broadcast %add3A_466 : i32 to vector<16xi32>
      %add3A_468 = arith.addi %iota3A_456, %add3A_467 : vector<16xi32>
      %gather3A_469 = arith.constant 4 : i32
      %gather3A_470 = arith.constant 0 : i32
      %gather3A_471 = arith.constant 0 : i32
      %gather3A_472 = tpu.memref_slice %arg6[%gather3A_469, %gather3A_470, %gather3A_471] : memref<8x64x128xf32, #tpu.memory_space<vmem>> -> memref<1x64x128xf32, #tpu.memory_space<vmem>>
      %gather3A_473 = tpu.memref_squeeze %gather3A_472 : memref<1x64x128xf32, #tpu.memory_space<vmem>> -> memref<64x128xf32, #tpu.memory_space<vmem>>
      %gather3A_474 = tpu.vector_load_idx %gather3A_473[%add3A_468, %broadcast_in_dim3A_454] : memref<64x128xf32, #tpu.memory_space<vmem>>[vector<16xi32>, vector<16xi32>], vector<16xf32>,
      tpu.vector_store_idx %arg7[%add3A_468, %broadcast_in_dim3A_455], %gather3A_474 : memref<64x512xf32, #tpu.memory_space<vmem>>[vector<16xi32>, vector<16xi32>], vector<16xf32>,
      %add3A_475 = arith.constant 32 : i32
      %add3A_476 = vector.broadcast %add3A_475 : i32 to vector<16xi32>
      %add3A_477 = arith.addi %iota3A_456, %add3A_476 : vector<16xi32>
      %gather3A_478 = arith.constant 4 : i32
      %gather3A_479 = arith.constant 0 : i32
      %gather3A_480 = arith.constant 0 : i32
      %gather3A_481 = tpu.memref_slice %arg6[%gather3A_478, %gather3A_479, %gather3A_480] : memref<8x64x128xf32, #tpu.memory_space<vmem>> -> memref<1x64x128xf32, #tpu.memory_space<vmem>>
      %gather3A_482 = tpu.memref_squeeze %gather3A_481 : memref<1x64x128xf32, #tpu.memory_space<vmem>> -> memref<64x128xf32, #tpu.memory_space<vmem>>
      %gather3A_483 = tpu.vector_load_idx %gather3A_482[%add3A_477, %broadcast_in_dim3A_454] : memref<64x128xf32, #tpu.memory_space<vmem>>[vector<16xi32>, vector<16xi32>], vector<16xf32>,
      tpu.vector_store_idx %arg7[%add3A_477, %broadcast_in_dim3A_455], %gather3A_483 : memref<64x512xf32, #tpu.memory_space<vmem>>[vector<16xi32>, vector<16xi32>], vector<16xf32>,
      %add3A_484 = arith.constant 48 : i32
      %add3A_485 = vector.broadcast %add3A_484 : i32 to vector<16xi32>
      %add3A_486 = arith.addi %iota3A_456, %add3A_485 : vector<16xi32>
      %gather3A_487 = arith.constant 4 : i32
      %gather3A_488 = arith.constant 0 : i32
      %gather3A_489 = arith.constant 0 : i32
      %gather3A_490 = tpu.memref_slice %arg6[%gather3A_487, %gather3A_488, %gather3A_489] : memref<8x64x128xf32, #tpu.memory_space<vmem>> -> memref<1x64x128xf32, #tpu.memory_space<vmem>>
      %gather3A_491 = tpu.memref_squeeze %gather3A_490 : memref<1x64x128xf32, #tpu.memory_space<vmem>> -> memref<64x128xf32, #tpu.memory_space<vmem>>
      %gather3A_492 = tpu.vector_load_idx %gather3A_491[%add3A_486, %broadcast_in_dim3A_454] : memref<64x128xf32, #tpu.memory_space<vmem>>[vector<16xi32>, vector<16xi32>], vector<16xf32>,
      tpu.vector_store_idx %arg7[%add3A_486, %broadcast_in_dim3A_455], %gather3A_492 : memref<64x512xf32, #tpu.memory_space<vmem>>[vector<16xi32>, vector<16xi32>], vector<16xf32>,
      %slice3A_493 = vector.extract_strided_slice %scan3A_152 {offsets = [12], sizes = [1], strides = [1]} : vector<16xi32> to vector<1xi32>
      %squeeze3A_494 = vector.extract %slice3A_493[0] : i32 from vector<1xi32>
      %add3A_495 = arith.constant 8 : i32
      %add3A_496 = arith.addi %add3A_434, %add3A_495 : i32
      %lt3A_497 = arith.constant 512 : i32
      %lt3A_498 = arith.cmpi slt, %add3A_496, %lt3A_497 : i32
      %convert_element_type3A_499 = arith.extui %lt3A_498 : i1 to i32
      %cond3A_500 = arith.constant 0 : i32
      %cond3A_501 = arith.cmpi ne, %convert_element_type3A_499, %cond3A_500 : i32
      scf.if %cond3A_501 {
        %and3A_1290 = arith.constant -128 : i32
        %and3A_1291 = arith.andi %squeeze3A_494, %and3A_1290 : i32
        %multiple_of3A_1292 = tpu.assume_multiple %and3A_1291, 128 : i32
        %dma_start3A_1293 = arith.constant 4 : i32
        %dma_start3A_1294 = arith.constant 0 : i32
        %dma_start3A_1295 = arith.constant 0 : i32
        %dma_start3A_1296 = tpu.memref_slice %arg6[%dma_start3A_1293, %dma_start3A_1294, %dma_start3A_1295] : memref<8x64x128xf32, #tpu.memory_space<vmem>> -> memref<1x64x128xf32, #tpu.memory_space<vmem>>
        %dma_start3A_1297 = tpu.memref_squeeze %dma_start3A_1296 : memref<1x64x128xf32, #tpu.memory_space<vmem>> -> memref<64x128xf32, #tpu.memory_space<vmem>>
        %dma_start3A_1298 = arith.constant 0 : i32
        %dma_start3A_1299 = tpu.memref_slice %arg2[%dma_start3A_1298, %multiple_of3A_1292] : memref<64x1000000xf32, #tpu.memory_space<hbm>> -> memref<64x128xf32, #tpu.memory_space<hbm>>
        %dma_start3A_1300 = arith.constant 0 : i32
        %dma_start3A_1301 = arith.constant 0 : i32
        %dma_start3A_1302 = tpu.memref_slice %arg6[%dma_start3A_1293, %dma_start3A_1300, %dma_start3A_1301] : memref<8x64x128xf32, #tpu.memory_space<vmem>> -> memref<1x64x128xf32, #tpu.memory_space<vmem>>
        %dma_start3A_1303 = tpu.memref_squeeze %dma_start3A_1302 : memref<1x64x128xf32, #tpu.memory_space<vmem>> -> memref<64x128xf32, #tpu.memory_space<vmem>>
        %dma_start3A_1304 = arith.constant 0 : i32
        %dma_start3A_1305 = tpu.memref_slice %arg2[%dma_start3A_1304, %multiple_of3A_1292] : memref<64x1000000xf32, #tpu.memory_space<hbm>> -> memref<64x128xf32, #tpu.memory_space<hbm>>
        tpu.enqueue_dma source(%dma_start3A_1305 : memref<64x128xf32, #tpu.memory_space<hbm>>) target(%dma_start3A_1303 : memref<64x128xf32, #tpu.memory_space<vmem>>) target_semaphore(%arg12 : memref<!tpu.dma_semaphore, #tpu.memory_space<semaphore_mem>>)
      } else {
      }
      %mul3A_502 = arith.constant 16 : i32
      %mul3A_503 = arith.muli %scan3A_151, %mul3A_502 : i32
      %add3A_504 = arith.constant 5 : i32
      %add3A_505 = arith.addi %mul3A_503, %add3A_504 : i32
      %dma_wait3A_506 = arith.constant 5 : i32
      %dma_wait3A_507 = arith.constant 0 : i32
      %dma_wait3A_508 = arith.constant 0 : i32
      %dma_wait3A_509 = tpu.memref_slice %arg6[%dma_wait3A_506, %dma_wait3A_507, %dma_wait3A_508] : memref<8x64x128xf32, #tpu.memory_space<vmem>> -> memref<1x64x128xf32, #tpu.memory_space<vmem>>
      %dma_wait3A_510 = tpu.memref_squeeze %dma_wait3A_509 : memref<1x64x128xf32, #tpu.memory_space<vmem>> -> memref<64x128xf32, #tpu.memory_space<vmem>>
      %dma_wait3A_511 = arith.constant 0 : i32
      %dma_wait3A_512 = arith.constant 0 : i32
      %dma_wait3A_513 = tpu.memref_slice %arg2[%dma_wait3A_511, %dma_wait3A_512] : memref<64x1000000xf32, #tpu.memory_space<hbm>> -> memref<64x128xf32, #tpu.memory_space<hbm>>
      %dma_wait3A_514 = arith.constant 0 : i32
      %dma_wait3A_515 = arith.constant 0 : i32
      %dma_wait3A_516 = tpu.memref_slice %arg6[%dma_wait3A_506, %dma_wait3A_514, %dma_wait3A_515] : memref<8x64x128xf32, #tpu.memory_space<vmem>> -> memref<1x64x128xf32, #tpu.memory_space<vmem>>
      %dma_wait3A_517 = tpu.memref_squeeze %dma_wait3A_516 : memref<1x64x128xf32, #tpu.memory_space<vmem>> -> memref<64x128xf32, #tpu.memory_space<vmem>>
      %dma_wait3A_518 = arith.constant 0 : i32
      %dma_wait3A_519 = arith.constant 0 : i32
      %dma_wait3A_520 = tpu.memref_slice %arg2[%dma_wait3A_518, %dma_wait3A_519] : memref<64x1000000xf32, #tpu.memory_space<hbm>> -> memref<64x128xf32, #tpu.memory_space<hbm>>
      tpu.wait_dma2 semaphore(%arg13 : memref<!tpu.dma_semaphore, #tpu.memory_space<semaphore_mem>>) src(%dma_wait3A_520 : memref<64x128xf32, #tpu.memory_space<hbm>>) dst(%dma_wait3A_517 : memref<64x128xf32, #tpu.memory_space<vmem>>)
      %slice3A_521 = vector.extract_strided_slice %scan3A_152 {offsets = [5], sizes = [1], strides = [1]} : vector<16xi32> to vector<1xi32>
      %squeeze3A_522 = vector.extract %slice3A_521[0] : i32 from vector<1xi32>
      %and3A_523 = arith.constant 127 : i32
      %and3A_524 = arith.andi %squeeze3A_522, %and3A_523 : i32
      %broadcast_in_dim3A_525 = vector.broadcast %and3A_524 : i32 to vector<16xi32>
      %broadcast_in_dim3A_526 = vector.broadcast %add3A_505 : i32 to vector<16xi32>
      %iota3A_527 = tpu.iota {dimensions = array<i32: 0>} : vector<16xi32>
      %add3A_528 = arith.constant 0 : i32
      %add3A_529 = vector.broadcast %add3A_528 : i32 to vector<16xi32>
      %add3A_530 = arith.addi %iota3A_527, %add3A_529 : vector<16xi32>
      %gather3A_531 = arith.constant 5 : i32
      %gather3A_532 = arith.constant 0 : i32
      %gather3A_533 = arith.constant 0 : i32
      %gather3A_534 = tpu.memref_slice %arg6[%gather3A_531, %gather3A_532, %gather3A_533] : memref<8x64x128xf32, #tpu.memory_space<vmem>> -> memref<1x64x128xf32, #tpu.memory_space<vmem>>
      %gather3A_535 = tpu.memref_squeeze %gather3A_534 : memref<1x64x128xf32, #tpu.memory_space<vmem>> -> memref<64x128xf32, #tpu.memory_space<vmem>>
      %gather3A_536 = tpu.vector_load_idx %gather3A_535[%add3A_530, %broadcast_in_dim3A_525] : memref<64x128xf32, #tpu.memory_space<vmem>>[vector<16xi32>, vector<16xi32>], vector<16xf32>,
      tpu.vector_store_idx %arg7[%add3A_530, %broadcast_in_dim3A_526], %gather3A_536 : memref<64x512xf32, #tpu.memory_space<vmem>>[vector<16xi32>, vector<16xi32>], vector<16xf32>,
      %add3A_537 = arith.constant 16 : i32
      %add3A_538 = vector.broadcast %add3A_537 : i32 to vector<16xi32>
      %add3A_539 = arith.addi %iota3A_527, %add3A_538 : vector<16xi32>
      %gather3A_540 = arith.constant 5 : i32
      %gather3A_541 = arith.constant 0 : i32
      %gather3A_542 = arith.constant 0 : i32
      %gather3A_543 = tpu.memref_slice %arg6[%gather3A_540, %gather3A_541, %gather3A_542] : memref<8x64x128xf32, #tpu.memory_space<vmem>> -> memref<1x64x128xf32, #tpu.memory_space<vmem>>
      %gather3A_544 = tpu.memref_squeeze %gather3A_543 : memref<1x64x128xf32, #tpu.memory_space<vmem>> -> memref<64x128xf32, #tpu.memory_space<vmem>>
      %gather3A_545 = tpu.vector_load_idx %gather3A_544[%add3A_539, %broadcast_in_dim3A_525] : memref<64x128xf32, #tpu.memory_space<vmem>>[vector<16xi32>, vector<16xi32>], vector<16xf32>,
      tpu.vector_store_idx %arg7[%add3A_539, %broadcast_in_dim3A_526], %gather3A_545 : memref<64x512xf32, #tpu.memory_space<vmem>>[vector<16xi32>, vector<16xi32>], vector<16xf32>,
      %add3A_546 = arith.constant 32 : i32
      %add3A_547 = vector.broadcast %add3A_546 : i32 to vector<16xi32>
      %add3A_548 = arith.addi %iota3A_527, %add3A_547 : vector<16xi32>
      %gather3A_549 = arith.constant 5 : i32
      %gather3A_550 = arith.constant 0 : i32
      %gather3A_551 = arith.constant 0 : i32
      %gather3A_552 = tpu.memref_slice %arg6[%gather3A_549, %gather3A_550, %gather3A_551] : memref<8x64x128xf32, #tpu.memory_space<vmem>> -> memref<1x64x128xf32, #tpu.memory_space<vmem>>
      %gather3A_553 = tpu.memref_squeeze %gather3A_552 : memref<1x64x128xf32, #tpu.memory_space<vmem>> -> memref<64x128xf32, #tpu.memory_space<vmem>>
      %gather3A_554 = tpu.vector_load_idx %gather3A_553[%add3A_548, %broadcast_in_dim3A_525] : memref<64x128xf32, #tpu.memory_space<vmem>>[vector<16xi32>, vector<16xi32>], vector<16xf32>,
      tpu.vector_store_idx %arg7[%add3A_548, %broadcast_in_dim3A_526], %gather3A_554 : memref<64x512xf32, #tpu.memory_space<vmem>>[vector<16xi32>, vector<16xi32>], vector<16xf32>,
      %add3A_555 = arith.constant 48 : i32
      %add3A_556 = vector.broadcast %add3A_555 : i32 to vector<16xi32>
      %add3A_557 = arith.addi %iota3A_527, %add3A_556 : vector<16xi32>
      %gather3A_558 = arith.constant 5 : i32
      %gather3A_559 = arith.constant 0 : i32
      %gather3A_560 = arith.constant 0 : i32
      %gather3A_561 = tpu.memref_slice %arg6[%gather3A_558, %gather3A_559, %gather3A_560] : memref<8x64x128xf32, #tpu.memory_space<vmem>> -> memref<1x64x128xf32, #tpu.memory_space<vmem>>
      %gather3A_562 = tpu.memref_squeeze %gather3A_561 : memref<1x64x128xf32, #tpu.memory_space<vmem>> -> memref<64x128xf32, #tpu.memory_space<vmem>>
      %gather3A_563 = tpu.vector_load_idx %gather3A_562[%add3A_557, %broadcast_in_dim3A_525] : memref<64x128xf32, #tpu.memory_space<vmem>>[vector<16xi32>, vector<16xi32>], vector<16xf32>,
      tpu.vector_store_idx %arg7[%add3A_557, %broadcast_in_dim3A_526], %gather3A_563 : memref<64x512xf32, #tpu.memory_space<vmem>>[vector<16xi32>, vector<16xi32>], vector<16xf32>,
      %slice3A_564 = vector.extract_strided_slice %scan3A_152 {offsets = [13], sizes = [1], strides = [1]} : vector<16xi32> to vector<1xi32>
      %squeeze3A_565 = vector.extract %slice3A_564[0] : i32 from vector<1xi32>
      %add3A_566 = arith.constant 8 : i32
      %add3A_567 = arith.addi %add3A_505, %add3A_566 : i32
      %lt3A_568 = arith.constant 512 : i32
      %lt3A_569 = arith.cmpi slt, %add3A_567, %lt3A_568 : i32
      %convert_element_type3A_570 = arith.extui %lt3A_569 : i1 to i32
      %cond3A_571 = arith.constant 0 : i32
      %cond3A_572 = arith.cmpi ne, %convert_element_type3A_570, %cond3A_571 : i32
      scf.if %cond3A_572 {
        %and3A_1290 = arith.constant -128 : i32
        %and3A_1291 = arith.andi %squeeze3A_565, %and3A_1290 : i32
        %multiple_of3A_1292 = tpu.assume_multiple %and3A_1291, 128 : i32
        %dma_start3A_1293 = arith.constant 5 : i32
        %dma_start3A_1294 = arith.constant 0 : i32
        %dma_start3A_1295 = arith.constant 0 : i32
        %dma_start3A_1296 = tpu.memref_slice %arg6[%dma_start3A_1293, %dma_start3A_1294, %dma_start3A_1295] : memref<8x64x128xf32, #tpu.memory_space<vmem>> -> memref<1x64x128xf32, #tpu.memory_space<vmem>>
        %dma_start3A_1297 = tpu.memref_squeeze %dma_start3A_1296 : memref<1x64x128xf32, #tpu.memory_space<vmem>> -> memref<64x128xf32, #tpu.memory_space<vmem>>
        %dma_start3A_1298 = arith.constant 0 : i32
        %dma_start3A_1299 = tpu.memref_slice %arg2[%dma_start3A_1298, %multiple_of3A_1292] : memref<64x1000000xf32, #tpu.memory_space<hbm>> -> memref<64x128xf32, #tpu.memory_space<hbm>>
        %dma_start3A_1300 = arith.constant 0 : i32
        %dma_start3A_1301 = arith.constant 0 : i32
        %dma_start3A_1302 = tpu.memref_slice %arg6[%dma_start3A_1293, %dma_start3A_1300, %dma_start3A_1301] : memref<8x64x128xf32, #tpu.memory_space<vmem>> -> memref<1x64x128xf32, #tpu.memory_space<vmem>>
        %dma_start3A_1303 = tpu.memref_squeeze %dma_start3A_1302 : memref<1x64x128xf32, #tpu.memory_space<vmem>> -> memref<64x128xf32, #tpu.memory_space<vmem>>
        %dma_start3A_1304 = arith.constant 0 : i32
        %dma_start3A_1305 = tpu.memref_slice %arg2[%dma_start3A_1304, %multiple_of3A_1292] : memref<64x1000000xf32, #tpu.memory_space<hbm>> -> memref<64x128xf32, #tpu.memory_space<hbm>>
        tpu.enqueue_dma source(%dma_start3A_1305 : memref<64x128xf32, #tpu.memory_space<hbm>>) target(%dma_start3A_1303 : memref<64x128xf32, #tpu.memory_space<vmem>>) target_semaphore(%arg13 : memref<!tpu.dma_semaphore, #tpu.memory_space<semaphore_mem>>)
      } else {
      }
      %mul3A_573 = arith.constant 16 : i32
      %mul3A_574 = arith.muli %scan3A_151, %mul3A_573 : i32
      %add3A_575 = arith.constant 6 : i32
      %add3A_576 = arith.addi %mul3A_574, %add3A_575 : i32
      %dma_wait3A_577 = arith.constant 6 : i32
      %dma_wait3A_578 = arith.constant 0 : i32
      %dma_wait3A_579 = arith.constant 0 : i32
      %dma_wait3A_580 = tpu.memref_slice %arg6[%dma_wait3A_577, %dma_wait3A_578, %dma_wait3A_579] : memref<8x64x128xf32, #tpu.memory_space<vmem>> -> memref<1x64x128xf32, #tpu.memory_space<vmem>>
      %dma_wait3A_581 = tpu.memref_squeeze %dma_wait3A_580 : memref<1x64x128xf32, #tpu.memory_space<vmem>> -> memref<64x128xf32, #tpu.memory_space<vmem>>
      %dma_wait3A_582 = arith.constant 0 : i32
      %dma_wait3A_583 = arith.constant 0 : i32
      %dma_wait3A_584 = tpu.memref_slice %arg2[%dma_wait3A_582, %dma_wait3A_583] : memref<64x1000000xf32, #tpu.memory_space<hbm>> -> memref<64x128xf32, #tpu.memory_space<hbm>>
      %dma_wait3A_585 = arith.constant 0 : i32
      %dma_wait3A_586 = arith.constant 0 : i32
      %dma_wait3A_587 = tpu.memref_slice %arg6[%dma_wait3A_577, %dma_wait3A_585, %dma_wait3A_586] : memref<8x64x128xf32, #tpu.memory_space<vmem>> -> memref<1x64x128xf32, #tpu.memory_space<vmem>>
      %dma_wait3A_588 = tpu.memref_squeeze %dma_wait3A_587 : memref<1x64x128xf32, #tpu.memory_space<vmem>> -> memref<64x128xf32, #tpu.memory_space<vmem>>
      %dma_wait3A_589 = arith.constant 0 : i32
      %dma_wait3A_590 = arith.constant 0 : i32
      %dma_wait3A_591 = tpu.memref_slice %arg2[%dma_wait3A_589, %dma_wait3A_590] : memref<64x1000000xf32, #tpu.memory_space<hbm>> -> memref<64x128xf32, #tpu.memory_space<hbm>>
      tpu.wait_dma2 semaphore(%arg14 : memref<!tpu.dma_semaphore, #tpu.memory_space<semaphore_mem>>) src(%dma_wait3A_591 : memref<64x128xf32, #tpu.memory_space<hbm>>) dst(%dma_wait3A_588 : memref<64x128xf32, #tpu.memory_space<vmem>>)
      %slice3A_592 = vector.extract_strided_slice %scan3A_152 {offsets = [6], sizes = [1], strides = [1]} : vector<16xi32> to vector<1xi32>
      %squeeze3A_593 = vector.extract %slice3A_592[0] : i32 from vector<1xi32>
      %and3A_594 = arith.constant 127 : i32
      %and3A_595 = arith.andi %squeeze3A_593, %and3A_594 : i32
      %broadcast_in_dim3A_596 = vector.broadcast %and3A_595 : i32 to vector<16xi32>
      %broadcast_in_dim3A_597 = vector.broadcast %add3A_576 : i32 to vector<16xi32>
      %iota3A_598 = tpu.iota {dimensions = array<i32: 0>} : vector<16xi32>
      %add3A_599 = arith.constant 0 : i32
      %add3A_600 = vector.broadcast %add3A_599 : i32 to vector<16xi32>
      %add3A_601 = arith.addi %iota3A_598, %add3A_600 : vector<16xi32>
      %gather3A_602 = arith.constant 6 : i32
      %gather3A_603 = arith.constant 0 : i32
      %gather3A_604 = arith.constant 0 : i32
      %gather3A_605 = tpu.memref_slice %arg6[%gather3A_602, %gather3A_603, %gather3A_604] : memref<8x64x128xf32, #tpu.memory_space<vmem>> -> memref<1x64x128xf32, #tpu.memory_space<vmem>>
      %gather3A_606 = tpu.memref_squeeze %gather3A_605 : memref<1x64x128xf32, #tpu.memory_space<vmem>> -> memref<64x128xf32, #tpu.memory_space<vmem>>
      %gather3A_607 = tpu.vector_load_idx %gather3A_606[%add3A_601, %broadcast_in_dim3A_596] : memref<64x128xf32, #tpu.memory_space<vmem>>[vector<16xi32>, vector<16xi32>], vector<16xf32>,
      tpu.vector_store_idx %arg7[%add3A_601, %broadcast_in_dim3A_597], %gather3A_607 : memref<64x512xf32, #tpu.memory_space<vmem>>[vector<16xi32>, vector<16xi32>], vector<16xf32>,
      %add3A_608 = arith.constant 16 : i32
      %add3A_609 = vector.broadcast %add3A_608 : i32 to vector<16xi32>
      %add3A_610 = arith.addi %iota3A_598, %add3A_609 : vector<16xi32>
      %gather3A_611 = arith.constant 6 : i32
      %gather3A_612 = arith.constant 0 : i32
      %gather3A_613 = arith.constant 0 : i32
      %gather3A_614 = tpu.memref_slice %arg6[%gather3A_611, %gather3A_612, %gather3A_613] : memref<8x64x128xf32, #tpu.memory_space<vmem>> -> memref<1x64x128xf32, #tpu.memory_space<vmem>>
      %gather3A_615 = tpu.memref_squeeze %gather3A_614 : memref<1x64x128xf32, #tpu.memory_space<vmem>> -> memref<64x128xf32, #tpu.memory_space<vmem>>
      %gather3A_616 = tpu.vector_load_idx %gather3A_615[%add3A_610, %broadcast_in_dim3A_596] : memref<64x128xf32, #tpu.memory_space<vmem>>[vector<16xi32>, vector<16xi32>], vector<16xf32>,
      tpu.vector_store_idx %arg7[%add3A_610, %broadcast_in_dim3A_597], %gather3A_616 : memref<64x512xf32, #tpu.memory_space<vmem>>[vector<16xi32>, vector<16xi32>], vector<16xf32>,
      %add3A_617 = arith.constant 32 : i32
      %add3A_618 = vector.broadcast %add3A_617 : i32 to vector<16xi32>
      %add3A_619 = arith.addi %iota3A_598, %add3A_618 : vector<16xi32>
      %gather3A_620 = arith.constant 6 : i32
      %gather3A_621 = arith.constant 0 : i32
      %gather3A_622 = arith.constant 0 : i32
      %gather3A_623 = tpu.memref_slice %arg6[%gather3A_620, %gather3A_621, %gather3A_622] : memref<8x64x128xf32, #tpu.memory_space<vmem>> -> memref<1x64x128xf32, #tpu.memory_space<vmem>>
      %gather3A_624 = tpu.memref_squeeze %gather3A_623 : memref<1x64x128xf32, #tpu.memory_space<vmem>> -> memref<64x128xf32, #tpu.memory_space<vmem>>
      %gather3A_625 = tpu.vector_load_idx %gather3A_624[%add3A_619, %broadcast_in_dim3A_596] : memref<64x128xf32, #tpu.memory_space<vmem>>[vector<16xi32>, vector<16xi32>], vector<16xf32>,
      tpu.vector_store_idx %arg7[%add3A_619, %broadcast_in_dim3A_597], %gather3A_625 : memref<64x512xf32, #tpu.memory_space<vmem>>[vector<16xi32>, vector<16xi32>], vector<16xf32>,
      %add3A_626 = arith.constant 48 : i32
      %add3A_627 = vector.broadcast %add3A_626 : i32 to vector<16xi32>
      %add3A_628 = arith.addi %iota3A_598, %add3A_627 : vector<16xi32>
      %gather3A_629 = arith.constant 6 : i32
      %gather3A_630 = arith.constant 0 : i32
      %gather3A_631 = arith.constant 0 : i32
      %gather3A_632 = tpu.memref_slice %arg6[%gather3A_629, %gather3A_630, %gather3A_631] : memref<8x64x128xf32, #tpu.memory_space<vmem>> -> memref<1x64x128xf32, #tpu.memory_space<vmem>>
      %gather3A_633 = tpu.memref_squeeze %gather3A_632 : memref<1x64x128xf32, #tpu.memory_space<vmem>> -> memref<64x128xf32, #tpu.memory_space<vmem>>
      %gather3A_634 = tpu.vector_load_idx %gather3A_633[%add3A_628, %broadcast_in_dim3A_596] : memref<64x128xf32, #tpu.memory_space<vmem>>[vector<16xi32>, vector<16xi32>], vector<16xf32>,
      tpu.vector_store_idx %arg7[%add3A_628, %broadcast_in_dim3A_597], %gather3A_634 : memref<64x512xf32, #tpu.memory_space<vmem>>[vector<16xi32>, vector<16xi32>], vector<16xf32>,
      %slice3A_635 = vector.extract_strided_slice %scan3A_152 {offsets = [14], sizes = [1], strides = [1]} : vector<16xi32> to vector<1xi32>
      %squeeze3A_636 = vector.extract %slice3A_635[0] : i32 from vector<1xi32>
      %add3A_637 = arith.constant 8 : i32
      %add3A_638 = arith.addi %add3A_576, %add3A_637 : i32
      %lt3A_639 = arith.constant 512 : i32
      %lt3A_640 = arith.cmpi slt, %add3A_638, %lt3A_639 : i32
      %convert_element_type3A_641 = arith.extui %lt3A_640 : i1 to i32
      %cond3A_642 = arith.constant 0 : i32
      %cond3A_643 = arith.cmpi ne, %convert_element_type3A_641, %cond3A_642 : i32
      scf.if %cond3A_643 {
        %and3A_1290 = arith.constant -128 : i32
        %and3A_1291 = arith.andi %squeeze3A_636, %and3A_1290 : i32
        %multiple_of3A_1292 = tpu.assume_multiple %and3A_1291, 128 : i32
        %dma_start3A_1293 = arith.constant 6 : i32
        %dma_start3A_1294 = arith.constant 0 : i32
        %dma_start3A_1295 = arith.constant 0 : i32
        %dma_start3A_1296 = tpu.memref_slice %arg6[%dma_start3A_1293, %dma_start3A_1294, %dma_start3A_1295] : memref<8x64x128xf32, #tpu.memory_space<vmem>> -> memref<1x64x128xf32, #tpu.memory_space<vmem>>
        %dma_start3A_1297 = tpu.memref_squeeze %dma_start3A_1296 : memref<1x64x128xf32, #tpu.memory_space<vmem>> -> memref<64x128xf32, #tpu.memory_space<vmem>>
        %dma_start3A_1298 = arith.constant 0 : i32
        %dma_start3A_1299 = tpu.memref_slice %arg2[%dma_start3A_1298, %multiple_of3A_1292] : memref<64x1000000xf32, #tpu.memory_space<hbm>> -> memref<64x128xf32, #tpu.memory_space<hbm>>
        %dma_start3A_1300 = arith.constant 0 : i32
        %dma_start3A_1301 = arith.constant 0 : i32
        %dma_start3A_1302 = tpu.memref_slice %arg6[%dma_start3A_1293, %dma_start3A_1300, %dma_start3A_1301] : memref<8x64x128xf32, #tpu.memory_space<vmem>> -> memref<1x64x128xf32, #tpu.memory_space<vmem>>
        %dma_start3A_1303 = tpu.memref_squeeze %dma_start3A_1302 : memref<1x64x128xf32, #tpu.memory_space<vmem>> -> memref<64x128xf32, #tpu.memory_space<vmem>>
        %dma_start3A_1304 = arith.constant 0 : i32
        %dma_start3A_1305 = tpu.memref_slice %arg2[%dma_start3A_1304, %multiple_of3A_1292] : memref<64x1000000xf32, #tpu.memory_space<hbm>> -> memref<64x128xf32, #tpu.memory_space<hbm>>
        tpu.enqueue_dma source(%dma_start3A_1305 : memref<64x128xf32, #tpu.memory_space<hbm>>) target(%dma_start3A_1303 : memref<64x128xf32, #tpu.memory_space<vmem>>) target_semaphore(%arg14 : memref<!tpu.dma_semaphore, #tpu.memory_space<semaphore_mem>>)
      } else {
      }
      %mul3A_644 = arith.constant 16 : i32
      %mul3A_645 = arith.muli %scan3A_151, %mul3A_644 : i32
      %add3A_646 = arith.constant 7 : i32
      %add3A_647 = arith.addi %mul3A_645, %add3A_646 : i32
      %dma_wait3A_648 = arith.constant 7 : i32
      %dma_wait3A_649 = arith.constant 0 : i32
      %dma_wait3A_650 = arith.constant 0 : i32
      %dma_wait3A_651 = tpu.memref_slice %arg6[%dma_wait3A_648, %dma_wait3A_649, %dma_wait3A_650] : memref<8x64x128xf32, #tpu.memory_space<vmem>> -> memref<1x64x128xf32, #tpu.memory_space<vmem>>
      %dma_wait3A_652 = tpu.memref_squeeze %dma_wait3A_651 : memref<1x64x128xf32, #tpu.memory_space<vmem>> -> memref<64x128xf32, #tpu.memory_space<vmem>>
      %dma_wait3A_653 = arith.constant 0 : i32
      %dma_wait3A_654 = arith.constant 0 : i32
      %dma_wait3A_655 = tpu.memref_slice %arg2[%dma_wait3A_653, %dma_wait3A_654] : memref<64x1000000xf32, #tpu.memory_space<hbm>> -> memref<64x128xf32, #tpu.memory_space<hbm>>
      %dma_wait3A_656 = arith.constant 0 : i32
      %dma_wait3A_657 = arith.constant 0 : i32
      %dma_wait3A_658 = tpu.memref_slice %arg6[%dma_wait3A_648, %dma_wait3A_656, %dma_wait3A_657] : memref<8x64x128xf32, #tpu.memory_space<vmem>> -> memref<1x64x128xf32, #tpu.memory_space<vmem>>
      %dma_wait3A_659 = tpu.memref_squeeze %dma_wait3A_658 : memref<1x64x128xf32, #tpu.memory_space<vmem>> -> memref<64x128xf32, #tpu.memory_space<vmem>>
      %dma_wait3A_660 = arith.constant 0 : i32
      %dma_wait3A_661 = arith.constant 0 : i32
      %dma_wait3A_662 = tpu.memref_slice %arg2[%dma_wait3A_660, %dma_wait3A_661] : memref<64x1000000xf32, #tpu.memory_space<hbm>> -> memref<64x128xf32, #tpu.memory_space<hbm>>
      tpu.wait_dma2 semaphore(%arg15 : memref<!tpu.dma_semaphore, #tpu.memory_space<semaphore_mem>>) src(%dma_wait3A_662 : memref<64x128xf32, #tpu.memory_space<hbm>>) dst(%dma_wait3A_659 : memref<64x128xf32, #tpu.memory_space<vmem>>)
      %slice3A_663 = vector.extract_strided_slice %scan3A_152 {offsets = [7], sizes = [1], strides = [1]} : vector<16xi32> to vector<1xi32>
      %squeeze3A_664 = vector.extract %slice3A_663[0] : i32 from vector<1xi32>
      %and3A_665 = arith.constant 127 : i32
      %and3A_666 = arith.andi %squeeze3A_664, %and3A_665 : i32
      %broadcast_in_dim3A_667 = vector.broadcast %and3A_666 : i32 to vector<16xi32>
      %broadcast_in_dim3A_668 = vector.broadcast %add3A_647 : i32 to vector<16xi32>
      %iota3A_669 = tpu.iota {dimensions = array<i32: 0>} : vector<16xi32>
      %add3A_670 = arith.constant 0 : i32
      %add3A_671 = vector.broadcast %add3A_670 : i32 to vector<16xi32>
      %add3A_672 = arith.addi %iota3A_669, %add3A_671 : vector<16xi32>
      %gather3A_673 = arith.constant 7 : i32
      %gather3A_674 = arith.constant 0 : i32
      %gather3A_675 = arith.constant 0 : i32
      %gather3A_676 = tpu.memref_slice %arg6[%gather3A_673, %gather3A_674, %gather3A_675] : memref<8x64x128xf32, #tpu.memory_space<vmem>> -> memref<1x64x128xf32, #tpu.memory_space<vmem>>
      %gather3A_677 = tpu.memref_squeeze %gather3A_676 : memref<1x64x128xf32, #tpu.memory_space<vmem>> -> memref<64x128xf32, #tpu.memory_space<vmem>>
      %gather3A_678 = tpu.vector_load_idx %gather3A_677[%add3A_672, %broadcast_in_dim3A_667] : memref<64x128xf32, #tpu.memory_space<vmem>>[vector<16xi32>, vector<16xi32>], vector<16xf32>,
      tpu.vector_store_idx %arg7[%add3A_672, %broadcast_in_dim3A_668], %gather3A_678 : memref<64x512xf32, #tpu.memory_space<vmem>>[vector<16xi32>, vector<16xi32>], vector<16xf32>,
      %add3A_679 = arith.constant 16 : i32
      %add3A_680 = vector.broadcast %add3A_679 : i32 to vector<16xi32>
      %add3A_681 = arith.addi %iota3A_669, %add3A_680 : vector<16xi32>
      %gather3A_682 = arith.constant 7 : i32
      %gather3A_683 = arith.constant 0 : i32
      %gather3A_684 = arith.constant 0 : i32
      %gather3A_685 = tpu.memref_slice %arg6[%gather3A_682, %gather3A_683, %gather3A_684] : memref<8x64x128xf32, #tpu.memory_space<vmem>> -> memref<1x64x128xf32, #tpu.memory_space<vmem>>
      %gather3A_686 = tpu.memref_squeeze %gather3A_685 : memref<1x64x128xf32, #tpu.memory_space<vmem>> -> memref<64x128xf32, #tpu.memory_space<vmem>>
      %gather3A_687 = tpu.vector_load_idx %gather3A_686[%add3A_681, %broadcast_in_dim3A_667] : memref<64x128xf32, #tpu.memory_space<vmem>>[vector<16xi32>, vector<16xi32>], vector<16xf32>,
      tpu.vector_store_idx %arg7[%add3A_681, %broadcast_in_dim3A_668], %gather3A_687 : memref<64x512xf32, #tpu.memory_space<vmem>>[vector<16xi32>, vector<16xi32>], vector<16xf32>,
      %add3A_688 = arith.constant 32 : i32
      %add3A_689 = vector.broadcast %add3A_688 : i32 to vector<16xi32>
      %add3A_690 = arith.addi %iota3A_669, %add3A_689 : vector<16xi32>
      %gather3A_691 = arith.constant 7 : i32
      %gather3A_692 = arith.constant 0 : i32
      %gather3A_693 = arith.constant 0 : i32
      %gather3A_694 = tpu.memref_slice %arg6[%gather3A_691, %gather3A_692, %gather3A_693] : memref<8x64x128xf32, #tpu.memory_space<vmem>> -> memref<1x64x128xf32, #tpu.memory_space<vmem>>
      %gather3A_695 = tpu.memref_squeeze %gather3A_694 : memref<1x64x128xf32, #tpu.memory_space<vmem>> -> memref<64x128xf32, #tpu.memory_space<vmem>>
      %gather3A_696 = tpu.vector_load_idx %gather3A_695[%add3A_690, %broadcast_in_dim3A_667] : memref<64x128xf32, #tpu.memory_space<vmem>>[vector<16xi32>, vector<16xi32>], vector<16xf32>,
      tpu.vector_store_idx %arg7[%add3A_690, %broadcast_in_dim3A_668], %gather3A_696 : memref<64x512xf32, #tpu.memory_space<vmem>>[vector<16xi32>, vector<16xi32>], vector<16xf32>,
      %add3A_697 = arith.constant 48 : i32
      %add3A_698 = vector.broadcast %add3A_697 : i32 to vector<16xi32>
      %add3A_699 = arith.addi %iota3A_669, %add3A_698 : vector<16xi32>
      %gather3A_700 = arith.constant 7 : i32
      %gather3A_701 = arith.constant 0 : i32
      %gather3A_702 = arith.constant 0 : i32
      %gather3A_703 = tpu.memref_slice %arg6[%gather3A_700, %gather3A_701, %gather3A_702] : memref<8x64x128xf32, #tpu.memory_space<vmem>> -> memref<1x64x128xf32, #tpu.memory_space<vmem>>
      %gather3A_704 = tpu.memref_squeeze %gather3A_703 : memref<1x64x128xf32, #tpu.memory_space<vmem>> -> memref<64x128xf32, #tpu.memory_space<vmem>>
      %gather3A_705 = tpu.vector_load_idx %gather3A_704[%add3A_699, %broadcast_in_dim3A_667] : memref<64x128xf32, #tpu.memory_space<vmem>>[vector<16xi32>, vector<16xi32>], vector<16xf32>,
      tpu.vector_store_idx %arg7[%add3A_699, %broadcast_in_dim3A_668], %gather3A_705 : memref<64x512xf32, #tpu.memory_space<vmem>>[vector<16xi32>, vector<16xi32>], vector<16xf32>,
      %slice3A_706 = vector.extract_strided_slice %scan3A_152 {offsets = [15], sizes = [1], strides = [1]} : vector<16xi32> to vector<1xi32>
      %squeeze3A_707 = vector.extract %slice3A_706[0] : i32 from vector<1xi32>
      %add3A_708 = arith.constant 8 : i32
      %add3A_709 = arith.addi %add3A_647, %add3A_708 : i32
      %lt3A_710 = arith.constant 512 : i32
      %lt3A_711 = arith.cmpi slt, %add3A_709, %lt3A_710 : i32
      %convert_element_type3A_712 = arith.extui %lt3A_711 : i1 to i32
      %cond3A_713 = arith.constant 0 : i32
      %cond3A_714 = arith.cmpi ne, %convert_element_type3A_712, %cond3A_713 : i32
      scf.if %cond3A_714 {
        %and3A_1290 = arith.constant -128 : i32
        %and3A_1291 = arith.andi %squeeze3A_707, %and3A_1290 : i32
        %multiple_of3A_1292 = tpu.assume_multiple %and3A_1291, 128 : i32
        %dma_start3A_1293 = arith.constant 7 : i32
        %dma_start3A_1294 = arith.constant 0 : i32
        %dma_start3A_1295 = arith.constant 0 : i32
        %dma_start3A_1296 = tpu.memref_slice %arg6[%dma_start3A_1293, %dma_start3A_1294, %dma_start3A_1295] : memref<8x64x128xf32, #tpu.memory_space<vmem>> -> memref<1x64x128xf32, #tpu.memory_space<vmem>>
        %dma_start3A_1297 = tpu.memref_squeeze %dma_start3A_1296 : memref<1x64x128xf32, #tpu.memory_space<vmem>> -> memref<64x128xf32, #tpu.memory_space<vmem>>
        %dma_start3A_1298 = arith.constant 0 : i32
        %dma_start3A_1299 = tpu.memref_slice %arg2[%dma_start3A_1298, %multiple_of3A_1292] : memref<64x1000000xf32, #tpu.memory_space<hbm>> -> memref<64x128xf32, #tpu.memory_space<hbm>>
        %dma_start3A_1300 = arith.constant 0 : i32
        %dma_start3A_1301 = arith.constant 0 : i32
        %dma_start3A_1302 = tpu.memref_slice %arg6[%dma_start3A_1293, %dma_start3A_1300, %dma_start3A_1301] : memref<8x64x128xf32, #tpu.memory_space<vmem>> -> memref<1x64x128xf32, #tpu.memory_space<vmem>>
        %dma_start3A_1303 = tpu.memref_squeeze %dma_start3A_1302 : memref<1x64x128xf32, #tpu.memory_space<vmem>> -> memref<64x128xf32, #tpu.memory_space<vmem>>
        %dma_start3A_1304 = arith.constant 0 : i32
        %dma_start3A_1305 = tpu.memref_slice %arg2[%dma_start3A_1304, %multiple_of3A_1292] : memref<64x1000000xf32, #tpu.memory_space<hbm>> -> memref<64x128xf32, #tpu.memory_space<hbm>>
        tpu.enqueue_dma source(%dma_start3A_1305 : memref<64x128xf32, #tpu.memory_space<hbm>>) target(%dma_start3A_1303 : memref<64x128xf32, #tpu.memory_space<vmem>>) target_semaphore(%arg15 : memref<!tpu.dma_semaphore, #tpu.memory_space<semaphore_mem>>)
      } else {
      }
      %mul3A_715 = arith.constant 16 : i32
      %mul3A_716 = arith.muli %scan3A_151, %mul3A_715 : i32
      %add3A_717 = arith.constant 8 : i32
      %add3A_718 = arith.addi %mul3A_716, %add3A_717 : i32
      %dma_wait3A_719 = arith.constant 0 : i32
      %dma_wait3A_720 = arith.constant 0 : i32
      %dma_wait3A_721 = arith.constant 0 : i32
      %dma_wait3A_722 = tpu.memref_slice %arg6[%dma_wait3A_719, %dma_wait3A_720, %dma_wait3A_721] : memref<8x64x128xf32, #tpu.memory_space<vmem>> -> memref<1x64x128xf32, #tpu.memory_space<vmem>>
      %dma_wait3A_723 = tpu.memref_squeeze %dma_wait3A_722 : memref<1x64x128xf32, #tpu.memory_space<vmem>> -> memref<64x128xf32, #tpu.memory_space<vmem>>
      %dma_wait3A_724 = arith.constant 0 : i32
      %dma_wait3A_725 = arith.constant 0 : i32
      %dma_wait3A_726 = tpu.memref_slice %arg2[%dma_wait3A_724, %dma_wait3A_725] : memref<64x1000000xf32, #tpu.memory_space<hbm>> -> memref<64x128xf32, #tpu.memory_space<hbm>>
      %dma_wait3A_727 = arith.constant 0 : i32
      %dma_wait3A_728 = arith.constant 0 : i32
      %dma_wait3A_729 = tpu.memref_slice %arg6[%dma_wait3A_719, %dma_wait3A_727, %dma_wait3A_728] : memref<8x64x128xf32, #tpu.memory_space<vmem>> -> memref<1x64x128xf32, #tpu.memory_space<vmem>>
      %dma_wait3A_730 = tpu.memref_squeeze %dma_wait3A_729 : memref<1x64x128xf32, #tpu.memory_space<vmem>> -> memref<64x128xf32, #tpu.memory_space<vmem>>
      %dma_wait3A_731 = arith.constant 0 : i32
      %dma_wait3A_732 = arith.constant 0 : i32
      %dma_wait3A_733 = tpu.memref_slice %arg2[%dma_wait3A_731, %dma_wait3A_732] : memref<64x1000000xf32, #tpu.memory_space<hbm>> -> memref<64x128xf32, #tpu.memory_space<hbm>>
      tpu.wait_dma2 semaphore(%arg8 : memref<!tpu.dma_semaphore, #tpu.memory_space<semaphore_mem>>) src(%dma_wait3A_733 : memref<64x128xf32, #tpu.memory_space<hbm>>) dst(%dma_wait3A_730 : memref<64x128xf32, #tpu.memory_space<vmem>>)
      %slice3A_734 = vector.extract_strided_slice %scan3A_152 {offsets = [8], sizes = [1], strides = [1]} : vector<16xi32> to vector<1xi32>
      %squeeze3A_735 = vector.extract %slice3A_734[0] : i32 from vector<1xi32>
      %and3A_736 = arith.constant 127 : i32
      %and3A_737 = arith.andi %squeeze3A_735, %and3A_736 : i32
      %broadcast_in_dim3A_738 = vector.broadcast %and3A_737 : i32 to vector<16xi32>
      %broadcast_in_dim3A_739 = vector.broadcast %add3A_718 : i32 to vector<16xi32>
      %iota3A_740 = tpu.iota {dimensions = array<i32: 0>} : vector<16xi32>
      %add3A_741 = arith.constant 0 : i32
      %add3A_742 = vector.broadcast %add3A_741 : i32 to vector<16xi32>
      %add3A_743 = arith.addi %iota3A_740, %add3A_742 : vector<16xi32>
      %gather3A_744 = arith.constant 0 : i32
      %gather3A_745 = arith.constant 0 : i32
      %gather3A_746 = arith.constant 0 : i32
      %gather3A_747 = tpu.memref_slice %arg6[%gather3A_744, %gather3A_745, %gather3A_746] : memref<8x64x128xf32, #tpu.memory_space<vmem>> -> memref<1x64x128xf32, #tpu.memory_space<vmem>>
      %gather3A_748 = tpu.memref_squeeze %gather3A_747 : memref<1x64x128xf32, #tpu.memory_space<vmem>> -> memref<64x128xf32, #tpu.memory_space<vmem>>
      %gather3A_749 = tpu.vector_load_idx %gather3A_748[%add3A_743, %broadcast_in_dim3A_738] : memref<64x128xf32, #tpu.memory_space<vmem>>[vector<16xi32>, vector<16xi32>], vector<16xf32>,
      tpu.vector_store_idx %arg7[%add3A_743, %broadcast_in_dim3A_739], %gather3A_749 : memref<64x512xf32, #tpu.memory_space<vmem>>[vector<16xi32>, vector<16xi32>], vector<16xf32>,
      %add3A_750 = arith.constant 16 : i32
      %add3A_751 = vector.broadcast %add3A_750 : i32 to vector<16xi32>
      %add3A_752 = arith.addi %iota3A_740, %add3A_751 : vector<16xi32>
      %gather3A_753 = arith.constant 0 : i32
      %gather3A_754 = arith.constant 0 : i32
      %gather3A_755 = arith.constant 0 : i32
      %gather3A_756 = tpu.memref_slice %arg6[%gather3A_753, %gather3A_754, %gather3A_755] : memref<8x64x128xf32, #tpu.memory_space<vmem>> -> memref<1x64x128xf32, #tpu.memory_space<vmem>>
      %gather3A_757 = tpu.memref_squeeze %gather3A_756 : memref<1x64x128xf32, #tpu.memory_space<vmem>> -> memref<64x128xf32, #tpu.memory_space<vmem>>
      %gather3A_758 = tpu.vector_load_idx %gather3A_757[%add3A_752, %broadcast_in_dim3A_738] : memref<64x128xf32, #tpu.memory_space<vmem>>[vector<16xi32>, vector<16xi32>], vector<16xf32>,
      tpu.vector_store_idx %arg7[%add3A_752, %broadcast_in_dim3A_739], %gather3A_758 : memref<64x512xf32, #tpu.memory_space<vmem>>[vector<16xi32>, vector<16xi32>], vector<16xf32>,
      %add3A_759 = arith.constant 32 : i32
      %add3A_760 = vector.broadcast %add3A_759 : i32 to vector<16xi32>
      %add3A_761 = arith.addi %iota3A_740, %add3A_760 : vector<16xi32>
      %gather3A_762 = arith.constant 0 : i32
      %gather3A_763 = arith.constant 0 : i32
      %gather3A_764 = arith.constant 0 : i32
      %gather3A_765 = tpu.memref_slice %arg6[%gather3A_762, %gather3A_763, %gather3A_764] : memref<8x64x128xf32, #tpu.memory_space<vmem>> -> memref<1x64x128xf32, #tpu.memory_space<vmem>>
      %gather3A_766 = tpu.memref_squeeze %gather3A_765 : memref<1x64x128xf32, #tpu.memory_space<vmem>> -> memref<64x128xf32, #tpu.memory_space<vmem>>
      %gather3A_767 = tpu.vector_load_idx %gather3A_766[%add3A_761, %broadcast_in_dim3A_738] : memref<64x128xf32, #tpu.memory_space<vmem>>[vector<16xi32>, vector<16xi32>], vector<16xf32>,
      tpu.vector_store_idx %arg7[%add3A_761, %broadcast_in_dim3A_739], %gather3A_767 : memref<64x512xf32, #tpu.memory_space<vmem>>[vector<16xi32>, vector<16xi32>], vector<16xf32>,
      %add3A_768 = arith.constant 48 : i32
      %add3A_769 = vector.broadcast %add3A_768 : i32 to vector<16xi32>
      %add3A_770 = arith.addi %iota3A_740, %add3A_769 : vector<16xi32>
      %gather3A_771 = arith.constant 0 : i32
      %gather3A_772 = arith.constant 0 : i32
      %gather3A_773 = arith.constant 0 : i32
      %gather3A_774 = tpu.memref_slice %arg6[%gather3A_771, %gather3A_772, %gather3A_773] : memref<8x64x128xf32, #tpu.memory_space<vmem>> -> memref<1x64x128xf32, #tpu.memory_space<vmem>>
      %gather3A_775 = tpu.memref_squeeze %gather3A_774 : memref<1x64x128xf32, #tpu.memory_space<vmem>> -> memref<64x128xf32, #tpu.memory_space<vmem>>
      %gather3A_776 = tpu.vector_load_idx %gather3A_775[%add3A_770, %broadcast_in_dim3A_738] : memref<64x128xf32, #tpu.memory_space<vmem>>[vector<16xi32>, vector<16xi32>], vector<16xf32>,
      tpu.vector_store_idx %arg7[%add3A_770, %broadcast_in_dim3A_739], %gather3A_776 : memref<64x512xf32, #tpu.memory_space<vmem>>[vector<16xi32>, vector<16xi32>], vector<16xf32>,
      %slice3A_777 = vector.extract_strided_slice %scan3A_153 {offsets = [0], sizes = [1], strides = [1]} : vector<16xi32> to vector<1xi32>
      %squeeze3A_778 = vector.extract %slice3A_777[0] : i32 from vector<1xi32>
      %add3A_779 = arith.constant 8 : i32
      %add3A_780 = arith.addi %add3A_718, %add3A_779 : i32
      %lt3A_781 = arith.constant 512 : i32
      %lt3A_782 = arith.cmpi slt, %add3A_780, %lt3A_781 : i32
      %convert_element_type3A_783 = arith.extui %lt3A_782 : i1 to i32
      %cond3A_784 = arith.constant 0 : i32
      %cond3A_785 = arith.cmpi ne, %convert_element_type3A_783, %cond3A_784 : i32
      scf.if %cond3A_785 {
        %and3A_1290 = arith.constant -128 : i32
        %and3A_1291 = arith.andi %squeeze3A_778, %and3A_1290 : i32
        %multiple_of3A_1292 = tpu.assume_multiple %and3A_1291, 128 : i32
        %dma_start3A_1293 = arith.constant 0 : i32
        %dma_start3A_1294 = arith.constant 0 : i32
        %dma_start3A_1295 = arith.constant 0 : i32
        %dma_start3A_1296 = tpu.memref_slice %arg6[%dma_start3A_1293, %dma_start3A_1294, %dma_start3A_1295] : memref<8x64x128xf32, #tpu.memory_space<vmem>> -> memref<1x64x128xf32, #tpu.memory_space<vmem>>
        %dma_start3A_1297 = tpu.memref_squeeze %dma_start3A_1296 : memref<1x64x128xf32, #tpu.memory_space<vmem>> -> memref<64x128xf32, #tpu.memory_space<vmem>>
        %dma_start3A_1298 = arith.constant 0 : i32
        %dma_start3A_1299 = tpu.memref_slice %arg2[%dma_start3A_1298, %multiple_of3A_1292] : memref<64x1000000xf32, #tpu.memory_space<hbm>> -> memref<64x128xf32, #tpu.memory_space<hbm>>
        %dma_start3A_1300 = arith.constant 0 : i32
        %dma_start3A_1301 = arith.constant 0 : i32
        %dma_start3A_1302 = tpu.memref_slice %arg6[%dma_start3A_1293, %dma_start3A_1300, %dma_start3A_1301] : memref<8x64x128xf32, #tpu.memory_space<vmem>> -> memref<1x64x128xf32, #tpu.memory_space<vmem>>
        %dma_start3A_1303 = tpu.memref_squeeze %dma_start3A_1302 : memref<1x64x128xf32, #tpu.memory_space<vmem>> -> memref<64x128xf32, #tpu.memory_space<vmem>>
        %dma_start3A_1304 = arith.constant 0 : i32
        %dma_start3A_1305 = tpu.memref_slice %arg2[%dma_start3A_1304, %multiple_of3A_1292] : memref<64x1000000xf32, #tpu.memory_space<hbm>> -> memref<64x128xf32, #tpu.memory_space<hbm>>
        tpu.enqueue_dma source(%dma_start3A_1305 : memref<64x128xf32, #tpu.memory_space<hbm>>) target(%dma_start3A_1303 : memref<64x128xf32, #tpu.memory_space<vmem>>) target_semaphore(%arg8 : memref<!tpu.dma_semaphore, #tpu.memory_space<semaphore_mem>>)
      } else {
      }
      %mul3A_786 = arith.constant 16 : i32
      %mul3A_787 = arith.muli %scan3A_151, %mul3A_786 : i32
      %add3A_788 = arith.constant 9 : i32
      %add3A_789 = arith.addi %mul3A_787, %add3A_788 : i32
      %dma_wait3A_790 = arith.constant 1 : i32
      %dma_wait3A_791 = arith.constant 0 : i32
      %dma_wait3A_792 = arith.constant 0 : i32
      %dma_wait3A_793 = tpu.memref_slice %arg6[%dma_wait3A_790, %dma_wait3A_791, %dma_wait3A_792] : memref<8x64x128xf32, #tpu.memory_space<vmem>> -> memref<1x64x128xf32, #tpu.memory_space<vmem>>
      %dma_wait3A_794 = tpu.memref_squeeze %dma_wait3A_793 : memref<1x64x128xf32, #tpu.memory_space<vmem>> -> memref<64x128xf32, #tpu.memory_space<vmem>>
      %dma_wait3A_795 = arith.constant 0 : i32
      %dma_wait3A_796 = arith.constant 0 : i32
      %dma_wait3A_797 = tpu.memref_slice %arg2[%dma_wait3A_795, %dma_wait3A_796] : memref<64x1000000xf32, #tpu.memory_space<hbm>> -> memref<64x128xf32, #tpu.memory_space<hbm>>
      %dma_wait3A_798 = arith.constant 0 : i32
      %dma_wait3A_799 = arith.constant 0 : i32
      %dma_wait3A_800 = tpu.memref_slice %arg6[%dma_wait3A_790, %dma_wait3A_798, %dma_wait3A_799] : memref<8x64x128xf32, #tpu.memory_space<vmem>> -> memref<1x64x128xf32, #tpu.memory_space<vmem>>
      %dma_wait3A_801 = tpu.memref_squeeze %dma_wait3A_800 : memref<1x64x128xf32, #tpu.memory_space<vmem>> -> memref<64x128xf32, #tpu.memory_space<vmem>>
      %dma_wait3A_802 = arith.constant 0 : i32
      %dma_wait3A_803 = arith.constant 0 : i32
      %dma_wait3A_804 = tpu.memref_slice %arg2[%dma_wait3A_802, %dma_wait3A_803] : memref<64x1000000xf32, #tpu.memory_space<hbm>> -> memref<64x128xf32, #tpu.memory_space<hbm>>
      tpu.wait_dma2 semaphore(%arg9 : memref<!tpu.dma_semaphore, #tpu.memory_space<semaphore_mem>>) src(%dma_wait3A_804 : memref<64x128xf32, #tpu.memory_space<hbm>>) dst(%dma_wait3A_801 : memref<64x128xf32, #tpu.memory_space<vmem>>)
      %slice3A_805 = vector.extract_strided_slice %scan3A_152 {offsets = [9], sizes = [1], strides = [1]} : vector<16xi32> to vector<1xi32>
      %squeeze3A_806 = vector.extract %slice3A_805[0] : i32 from vector<1xi32>
      %and3A_807 = arith.constant 127 : i32
      %and3A_808 = arith.andi %squeeze3A_806, %and3A_807 : i32
      %broadcast_in_dim3A_809 = vector.broadcast %and3A_808 : i32 to vector<16xi32>
      %broadcast_in_dim3A_810 = vector.broadcast %add3A_789 : i32 to vector<16xi32>
      %iota3A_811 = tpu.iota {dimensions = array<i32: 0>} : vector<16xi32>
      %add3A_812 = arith.constant 0 : i32
      %add3A_813 = vector.broadcast %add3A_812 : i32 to vector<16xi32>
      %add3A_814 = arith.addi %iota3A_811, %add3A_813 : vector<16xi32>
      %gather3A_815 = arith.constant 1 : i32
      %gather3A_816 = arith.constant 0 : i32
      %gather3A_817 = arith.constant 0 : i32
      %gather3A_818 = tpu.memref_slice %arg6[%gather3A_815, %gather3A_816, %gather3A_817] : memref<8x64x128xf32, #tpu.memory_space<vmem>> -> memref<1x64x128xf32, #tpu.memory_space<vmem>>
      %gather3A_819 = tpu.memref_squeeze %gather3A_818 : memref<1x64x128xf32, #tpu.memory_space<vmem>> -> memref<64x128xf32, #tpu.memory_space<vmem>>
      %gather3A_820 = tpu.vector_load_idx %gather3A_819[%add3A_814, %broadcast_in_dim3A_809] : memref<64x128xf32, #tpu.memory_space<vmem>>[vector<16xi32>, vector<16xi32>], vector<16xf32>,
      tpu.vector_store_idx %arg7[%add3A_814, %broadcast_in_dim3A_810], %gather3A_820 : memref<64x512xf32, #tpu.memory_space<vmem>>[vector<16xi32>, vector<16xi32>], vector<16xf32>,
      %add3A_821 = arith.constant 16 : i32
      %add3A_822 = vector.broadcast %add3A_821 : i32 to vector<16xi32>
      %add3A_823 = arith.addi %iota3A_811, %add3A_822 : vector<16xi32>
      %gather3A_824 = arith.constant 1 : i32
      %gather3A_825 = arith.constant 0 : i32
      %gather3A_826 = arith.constant 0 : i32
      %gather3A_827 = tpu.memref_slice %arg6[%gather3A_824, %gather3A_825, %gather3A_826] : memref<8x64x128xf32, #tpu.memory_space<vmem>> -> memref<1x64x128xf32, #tpu.memory_space<vmem>>
      %gather3A_828 = tpu.memref_squeeze %gather3A_827 : memref<1x64x128xf32, #tpu.memory_space<vmem>> -> memref<64x128xf32, #tpu.memory_space<vmem>>
      %gather3A_829 = tpu.vector_load_idx %gather3A_828[%add3A_823, %broadcast_in_dim3A_809] : memref<64x128xf32, #tpu.memory_space<vmem>>[vector<16xi32>, vector<16xi32>], vector<16xf32>,
      tpu.vector_store_idx %arg7[%add3A_823, %broadcast_in_dim3A_810], %gather3A_829 : memref<64x512xf32, #tpu.memory_space<vmem>>[vector<16xi32>, vector<16xi32>], vector<16xf32>,
      %add3A_830 = arith.constant 32 : i32
      %add3A_831 = vector.broadcast %add3A_830 : i32 to vector<16xi32>
      %add3A_832 = arith.addi %iota3A_811, %add3A_831 : vector<16xi32>
      %gather3A_833 = arith.constant 1 : i32
      %gather3A_834 = arith.constant 0 : i32
      %gather3A_835 = arith.constant 0 : i32
      %gather3A_836 = tpu.memref_slice %arg6[%gather3A_833, %gather3A_834, %gather3A_835] : memref<8x64x128xf32, #tpu.memory_space<vmem>> -> memref<1x64x128xf32, #tpu.memory_space<vmem>>
      %gather3A_837 = tpu.memref_squeeze %gather3A_836 : memref<1x64x128xf32, #tpu.memory_space<vmem>> -> memref<64x128xf32, #tpu.memory_space<vmem>>
      %gather3A_838 = tpu.vector_load_idx %gather3A_837[%add3A_832, %broadcast_in_dim3A_809] : memref<64x128xf32, #tpu.memory_space<vmem>>[vector<16xi32>, vector<16xi32>], vector<16xf32>,
      tpu.vector_store_idx %arg7[%add3A_832, %broadcast_in_dim3A_810], %gather3A_838 : memref<64x512xf32, #tpu.memory_space<vmem>>[vector<16xi32>, vector<16xi32>], vector<16xf32>,
      %add3A_839 = arith.constant 48 : i32
      %add3A_840 = vector.broadcast %add3A_839 : i32 to vector<16xi32>
      %add3A_841 = arith.addi %iota3A_811, %add3A_840 : vector<16xi32>
      %gather3A_842 = arith.constant 1 : i32
      %gather3A_843 = arith.constant 0 : i32
      %gather3A_844 = arith.constant 0 : i32
      %gather3A_845 = tpu.memref_slice %arg6[%gather3A_842, %gather3A_843, %gather3A_844] : memref<8x64x128xf32, #tpu.memory_space<vmem>> -> memref<1x64x128xf32, #tpu.memory_space<vmem>>
      %gather3A_846 = tpu.memref_squeeze %gather3A_845 : memref<1x64x128xf32, #tpu.memory_space<vmem>> -> memref<64x128xf32, #tpu.memory_space<vmem>>
      %gather3A_847 = tpu.vector_load_idx %gather3A_846[%add3A_841, %broadcast_in_dim3A_809] : memref<64x128xf32, #tpu.memory_space<vmem>>[vector<16xi32>, vector<16xi32>], vector<16xf32>,
      tpu.vector_store_idx %arg7[%add3A_841, %broadcast_in_dim3A_810], %gather3A_847 : memref<64x512xf32, #tpu.memory_space<vmem>>[vector<16xi32>, vector<16xi32>], vector<16xf32>,
      %slice3A_848 = vector.extract_strided_slice %scan3A_153 {offsets = [1], sizes = [1], strides = [1]} : vector<16xi32> to vector<1xi32>
      %squeeze3A_849 = vector.extract %slice3A_848[0] : i32 from vector<1xi32>
      %add3A_850 = arith.constant 8 : i32
      %add3A_851 = arith.addi %add3A_789, %add3A_850 : i32
      %lt3A_852 = arith.constant 512 : i32
      %lt3A_853 = arith.cmpi slt, %add3A_851, %lt3A_852 : i32
      %convert_element_type3A_854 = arith.extui %lt3A_853 : i1 to i32
      %cond3A_855 = arith.constant 0 : i32
      %cond3A_856 = arith.cmpi ne, %convert_element_type3A_854, %cond3A_855 : i32
      scf.if %cond3A_856 {
        %and3A_1290 = arith.constant -128 : i32
        %and3A_1291 = arith.andi %squeeze3A_849, %and3A_1290 : i32
        %multiple_of3A_1292 = tpu.assume_multiple %and3A_1291, 128 : i32
        %dma_start3A_1293 = arith.constant 1 : i32
        %dma_start3A_1294 = arith.constant 0 : i32
        %dma_start3A_1295 = arith.constant 0 : i32
        %dma_start3A_1296 = tpu.memref_slice %arg6[%dma_start3A_1293, %dma_start3A_1294, %dma_start3A_1295] : memref<8x64x128xf32, #tpu.memory_space<vmem>> -> memref<1x64x128xf32, #tpu.memory_space<vmem>>
        %dma_start3A_1297 = tpu.memref_squeeze %dma_start3A_1296 : memref<1x64x128xf32, #tpu.memory_space<vmem>> -> memref<64x128xf32, #tpu.memory_space<vmem>>
        %dma_start3A_1298 = arith.constant 0 : i32
        %dma_start3A_1299 = tpu.memref_slice %arg2[%dma_start3A_1298, %multiple_of3A_1292] : memref<64x1000000xf32, #tpu.memory_space<hbm>> -> memref<64x128xf32, #tpu.memory_space<hbm>>
        %dma_start3A_1300 = arith.constant 0 : i32
        %dma_start3A_1301 = arith.constant 0 : i32
        %dma_start3A_1302 = tpu.memref_slice %arg6[%dma_start3A_1293, %dma_start3A_1300, %dma_start3A_1301] : memref<8x64x128xf32, #tpu.memory_space<vmem>> -> memref<1x64x128xf32, #tpu.memory_space<vmem>>
        %dma_start3A_1303 = tpu.memref_squeeze %dma_start3A_1302 : memref<1x64x128xf32, #tpu.memory_space<vmem>> -> memref<64x128xf32, #tpu.memory_space<vmem>>
        %dma_start3A_1304 = arith.constant 0 : i32
        %dma_start3A_1305 = tpu.memref_slice %arg2[%dma_start3A_1304, %multiple_of3A_1292] : memref<64x1000000xf32, #tpu.memory_space<hbm>> -> memref<64x128xf32, #tpu.memory_space<hbm>>
        tpu.enqueue_dma source(%dma_start3A_1305 : memref<64x128xf32, #tpu.memory_space<hbm>>) target(%dma_start3A_1303 : memref<64x128xf32, #tpu.memory_space<vmem>>) target_semaphore(%arg9 : memref<!tpu.dma_semaphore, #tpu.memory_space<semaphore_mem>>)
      } else {
      }
      %mul3A_857 = arith.constant 16 : i32
      %mul3A_858 = arith.muli %scan3A_151, %mul3A_857 : i32
      %add3A_859 = arith.constant 10 : i32
      %add3A_860 = arith.addi %mul3A_858, %add3A_859 : i32
      %dma_wait3A_861 = arith.constant 2 : i32
      %dma_wait3A_862 = arith.constant 0 : i32
      %dma_wait3A_863 = arith.constant 0 : i32
      %dma_wait3A_864 = tpu.memref_slice %arg6[%dma_wait3A_861, %dma_wait3A_862, %dma_wait3A_863] : memref<8x64x128xf32, #tpu.memory_space<vmem>> -> memref<1x64x128xf32, #tpu.memory_space<vmem>>
      %dma_wait3A_865 = tpu.memref_squeeze %dma_wait3A_864 : memref<1x64x128xf32, #tpu.memory_space<vmem>> -> memref<64x128xf32, #tpu.memory_space<vmem>>
      %dma_wait3A_866 = arith.constant 0 : i32
      %dma_wait3A_867 = arith.constant 0 : i32
      %dma_wait3A_868 = tpu.memref_slice %arg2[%dma_wait3A_866, %dma_wait3A_867] : memref<64x1000000xf32, #tpu.memory_space<hbm>> -> memref<64x128xf32, #tpu.memory_space<hbm>>
      %dma_wait3A_869 = arith.constant 0 : i32
      %dma_wait3A_870 = arith.constant 0 : i32
      %dma_wait3A_871 = tpu.memref_slice %arg6[%dma_wait3A_861, %dma_wait3A_869, %dma_wait3A_870] : memref<8x64x128xf32, #tpu.memory_space<vmem>> -> memref<1x64x128xf32, #tpu.memory_space<vmem>>
      %dma_wait3A_872 = tpu.memref_squeeze %dma_wait3A_871 : memref<1x64x128xf32, #tpu.memory_space<vmem>> -> memref<64x128xf32, #tpu.memory_space<vmem>>
      %dma_wait3A_873 = arith.constant 0 : i32
      %dma_wait3A_874 = arith.constant 0 : i32
      %dma_wait3A_875 = tpu.memref_slice %arg2[%dma_wait3A_873, %dma_wait3A_874] : memref<64x1000000xf32, #tpu.memory_space<hbm>> -> memref<64x128xf32, #tpu.memory_space<hbm>>
      tpu.wait_dma2 semaphore(%arg10 : memref<!tpu.dma_semaphore, #tpu.memory_space<semaphore_mem>>) src(%dma_wait3A_875 : memref<64x128xf32, #tpu.memory_space<hbm>>) dst(%dma_wait3A_872 : memref<64x128xf32, #tpu.memory_space<vmem>>)
      %slice3A_876 = vector.extract_strided_slice %scan3A_152 {offsets = [10], sizes = [1], strides = [1]} : vector<16xi32> to vector<1xi32>
      %squeeze3A_877 = vector.extract %slice3A_876[0] : i32 from vector<1xi32>
      %and3A_878 = arith.constant 127 : i32
      %and3A_879 = arith.andi %squeeze3A_877, %and3A_878 : i32
      %broadcast_in_dim3A_880 = vector.broadcast %and3A_879 : i32 to vector<16xi32>
      %broadcast_in_dim3A_881 = vector.broadcast %add3A_860 : i32 to vector<16xi32>
      %iota3A_882 = tpu.iota {dimensions = array<i32: 0>} : vector<16xi32>
      %add3A_883 = arith.constant 0 : i32
      %add3A_884 = vector.broadcast %add3A_883 : i32 to vector<16xi32>
      %add3A_885 = arith.addi %iota3A_882, %add3A_884 : vector<16xi32>
      %gather3A_886 = arith.constant 2 : i32
      %gather3A_887 = arith.constant 0 : i32
      %gather3A_888 = arith.constant 0 : i32
      %gather3A_889 = tpu.memref_slice %arg6[%gather3A_886, %gather3A_887, %gather3A_888] : memref<8x64x128xf32, #tpu.memory_space<vmem>> -> memref<1x64x128xf32, #tpu.memory_space<vmem>>
      %gather3A_890 = tpu.memref_squeeze %gather3A_889 : memref<1x64x128xf32, #tpu.memory_space<vmem>> -> memref<64x128xf32, #tpu.memory_space<vmem>>
      %gather3A_891 = tpu.vector_load_idx %gather3A_890[%add3A_885, %broadcast_in_dim3A_880] : memref<64x128xf32, #tpu.memory_space<vmem>>[vector<16xi32>, vector<16xi32>], vector<16xf32>,
      tpu.vector_store_idx %arg7[%add3A_885, %broadcast_in_dim3A_881], %gather3A_891 : memref<64x512xf32, #tpu.memory_space<vmem>>[vector<16xi32>, vector<16xi32>], vector<16xf32>,
      %add3A_892 = arith.constant 16 : i32
      %add3A_893 = vector.broadcast %add3A_892 : i32 to vector<16xi32>
      %add3A_894 = arith.addi %iota3A_882, %add3A_893 : vector<16xi32>
      %gather3A_895 = arith.constant 2 : i32
      %gather3A_896 = arith.constant 0 : i32
      %gather3A_897 = arith.constant 0 : i32
      %gather3A_898 = tpu.memref_slice %arg6[%gather3A_895, %gather3A_896, %gather3A_897] : memref<8x64x128xf32, #tpu.memory_space<vmem>> -> memref<1x64x128xf32, #tpu.memory_space<vmem>>
      %gather3A_899 = tpu.memref_squeeze %gather3A_898 : memref<1x64x128xf32, #tpu.memory_space<vmem>> -> memref<64x128xf32, #tpu.memory_space<vmem>>
      %gather3A_900 = tpu.vector_load_idx %gather3A_899[%add3A_894, %broadcast_in_dim3A_880] : memref<64x128xf32, #tpu.memory_space<vmem>>[vector<16xi32>, vector<16xi32>], vector<16xf32>,
      tpu.vector_store_idx %arg7[%add3A_894, %broadcast_in_dim3A_881], %gather3A_900 : memref<64x512xf32, #tpu.memory_space<vmem>>[vector<16xi32>, vector<16xi32>], vector<16xf32>,
      %add3A_901 = arith.constant 32 : i32
      %add3A_902 = vector.broadcast %add3A_901 : i32 to vector<16xi32>
      %add3A_903 = arith.addi %iota3A_882, %add3A_902 : vector<16xi32>
      %gather3A_904 = arith.constant 2 : i32
      %gather3A_905 = arith.constant 0 : i32
      %gather3A_906 = arith.constant 0 : i32
      %gather3A_907 = tpu.memref_slice %arg6[%gather3A_904, %gather3A_905, %gather3A_906] : memref<8x64x128xf32, #tpu.memory_space<vmem>> -> memref<1x64x128xf32, #tpu.memory_space<vmem>>
      %gather3A_908 = tpu.memref_squeeze %gather3A_907 : memref<1x64x128xf32, #tpu.memory_space<vmem>> -> memref<64x128xf32, #tpu.memory_space<vmem>>
      %gather3A_909 = tpu.vector_load_idx %gather3A_908[%add3A_903, %broadcast_in_dim3A_880] : memref<64x128xf32, #tpu.memory_space<vmem>>[vector<16xi32>, vector<16xi32>], vector<16xf32>,
      tpu.vector_store_idx %arg7[%add3A_903, %broadcast_in_dim3A_881], %gather3A_909 : memref<64x512xf32, #tpu.memory_space<vmem>>[vector<16xi32>, vector<16xi32>], vector<16xf32>,
      %add3A_910 = arith.constant 48 : i32
      %add3A_911 = vector.broadcast %add3A_910 : i32 to vector<16xi32>
      %add3A_912 = arith.addi %iota3A_882, %add3A_911 : vector<16xi32>
      %gather3A_913 = arith.constant 2 : i32
      %gather3A_914 = arith.constant 0 : i32
      %gather3A_915 = arith.constant 0 : i32
      %gather3A_916 = tpu.memref_slice %arg6[%gather3A_913, %gather3A_914, %gather3A_915] : memref<8x64x128xf32, #tpu.memory_space<vmem>> -> memref<1x64x128xf32, #tpu.memory_space<vmem>>
      %gather3A_917 = tpu.memref_squeeze %gather3A_916 : memref<1x64x128xf32, #tpu.memory_space<vmem>> -> memref<64x128xf32, #tpu.memory_space<vmem>>
      %gather3A_918 = tpu.vector_load_idx %gather3A_917[%add3A_912, %broadcast_in_dim3A_880] : memref<64x128xf32, #tpu.memory_space<vmem>>[vector<16xi32>, vector<16xi32>], vector<16xf32>,
      tpu.vector_store_idx %arg7[%add3A_912, %broadcast_in_dim3A_881], %gather3A_918 : memref<64x512xf32, #tpu.memory_space<vmem>>[vector<16xi32>, vector<16xi32>], vector<16xf32>,
      %slice3A_919 = vector.extract_strided_slice %scan3A_153 {offsets = [2], sizes = [1], strides = [1]} : vector<16xi32> to vector<1xi32>
      %squeeze3A_920 = vector.extract %slice3A_919[0] : i32 from vector<1xi32>
      %add3A_921 = arith.constant 8 : i32
      %add3A_922 = arith.addi %add3A_860, %add3A_921 : i32
      %lt3A_923 = arith.constant 512 : i32
      %lt3A_924 = arith.cmpi slt, %add3A_922, %lt3A_923 : i32
      %convert_element_type3A_925 = arith.extui %lt3A_924 : i1 to i32
      %cond3A_926 = arith.constant 0 : i32
      %cond3A_927 = arith.cmpi ne, %convert_element_type3A_925, %cond3A_926 : i32
      scf.if %cond3A_927 {
        %and3A_1290 = arith.constant -128 : i32
        %and3A_1291 = arith.andi %squeeze3A_920, %and3A_1290 : i32
        %multiple_of3A_1292 = tpu.assume_multiple %and3A_1291, 128 : i32
        %dma_start3A_1293 = arith.constant 2 : i32
        %dma_start3A_1294 = arith.constant 0 : i32
        %dma_start3A_1295 = arith.constant 0 : i32
        %dma_start3A_1296 = tpu.memref_slice %arg6[%dma_start3A_1293, %dma_start3A_1294, %dma_start3A_1295] : memref<8x64x128xf32, #tpu.memory_space<vmem>> -> memref<1x64x128xf32, #tpu.memory_space<vmem>>
        %dma_start3A_1297 = tpu.memref_squeeze %dma_start3A_1296 : memref<1x64x128xf32, #tpu.memory_space<vmem>> -> memref<64x128xf32, #tpu.memory_space<vmem>>
        %dma_start3A_1298 = arith.constant 0 : i32
        %dma_start3A_1299 = tpu.memref_slice %arg2[%dma_start3A_1298, %multiple_of3A_1292] : memref<64x1000000xf32, #tpu.memory_space<hbm>> -> memref<64x128xf32, #tpu.memory_space<hbm>>
        %dma_start3A_1300 = arith.constant 0 : i32
        %dma_start3A_1301 = arith.constant 0 : i32
        %dma_start3A_1302 = tpu.memref_slice %arg6[%dma_start3A_1293, %dma_start3A_1300, %dma_start3A_1301] : memref<8x64x128xf32, #tpu.memory_space<vmem>> -> memref<1x64x128xf32, #tpu.memory_space<vmem>>
        %dma_start3A_1303 = tpu.memref_squeeze %dma_start3A_1302 : memref<1x64x128xf32, #tpu.memory_space<vmem>> -> memref<64x128xf32, #tpu.memory_space<vmem>>
        %dma_start3A_1304 = arith.constant 0 : i32
        %dma_start3A_1305 = tpu.memref_slice %arg2[%dma_start3A_1304, %multiple_of3A_1292] : memref<64x1000000xf32, #tpu.memory_space<hbm>> -> memref<64x128xf32, #tpu.memory_space<hbm>>
        tpu.enqueue_dma source(%dma_start3A_1305 : memref<64x128xf32, #tpu.memory_space<hbm>>) target(%dma_start3A_1303 : memref<64x128xf32, #tpu.memory_space<vmem>>) target_semaphore(%arg10 : memref<!tpu.dma_semaphore, #tpu.memory_space<semaphore_mem>>)
      } else {
      }
      %mul3A_928 = arith.constant 16 : i32
      %mul3A_929 = arith.muli %scan3A_151, %mul3A_928 : i32
      %add3A_930 = arith.constant 11 : i32
      %add3A_931 = arith.addi %mul3A_929, %add3A_930 : i32
      %dma_wait3A_932 = arith.constant 3 : i32
      %dma_wait3A_933 = arith.constant 0 : i32
      %dma_wait3A_934 = arith.constant 0 : i32
      %dma_wait3A_935 = tpu.memref_slice %arg6[%dma_wait3A_932, %dma_wait3A_933, %dma_wait3A_934] : memref<8x64x128xf32, #tpu.memory_space<vmem>> -> memref<1x64x128xf32, #tpu.memory_space<vmem>>
      %dma_wait3A_936 = tpu.memref_squeeze %dma_wait3A_935 : memref<1x64x128xf32, #tpu.memory_space<vmem>> -> memref<64x128xf32, #tpu.memory_space<vmem>>
      %dma_wait3A_937 = arith.constant 0 : i32
      %dma_wait3A_938 = arith.constant 0 : i32
      %dma_wait3A_939 = tpu.memref_slice %arg2[%dma_wait3A_937, %dma_wait3A_938] : memref<64x1000000xf32, #tpu.memory_space<hbm>> -> memref<64x128xf32, #tpu.memory_space<hbm>>
      %dma_wait3A_940 = arith.constant 0 : i32
      %dma_wait3A_941 = arith.constant 0 : i32
      %dma_wait3A_942 = tpu.memref_slice %arg6[%dma_wait3A_932, %dma_wait3A_940, %dma_wait3A_941] : memref<8x64x128xf32, #tpu.memory_space<vmem>> -> memref<1x64x128xf32, #tpu.memory_space<vmem>>
      %dma_wait3A_943 = tpu.memref_squeeze %dma_wait3A_942 : memref<1x64x128xf32, #tpu.memory_space<vmem>> -> memref<64x128xf32, #tpu.memory_space<vmem>>
      %dma_wait3A_944 = arith.constant 0 : i32
      %dma_wait3A_945 = arith.constant 0 : i32
      %dma_wait3A_946 = tpu.memref_slice %arg2[%dma_wait3A_944, %dma_wait3A_945] : memref<64x1000000xf32, #tpu.memory_space<hbm>> -> memref<64x128xf32, #tpu.memory_space<hbm>>
      tpu.wait_dma2 semaphore(%arg11 : memref<!tpu.dma_semaphore, #tpu.memory_space<semaphore_mem>>) src(%dma_wait3A_946 : memref<64x128xf32, #tpu.memory_space<hbm>>) dst(%dma_wait3A_943 : memref<64x128xf32, #tpu.memory_space<vmem>>)
      %slice3A_947 = vector.extract_strided_slice %scan3A_152 {offsets = [11], sizes = [1], strides = [1]} : vector<16xi32> to vector<1xi32>
      %squeeze3A_948 = vector.extract %slice3A_947[0] : i32 from vector<1xi32>
      %and3A_949 = arith.constant 127 : i32
      %and3A_950 = arith.andi %squeeze3A_948, %and3A_949 : i32
      %broadcast_in_dim3A_951 = vector.broadcast %and3A_950 : i32 to vector<16xi32>
      %broadcast_in_dim3A_952 = vector.broadcast %add3A_931 : i32 to vector<16xi32>
      %iota3A_953 = tpu.iota {dimensions = array<i32: 0>} : vector<16xi32>
      %add3A_954 = arith.constant 0 : i32
      %add3A_955 = vector.broadcast %add3A_954 : i32 to vector<16xi32>
      %add3A_956 = arith.addi %iota3A_953, %add3A_955 : vector<16xi32>
      %gather3A_957 = arith.constant 3 : i32
      %gather3A_958 = arith.constant 0 : i32
      %gather3A_959 = arith.constant 0 : i32
      %gather3A_960 = tpu.memref_slice %arg6[%gather3A_957, %gather3A_958, %gather3A_959] : memref<8x64x128xf32, #tpu.memory_space<vmem>> -> memref<1x64x128xf32, #tpu.memory_space<vmem>>
      %gather3A_961 = tpu.memref_squeeze %gather3A_960 : memref<1x64x128xf32, #tpu.memory_space<vmem>> -> memref<64x128xf32, #tpu.memory_space<vmem>>
      %gather3A_962 = tpu.vector_load_idx %gather3A_961[%add3A_956, %broadcast_in_dim3A_951] : memref<64x128xf32, #tpu.memory_space<vmem>>[vector<16xi32>, vector<16xi32>], vector<16xf32>,
      tpu.vector_store_idx %arg7[%add3A_956, %broadcast_in_dim3A_952], %gather3A_962 : memref<64x512xf32, #tpu.memory_space<vmem>>[vector<16xi32>, vector<16xi32>], vector<16xf32>,
      %add3A_963 = arith.constant 16 : i32
      %add3A_964 = vector.broadcast %add3A_963 : i32 to vector<16xi32>
      %add3A_965 = arith.addi %iota3A_953, %add3A_964 : vector<16xi32>
      %gather3A_966 = arith.constant 3 : i32
      %gather3A_967 = arith.constant 0 : i32
      %gather3A_968 = arith.constant 0 : i32
      %gather3A_969 = tpu.memref_slice %arg6[%gather3A_966, %gather3A_967, %gather3A_968] : memref<8x64x128xf32, #tpu.memory_space<vmem>> -> memref<1x64x128xf32, #tpu.memory_space<vmem>>
      %gather3A_970 = tpu.memref_squeeze %gather3A_969 : memref<1x64x128xf32, #tpu.memory_space<vmem>> -> memref<64x128xf32, #tpu.memory_space<vmem>>
      %gather3A_971 = tpu.vector_load_idx %gather3A_970[%add3A_965, %broadcast_in_dim3A_951] : memref<64x128xf32, #tpu.memory_space<vmem>>[vector<16xi32>, vector<16xi32>], vector<16xf32>,
      tpu.vector_store_idx %arg7[%add3A_965, %broadcast_in_dim3A_952], %gather3A_971 : memref<64x512xf32, #tpu.memory_space<vmem>>[vector<16xi32>, vector<16xi32>], vector<16xf32>,
      %add3A_972 = arith.constant 32 : i32
      %add3A_973 = vector.broadcast %add3A_972 : i32 to vector<16xi32>
      %add3A_974 = arith.addi %iota3A_953, %add3A_973 : vector<16xi32>
      %gather3A_975 = arith.constant 3 : i32
      %gather3A_976 = arith.constant 0 : i32
      %gather3A_977 = arith.constant 0 : i32
      %gather3A_978 = tpu.memref_slice %arg6[%gather3A_975, %gather3A_976, %gather3A_977] : memref<8x64x128xf32, #tpu.memory_space<vmem>> -> memref<1x64x128xf32, #tpu.memory_space<vmem>>
      %gather3A_979 = tpu.memref_squeeze %gather3A_978 : memref<1x64x128xf32, #tpu.memory_space<vmem>> -> memref<64x128xf32, #tpu.memory_space<vmem>>
      %gather3A_980 = tpu.vector_load_idx %gather3A_979[%add3A_974, %broadcast_in_dim3A_951] : memref<64x128xf32, #tpu.memory_space<vmem>>[vector<16xi32>, vector<16xi32>], vector<16xf32>,
      tpu.vector_store_idx %arg7[%add3A_974, %broadcast_in_dim3A_952], %gather3A_980 : memref<64x512xf32, #tpu.memory_space<vmem>>[vector<16xi32>, vector<16xi32>], vector<16xf32>,
      %add3A_981 = arith.constant 48 : i32
      %add3A_982 = vector.broadcast %add3A_981 : i32 to vector<16xi32>
      %add3A_983 = arith.addi %iota3A_953, %add3A_982 : vector<16xi32>
      %gather3A_984 = arith.constant 3 : i32
      %gather3A_985 = arith.constant 0 : i32
      %gather3A_986 = arith.constant 0 : i32
      %gather3A_987 = tpu.memref_slice %arg6[%gather3A_984, %gather3A_985, %gather3A_986] : memref<8x64x128xf32, #tpu.memory_space<vmem>> -> memref<1x64x128xf32, #tpu.memory_space<vmem>>
      %gather3A_988 = tpu.memref_squeeze %gather3A_987 : memref<1x64x128xf32, #tpu.memory_space<vmem>> -> memref<64x128xf32, #tpu.memory_space<vmem>>
      %gather3A_989 = tpu.vector_load_idx %gather3A_988[%add3A_983, %broadcast_in_dim3A_951] : memref<64x128xf32, #tpu.memory_space<vmem>>[vector<16xi32>, vector<16xi32>], vector<16xf32>,
      tpu.vector_store_idx %arg7[%add3A_983, %broadcast_in_dim3A_952], %gather3A_989 : memref<64x512xf32, #tpu.memory_space<vmem>>[vector<16xi32>, vector<16xi32>], vector<16xf32>,
      %slice3A_990 = vector.extract_strided_slice %scan3A_153 {offsets = [3], sizes = [1], strides = [1]} : vector<16xi32> to vector<1xi32>
      %squeeze3A_991 = vector.extract %slice3A_990[0] : i32 from vector<1xi32>
      %add3A_992 = arith.constant 8 : i32
      %add3A_993 = arith.addi %add3A_931, %add3A_992 : i32
      %lt3A_994 = arith.constant 512 : i32
      %lt3A_995 = arith.cmpi slt, %add3A_993, %lt3A_994 : i32
      %convert_element_type3A_996 = arith.extui %lt3A_995 : i1 to i32
      %cond3A_997 = arith.constant 0 : i32
      %cond3A_998 = arith.cmpi ne, %convert_element_type3A_996, %cond3A_997 : i32
      scf.if %cond3A_998 {
        %and3A_1290 = arith.constant -128 : i32
        %and3A_1291 = arith.andi %squeeze3A_991, %and3A_1290 : i32
        %multiple_of3A_1292 = tpu.assume_multiple %and3A_1291, 128 : i32
        %dma_start3A_1293 = arith.constant 3 : i32
        %dma_start3A_1294 = arith.constant 0 : i32
        %dma_start3A_1295 = arith.constant 0 : i32
        %dma_start3A_1296 = tpu.memref_slice %arg6[%dma_start3A_1293, %dma_start3A_1294, %dma_start3A_1295] : memref<8x64x128xf32, #tpu.memory_space<vmem>> -> memref<1x64x128xf32, #tpu.memory_space<vmem>>
        %dma_start3A_1297 = tpu.memref_squeeze %dma_start3A_1296 : memref<1x64x128xf32, #tpu.memory_space<vmem>> -> memref<64x128xf32, #tpu.memory_space<vmem>>
        %dma_start3A_1298 = arith.constant 0 : i32
        %dma_start3A_1299 = tpu.memref_slice %arg2[%dma_start3A_1298, %multiple_of3A_1292] : memref<64x1000000xf32, #tpu.memory_space<hbm>> -> memref<64x128xf32, #tpu.memory_space<hbm>>
        %dma_start3A_1300 = arith.constant 0 : i32
        %dma_start3A_1301 = arith.constant 0 : i32
        %dma_start3A_1302 = tpu.memref_slice %arg6[%dma_start3A_1293, %dma_start3A_1300, %dma_start3A_1301] : memref<8x64x128xf32, #tpu.memory_space<vmem>> -> memref<1x64x128xf32, #tpu.memory_space<vmem>>
        %dma_start3A_1303 = tpu.memref_squeeze %dma_start3A_1302 : memref<1x64x128xf32, #tpu.memory_space<vmem>> -> memref<64x128xf32, #tpu.memory_space<vmem>>
        %dma_start3A_1304 = arith.constant 0 : i32
        %dma_start3A_1305 = tpu.memref_slice %arg2[%dma_start3A_1304, %multiple_of3A_1292] : memref<64x1000000xf32, #tpu.memory_space<hbm>> -> memref<64x128xf32, #tpu.memory_space<hbm>>
        tpu.enqueue_dma source(%dma_start3A_1305 : memref<64x128xf32, #tpu.memory_space<hbm>>) target(%dma_start3A_1303 : memref<64x128xf32, #tpu.memory_space<vmem>>) target_semaphore(%arg11 : memref<!tpu.dma_semaphore, #tpu.memory_space<semaphore_mem>>)
      } else {
      }
      %mul3A_999 = arith.constant 16 : i32
      %mul3A_1000 = arith.muli %scan3A_151, %mul3A_999 : i32
      %add3A_1001 = arith.constant 12 : i32
      %add3A_1002 = arith.addi %mul3A_1000, %add3A_1001 : i32
      %dma_wait3A_1003 = arith.constant 4 : i32
      %dma_wait3A_1004 = arith.constant 0 : i32
      %dma_wait3A_1005 = arith.constant 0 : i32
      %dma_wait3A_1006 = tpu.memref_slice %arg6[%dma_wait3A_1003, %dma_wait3A_1004, %dma_wait3A_1005] : memref<8x64x128xf32, #tpu.memory_space<vmem>> -> memref<1x64x128xf32, #tpu.memory_space<vmem>>
      %dma_wait3A_1007 = tpu.memref_squeeze %dma_wait3A_1006 : memref<1x64x128xf32, #tpu.memory_space<vmem>> -> memref<64x128xf32, #tpu.memory_space<vmem>>
      %dma_wait3A_1008 = arith.constant 0 : i32
      %dma_wait3A_1009 = arith.constant 0 : i32
      %dma_wait3A_1010 = tpu.memref_slice %arg2[%dma_wait3A_1008, %dma_wait3A_1009] : memref<64x1000000xf32, #tpu.memory_space<hbm>> -> memref<64x128xf32, #tpu.memory_space<hbm>>
      %dma_wait3A_1011 = arith.constant 0 : i32
      %dma_wait3A_1012 = arith.constant 0 : i32
      %dma_wait3A_1013 = tpu.memref_slice %arg6[%dma_wait3A_1003, %dma_wait3A_1011, %dma_wait3A_1012] : memref<8x64x128xf32, #tpu.memory_space<vmem>> -> memref<1x64x128xf32, #tpu.memory_space<vmem>>
      %dma_wait3A_1014 = tpu.memref_squeeze %dma_wait3A_1013 : memref<1x64x128xf32, #tpu.memory_space<vmem>> -> memref<64x128xf32, #tpu.memory_space<vmem>>
      %dma_wait3A_1015 = arith.constant 0 : i32
      %dma_wait3A_1016 = arith.constant 0 : i32
      %dma_wait3A_1017 = tpu.memref_slice %arg2[%dma_wait3A_1015, %dma_wait3A_1016] : memref<64x1000000xf32, #tpu.memory_space<hbm>> -> memref<64x128xf32, #tpu.memory_space<hbm>>
      tpu.wait_dma2 semaphore(%arg12 : memref<!tpu.dma_semaphore, #tpu.memory_space<semaphore_mem>>) src(%dma_wait3A_1017 : memref<64x128xf32, #tpu.memory_space<hbm>>) dst(%dma_wait3A_1014 : memref<64x128xf32, #tpu.memory_space<vmem>>)
      %slice3A_1018 = vector.extract_strided_slice %scan3A_152 {offsets = [12], sizes = [1], strides = [1]} : vector<16xi32> to vector<1xi32>
      %squeeze3A_1019 = vector.extract %slice3A_1018[0] : i32 from vector<1xi32>
      %and3A_1020 = arith.constant 127 : i32
      %and3A_1021 = arith.andi %squeeze3A_1019, %and3A_1020 : i32
      %broadcast_in_dim3A_1022 = vector.broadcast %and3A_1021 : i32 to vector<16xi32>
      %broadcast_in_dim3A_1023 = vector.broadcast %add3A_1002 : i32 to vector<16xi32>
      %iota3A_1024 = tpu.iota {dimensions = array<i32: 0>} : vector<16xi32>
      %add3A_1025 = arith.constant 0 : i32
      %add3A_1026 = vector.broadcast %add3A_1025 : i32 to vector<16xi32>
      %add3A_1027 = arith.addi %iota3A_1024, %add3A_1026 : vector<16xi32>
      %gather3A_1028 = arith.constant 4 : i32
      %gather3A_1029 = arith.constant 0 : i32
      %gather3A_1030 = arith.constant 0 : i32
      %gather3A_1031 = tpu.memref_slice %arg6[%gather3A_1028, %gather3A_1029, %gather3A_1030] : memref<8x64x128xf32, #tpu.memory_space<vmem>> -> memref<1x64x128xf32, #tpu.memory_space<vmem>>
      %gather3A_1032 = tpu.memref_squeeze %gather3A_1031 : memref<1x64x128xf32, #tpu.memory_space<vmem>> -> memref<64x128xf32, #tpu.memory_space<vmem>>
      %gather3A_1033 = tpu.vector_load_idx %gather3A_1032[%add3A_1027, %broadcast_in_dim3A_1022] : memref<64x128xf32, #tpu.memory_space<vmem>>[vector<16xi32>, vector<16xi32>], vector<16xf32>,
      tpu.vector_store_idx %arg7[%add3A_1027, %broadcast_in_dim3A_1023], %gather3A_1033 : memref<64x512xf32, #tpu.memory_space<vmem>>[vector<16xi32>, vector<16xi32>], vector<16xf32>,
      %add3A_1034 = arith.constant 16 : i32
      %add3A_1035 = vector.broadcast %add3A_1034 : i32 to vector<16xi32>
      %add3A_1036 = arith.addi %iota3A_1024, %add3A_1035 : vector<16xi32>
      %gather3A_1037 = arith.constant 4 : i32
      %gather3A_1038 = arith.constant 0 : i32
      %gather3A_1039 = arith.constant 0 : i32
      %gather3A_1040 = tpu.memref_slice %arg6[%gather3A_1037, %gather3A_1038, %gather3A_1039] : memref<8x64x128xf32, #tpu.memory_space<vmem>> -> memref<1x64x128xf32, #tpu.memory_space<vmem>>
      %gather3A_1041 = tpu.memref_squeeze %gather3A_1040 : memref<1x64x128xf32, #tpu.memory_space<vmem>> -> memref<64x128xf32, #tpu.memory_space<vmem>>
      %gather3A_1042 = tpu.vector_load_idx %gather3A_1041[%add3A_1036, %broadcast_in_dim3A_1022] : memref<64x128xf32, #tpu.memory_space<vmem>>[vector<16xi32>, vector<16xi32>], vector<16xf32>,
      tpu.vector_store_idx %arg7[%add3A_1036, %broadcast_in_dim3A_1023], %gather3A_1042 : memref<64x512xf32, #tpu.memory_space<vmem>>[vector<16xi32>, vector<16xi32>], vector<16xf32>,
      %add3A_1043 = arith.constant 32 : i32
      %add3A_1044 = vector.broadcast %add3A_1043 : i32 to vector<16xi32>
      %add3A_1045 = arith.addi %iota3A_1024, %add3A_1044 : vector<16xi32>
      %gather3A_1046 = arith.constant 4 : i32
      %gather3A_1047 = arith.constant 0 : i32
      %gather3A_1048 = arith.constant 0 : i32
      %gather3A_1049 = tpu.memref_slice %arg6[%gather3A_1046, %gather3A_1047, %gather3A_1048] : memref<8x64x128xf32, #tpu.memory_space<vmem>> -> memref<1x64x128xf32, #tpu.memory_space<vmem>>
      %gather3A_1050 = tpu.memref_squeeze %gather3A_1049 : memref<1x64x128xf32, #tpu.memory_space<vmem>> -> memref<64x128xf32, #tpu.memory_space<vmem>>
      %gather3A_1051 = tpu.vector_load_idx %gather3A_1050[%add3A_1045, %broadcast_in_dim3A_1022] : memref<64x128xf32, #tpu.memory_space<vmem>>[vector<16xi32>, vector<16xi32>], vector<16xf32>,
      tpu.vector_store_idx %arg7[%add3A_1045, %broadcast_in_dim3A_1023], %gather3A_1051 : memref<64x512xf32, #tpu.memory_space<vmem>>[vector<16xi32>, vector<16xi32>], vector<16xf32>,
      %add3A_1052 = arith.constant 48 : i32
      %add3A_1053 = vector.broadcast %add3A_1052 : i32 to vector<16xi32>
      %add3A_1054 = arith.addi %iota3A_1024, %add3A_1053 : vector<16xi32>
      %gather3A_1055 = arith.constant 4 : i32
      %gather3A_1056 = arith.constant 0 : i32
      %gather3A_1057 = arith.constant 0 : i32
      %gather3A_1058 = tpu.memref_slice %arg6[%gather3A_1055, %gather3A_1056, %gather3A_1057] : memref<8x64x128xf32, #tpu.memory_space<vmem>> -> memref<1x64x128xf32, #tpu.memory_space<vmem>>
      %gather3A_1059 = tpu.memref_squeeze %gather3A_1058 : memref<1x64x128xf32, #tpu.memory_space<vmem>> -> memref<64x128xf32, #tpu.memory_space<vmem>>
      %gather3A_1060 = tpu.vector_load_idx %gather3A_1059[%add3A_1054, %broadcast_in_dim3A_1022] : memref<64x128xf32, #tpu.memory_space<vmem>>[vector<16xi32>, vector<16xi32>], vector<16xf32>,
      tpu.vector_store_idx %arg7[%add3A_1054, %broadcast_in_dim3A_1023], %gather3A_1060 : memref<64x512xf32, #tpu.memory_space<vmem>>[vector<16xi32>, vector<16xi32>], vector<16xf32>,
      %slice3A_1061 = vector.extract_strided_slice %scan3A_153 {offsets = [4], sizes = [1], strides = [1]} : vector<16xi32> to vector<1xi32>
      %squeeze3A_1062 = vector.extract %slice3A_1061[0] : i32 from vector<1xi32>
      %add3A_1063 = arith.constant 8 : i32
      %add3A_1064 = arith.addi %add3A_1002, %add3A_1063 : i32
      %lt3A_1065 = arith.constant 512 : i32
      %lt3A_1066 = arith.cmpi slt, %add3A_1064, %lt3A_1065 : i32
      %convert_element_type3A_1067 = arith.extui %lt3A_1066 : i1 to i32
      %cond3A_1068 = arith.constant 0 : i32
      %cond3A_1069 = arith.cmpi ne, %convert_element_type3A_1067, %cond3A_1068 : i32
      scf.if %cond3A_1069 {
        %and3A_1290 = arith.constant -128 : i32
        %and3A_1291 = arith.andi %squeeze3A_1062, %and3A_1290 : i32
        %multiple_of3A_1292 = tpu.assume_multiple %and3A_1291, 128 : i32
        %dma_start3A_1293 = arith.constant 4 : i32
        %dma_start3A_1294 = arith.constant 0 : i32
        %dma_start3A_1295 = arith.constant 0 : i32
        %dma_start3A_1296 = tpu.memref_slice %arg6[%dma_start3A_1293, %dma_start3A_1294, %dma_start3A_1295] : memref<8x64x128xf32, #tpu.memory_space<vmem>> -> memref<1x64x128xf32, #tpu.memory_space<vmem>>
        %dma_start3A_1297 = tpu.memref_squeeze %dma_start3A_1296 : memref<1x64x128xf32, #tpu.memory_space<vmem>> -> memref<64x128xf32, #tpu.memory_space<vmem>>
        %dma_start3A_1298 = arith.constant 0 : i32
        %dma_start3A_1299 = tpu.memref_slice %arg2[%dma_start3A_1298, %multiple_of3A_1292] : memref<64x1000000xf32, #tpu.memory_space<hbm>> -> memref<64x128xf32, #tpu.memory_space<hbm>>
        %dma_start3A_1300 = arith.constant 0 : i32
        %dma_start3A_1301 = arith.constant 0 : i32
        %dma_start3A_1302 = tpu.memref_slice %arg6[%dma_start3A_1293, %dma_start3A_1300, %dma_start3A_1301] : memref<8x64x128xf32, #tpu.memory_space<vmem>> -> memref<1x64x128xf32, #tpu.memory_space<vmem>>
        %dma_start3A_1303 = tpu.memref_squeeze %dma_start3A_1302 : memref<1x64x128xf32, #tpu.memory_space<vmem>> -> memref<64x128xf32, #tpu.memory_space<vmem>>
        %dma_start3A_1304 = arith.constant 0 : i32
        %dma_start3A_1305 = tpu.memref_slice %arg2[%dma_start3A_1304, %multiple_of3A_1292] : memref<64x1000000xf32, #tpu.memory_space<hbm>> -> memref<64x128xf32, #tpu.memory_space<hbm>>
        tpu.enqueue_dma source(%dma_start3A_1305 : memref<64x128xf32, #tpu.memory_space<hbm>>) target(%dma_start3A_1303 : memref<64x128xf32, #tpu.memory_space<vmem>>) target_semaphore(%arg12 : memref<!tpu.dma_semaphore, #tpu.memory_space<semaphore_mem>>)
      } else {
      }
      %mul3A_1070 = arith.constant 16 : i32
      %mul3A_1071 = arith.muli %scan3A_151, %mul3A_1070 : i32
      %add3A_1072 = arith.constant 13 : i32
      %add3A_1073 = arith.addi %mul3A_1071, %add3A_1072 : i32
      %dma_wait3A_1074 = arith.constant 5 : i32
      %dma_wait3A_1075 = arith.constant 0 : i32
      %dma_wait3A_1076 = arith.constant 0 : i32
      %dma_wait3A_1077 = tpu.memref_slice %arg6[%dma_wait3A_1074, %dma_wait3A_1075, %dma_wait3A_1076] : memref<8x64x128xf32, #tpu.memory_space<vmem>> -> memref<1x64x128xf32, #tpu.memory_space<vmem>>
      %dma_wait3A_1078 = tpu.memref_squeeze %dma_wait3A_1077 : memref<1x64x128xf32, #tpu.memory_space<vmem>> -> memref<64x128xf32, #tpu.memory_space<vmem>>
      %dma_wait3A_1079 = arith.constant 0 : i32
      %dma_wait3A_1080 = arith.constant 0 : i32
      %dma_wait3A_1081 = tpu.memref_slice %arg2[%dma_wait3A_1079, %dma_wait3A_1080] : memref<64x1000000xf32, #tpu.memory_space<hbm>> -> memref<64x128xf32, #tpu.memory_space<hbm>>
      %dma_wait3A_1082 = arith.constant 0 : i32
      %dma_wait3A_1083 = arith.constant 0 : i32
      %dma_wait3A_1084 = tpu.memref_slice %arg6[%dma_wait3A_1074, %dma_wait3A_1082, %dma_wait3A_1083] : memref<8x64x128xf32, #tpu.memory_space<vmem>> -> memref<1x64x128xf32, #tpu.memory_space<vmem>>
      %dma_wait3A_1085 = tpu.memref_squeeze %dma_wait3A_1084 : memref<1x64x128xf32, #tpu.memory_space<vmem>> -> memref<64x128xf32, #tpu.memory_space<vmem>>
      %dma_wait3A_1086 = arith.constant 0 : i32
      %dma_wait3A_1087 = arith.constant 0 : i32
      %dma_wait3A_1088 = tpu.memref_slice %arg2[%dma_wait3A_1086, %dma_wait3A_1087] : memref<64x1000000xf32, #tpu.memory_space<hbm>> -> memref<64x128xf32, #tpu.memory_space<hbm>>
      tpu.wait_dma2 semaphore(%arg13 : memref<!tpu.dma_semaphore, #tpu.memory_space<semaphore_mem>>) src(%dma_wait3A_1088 : memref<64x128xf32, #tpu.memory_space<hbm>>) dst(%dma_wait3A_1085 : memref<64x128xf32, #tpu.memory_space<vmem>>)
      %slice3A_1089 = vector.extract_strided_slice %scan3A_152 {offsets = [13], sizes = [1], strides = [1]} : vector<16xi32> to vector<1xi32>
      %squeeze3A_1090 = vector.extract %slice3A_1089[0] : i32 from vector<1xi32>
      %and3A_1091 = arith.constant 127 : i32
      %and3A_1092 = arith.andi %squeeze3A_1090, %and3A_1091 : i32
      %broadcast_in_dim3A_1093 = vector.broadcast %and3A_1092 : i32 to vector<16xi32>
      %broadcast_in_dim3A_1094 = vector.broadcast %add3A_1073 : i32 to vector<16xi32>
      %iota3A_1095 = tpu.iota {dimensions = array<i32: 0>} : vector<16xi32>
      %add3A_1096 = arith.constant 0 : i32
      %add3A_1097 = vector.broadcast %add3A_1096 : i32 to vector<16xi32>
      %add3A_1098 = arith.addi %iota3A_1095, %add3A_1097 : vector<16xi32>
      %gather3A_1099 = arith.constant 5 : i32
      %gather3A_1100 = arith.constant 0 : i32
      %gather3A_1101 = arith.constant 0 : i32
      %gather3A_1102 = tpu.memref_slice %arg6[%gather3A_1099, %gather3A_1100, %gather3A_1101] : memref<8x64x128xf32, #tpu.memory_space<vmem>> -> memref<1x64x128xf32, #tpu.memory_space<vmem>>
      %gather3A_1103 = tpu.memref_squeeze %gather3A_1102 : memref<1x64x128xf32, #tpu.memory_space<vmem>> -> memref<64x128xf32, #tpu.memory_space<vmem>>
      %gather3A_1104 = tpu.vector_load_idx %gather3A_1103[%add3A_1098, %broadcast_in_dim3A_1093] : memref<64x128xf32, #tpu.memory_space<vmem>>[vector<16xi32>, vector<16xi32>], vector<16xf32>,
      tpu.vector_store_idx %arg7[%add3A_1098, %broadcast_in_dim3A_1094], %gather3A_1104 : memref<64x512xf32, #tpu.memory_space<vmem>>[vector<16xi32>, vector<16xi32>], vector<16xf32>,
      %add3A_1105 = arith.constant 16 : i32
      %add3A_1106 = vector.broadcast %add3A_1105 : i32 to vector<16xi32>
      %add3A_1107 = arith.addi %iota3A_1095, %add3A_1106 : vector<16xi32>
      %gather3A_1108 = arith.constant 5 : i32
      %gather3A_1109 = arith.constant 0 : i32
      %gather3A_1110 = arith.constant 0 : i32
      %gather3A_1111 = tpu.memref_slice %arg6[%gather3A_1108, %gather3A_1109, %gather3A_1110] : memref<8x64x128xf32, #tpu.memory_space<vmem>> -> memref<1x64x128xf32, #tpu.memory_space<vmem>>
      %gather3A_1112 = tpu.memref_squeeze %gather3A_1111 : memref<1x64x128xf32, #tpu.memory_space<vmem>> -> memref<64x128xf32, #tpu.memory_space<vmem>>
      %gather3A_1113 = tpu.vector_load_idx %gather3A_1112[%add3A_1107, %broadcast_in_dim3A_1093] : memref<64x128xf32, #tpu.memory_space<vmem>>[vector<16xi32>, vector<16xi32>], vector<16xf32>,
      tpu.vector_store_idx %arg7[%add3A_1107, %broadcast_in_dim3A_1094], %gather3A_1113 : memref<64x512xf32, #tpu.memory_space<vmem>>[vector<16xi32>, vector<16xi32>], vector<16xf32>,
      %add3A_1114 = arith.constant 32 : i32
      %add3A_1115 = vector.broadcast %add3A_1114 : i32 to vector<16xi32>
      %add3A_1116 = arith.addi %iota3A_1095, %add3A_1115 : vector<16xi32>
      %gather3A_1117 = arith.constant 5 : i32
      %gather3A_1118 = arith.constant 0 : i32
      %gather3A_1119 = arith.constant 0 : i32
      %gather3A_1120 = tpu.memref_slice %arg6[%gather3A_1117, %gather3A_1118, %gather3A_1119] : memref<8x64x128xf32, #tpu.memory_space<vmem>> -> memref<1x64x128xf32, #tpu.memory_space<vmem>>
      %gather3A_1121 = tpu.memref_squeeze %gather3A_1120 : memref<1x64x128xf32, #tpu.memory_space<vmem>> -> memref<64x128xf32, #tpu.memory_space<vmem>>
      %gather3A_1122 = tpu.vector_load_idx %gather3A_1121[%add3A_1116, %broadcast_in_dim3A_1093] : memref<64x128xf32, #tpu.memory_space<vmem>>[vector<16xi32>, vector<16xi32>], vector<16xf32>,
      tpu.vector_store_idx %arg7[%add3A_1116, %broadcast_in_dim3A_1094], %gather3A_1122 : memref<64x512xf32, #tpu.memory_space<vmem>>[vector<16xi32>, vector<16xi32>], vector<16xf32>,
      %add3A_1123 = arith.constant 48 : i32
      %add3A_1124 = vector.broadcast %add3A_1123 : i32 to vector<16xi32>
      %add3A_1125 = arith.addi %iota3A_1095, %add3A_1124 : vector<16xi32>
      %gather3A_1126 = arith.constant 5 : i32
      %gather3A_1127 = arith.constant 0 : i32
      %gather3A_1128 = arith.constant 0 : i32
      %gather3A_1129 = tpu.memref_slice %arg6[%gather3A_1126, %gather3A_1127, %gather3A_1128] : memref<8x64x128xf32, #tpu.memory_space<vmem>> -> memref<1x64x128xf32, #tpu.memory_space<vmem>>
      %gather3A_1130 = tpu.memref_squeeze %gather3A_1129 : memref<1x64x128xf32, #tpu.memory_space<vmem>> -> memref<64x128xf32, #tpu.memory_space<vmem>>
      %gather3A_1131 = tpu.vector_load_idx %gather3A_1130[%add3A_1125, %broadcast_in_dim3A_1093] : memref<64x128xf32, #tpu.memory_space<vmem>>[vector<16xi32>, vector<16xi32>], vector<16xf32>,
      tpu.vector_store_idx %arg7[%add3A_1125, %broadcast_in_dim3A_1094], %gather3A_1131 : memref<64x512xf32, #tpu.memory_space<vmem>>[vector<16xi32>, vector<16xi32>], vector<16xf32>,
      %slice3A_1132 = vector.extract_strided_slice %scan3A_153 {offsets = [5], sizes = [1], strides = [1]} : vector<16xi32> to vector<1xi32>
      %squeeze3A_1133 = vector.extract %slice3A_1132[0] : i32 from vector<1xi32>
      %add3A_1134 = arith.constant 8 : i32
      %add3A_1135 = arith.addi %add3A_1073, %add3A_1134 : i32
      %lt3A_1136 = arith.constant 512 : i32
      %lt3A_1137 = arith.cmpi slt, %add3A_1135, %lt3A_1136 : i32
      %convert_element_type3A_1138 = arith.extui %lt3A_1137 : i1 to i32
      %cond3A_1139 = arith.constant 0 : i32
      %cond3A_1140 = arith.cmpi ne, %convert_element_type3A_1138, %cond3A_1139 : i32
      scf.if %cond3A_1140 {
        %and3A_1290 = arith.constant -128 : i32
        %and3A_1291 = arith.andi %squeeze3A_1133, %and3A_1290 : i32
        %multiple_of3A_1292 = tpu.assume_multiple %and3A_1291, 128 : i32
        %dma_start3A_1293 = arith.constant 5 : i32
        %dma_start3A_1294 = arith.constant 0 : i32
        %dma_start3A_1295 = arith.constant 0 : i32
        %dma_start3A_1296 = tpu.memref_slice %arg6[%dma_start3A_1293, %dma_start3A_1294, %dma_start3A_1295] : memref<8x64x128xf32, #tpu.memory_space<vmem>> -> memref<1x64x128xf32, #tpu.memory_space<vmem>>
        %dma_start3A_1297 = tpu.memref_squeeze %dma_start3A_1296 : memref<1x64x128xf32, #tpu.memory_space<vmem>> -> memref<64x128xf32, #tpu.memory_space<vmem>>
        %dma_start3A_1298 = arith.constant 0 : i32
        %dma_start3A_1299 = tpu.memref_slice %arg2[%dma_start3A_1298, %multiple_of3A_1292] : memref<64x1000000xf32, #tpu.memory_space<hbm>> -> memref<64x128xf32, #tpu.memory_space<hbm>>
        %dma_start3A_1300 = arith.constant 0 : i32
        %dma_start3A_1301 = arith.constant 0 : i32
        %dma_start3A_1302 = tpu.memref_slice %arg6[%dma_start3A_1293, %dma_start3A_1300, %dma_start3A_1301] : memref<8x64x128xf32, #tpu.memory_space<vmem>> -> memref<1x64x128xf32, #tpu.memory_space<vmem>>
        %dma_start3A_1303 = tpu.memref_squeeze %dma_start3A_1302 : memref<1x64x128xf32, #tpu.memory_space<vmem>> -> memref<64x128xf32, #tpu.memory_space<vmem>>
        %dma_start3A_1304 = arith.constant 0 : i32
        %dma_start3A_1305 = tpu.memref_slice %arg2[%dma_start3A_1304, %multiple_of3A_1292] : memref<64x1000000xf32, #tpu.memory_space<hbm>> -> memref<64x128xf32, #tpu.memory_space<hbm>>
        tpu.enqueue_dma source(%dma_start3A_1305 : memref<64x128xf32, #tpu.memory_space<hbm>>) target(%dma_start3A_1303 : memref<64x128xf32, #tpu.memory_space<vmem>>) target_semaphore(%arg13 : memref<!tpu.dma_semaphore, #tpu.memory_space<semaphore_mem>>)
      } else {
      }
      %mul3A_1141 = arith.constant 16 : i32
      %mul3A_1142 = arith.muli %scan3A_151, %mul3A_1141 : i32
      %add3A_1143 = arith.constant 14 : i32
      %add3A_1144 = arith.addi %mul3A_1142, %add3A_1143 : i32
      %dma_wait3A_1145 = arith.constant 6 : i32
      %dma_wait3A_1146 = arith.constant 0 : i32
      %dma_wait3A_1147 = arith.constant 0 : i32
      %dma_wait3A_1148 = tpu.memref_slice %arg6[%dma_wait3A_1145, %dma_wait3A_1146, %dma_wait3A_1147] : memref<8x64x128xf32, #tpu.memory_space<vmem>> -> memref<1x64x128xf32, #tpu.memory_space<vmem>>
      %dma_wait3A_1149 = tpu.memref_squeeze %dma_wait3A_1148 : memref<1x64x128xf32, #tpu.memory_space<vmem>> -> memref<64x128xf32, #tpu.memory_space<vmem>>
      %dma_wait3A_1150 = arith.constant 0 : i32
      %dma_wait3A_1151 = arith.constant 0 : i32
      %dma_wait3A_1152 = tpu.memref_slice %arg2[%dma_wait3A_1150, %dma_wait3A_1151] : memref<64x1000000xf32, #tpu.memory_space<hbm>> -> memref<64x128xf32, #tpu.memory_space<hbm>>
      %dma_wait3A_1153 = arith.constant 0 : i32
      %dma_wait3A_1154 = arith.constant 0 : i32
      %dma_wait3A_1155 = tpu.memref_slice %arg6[%dma_wait3A_1145, %dma_wait3A_1153, %dma_wait3A_1154] : memref<8x64x128xf32, #tpu.memory_space<vmem>> -> memref<1x64x128xf32, #tpu.memory_space<vmem>>
      %dma_wait3A_1156 = tpu.memref_squeeze %dma_wait3A_1155 : memref<1x64x128xf32, #tpu.memory_space<vmem>> -> memref<64x128xf32, #tpu.memory_space<vmem>>
      %dma_wait3A_1157 = arith.constant 0 : i32
      %dma_wait3A_1158 = arith.constant 0 : i32
      %dma_wait3A_1159 = tpu.memref_slice %arg2[%dma_wait3A_1157, %dma_wait3A_1158] : memref<64x1000000xf32, #tpu.memory_space<hbm>> -> memref<64x128xf32, #tpu.memory_space<hbm>>
      tpu.wait_dma2 semaphore(%arg14 : memref<!tpu.dma_semaphore, #tpu.memory_space<semaphore_mem>>) src(%dma_wait3A_1159 : memref<64x128xf32, #tpu.memory_space<hbm>>) dst(%dma_wait3A_1156 : memref<64x128xf32, #tpu.memory_space<vmem>>)
      %slice3A_1160 = vector.extract_strided_slice %scan3A_152 {offsets = [14], sizes = [1], strides = [1]} : vector<16xi32> to vector<1xi32>
      %squeeze3A_1161 = vector.extract %slice3A_1160[0] : i32 from vector<1xi32>
      %and3A_1162 = arith.constant 127 : i32
      %and3A_1163 = arith.andi %squeeze3A_1161, %and3A_1162 : i32
      %broadcast_in_dim3A_1164 = vector.broadcast %and3A_1163 : i32 to vector<16xi32>
      %broadcast_in_dim3A_1165 = vector.broadcast %add3A_1144 : i32 to vector<16xi32>
      %iota3A_1166 = tpu.iota {dimensions = array<i32: 0>} : vector<16xi32>
      %add3A_1167 = arith.constant 0 : i32
      %add3A_1168 = vector.broadcast %add3A_1167 : i32 to vector<16xi32>
      %add3A_1169 = arith.addi %iota3A_1166, %add3A_1168 : vector<16xi32>
      %gather3A_1170 = arith.constant 6 : i32
      %gather3A_1171 = arith.constant 0 : i32
      %gather3A_1172 = arith.constant 0 : i32
      %gather3A_1173 = tpu.memref_slice %arg6[%gather3A_1170, %gather3A_1171, %gather3A_1172] : memref<8x64x128xf32, #tpu.memory_space<vmem>> -> memref<1x64x128xf32, #tpu.memory_space<vmem>>
      %gather3A_1174 = tpu.memref_squeeze %gather3A_1173 : memref<1x64x128xf32, #tpu.memory_space<vmem>> -> memref<64x128xf32, #tpu.memory_space<vmem>>
      %gather3A_1175 = tpu.vector_load_idx %gather3A_1174[%add3A_1169, %broadcast_in_dim3A_1164] : memref<64x128xf32, #tpu.memory_space<vmem>>[vector<16xi32>, vector<16xi32>], vector<16xf32>,
      tpu.vector_store_idx %arg7[%add3A_1169, %broadcast_in_dim3A_1165], %gather3A_1175 : memref<64x512xf32, #tpu.memory_space<vmem>>[vector<16xi32>, vector<16xi32>], vector<16xf32>,
      %add3A_1176 = arith.constant 16 : i32
      %add3A_1177 = vector.broadcast %add3A_1176 : i32 to vector<16xi32>
      %add3A_1178 = arith.addi %iota3A_1166, %add3A_1177 : vector<16xi32>
      %gather3A_1179 = arith.constant 6 : i32
      %gather3A_1180 = arith.constant 0 : i32
      %gather3A_1181 = arith.constant 0 : i32
      %gather3A_1182 = tpu.memref_slice %arg6[%gather3A_1179, %gather3A_1180, %gather3A_1181] : memref<8x64x128xf32, #tpu.memory_space<vmem>> -> memref<1x64x128xf32, #tpu.memory_space<vmem>>
      %gather3A_1183 = tpu.memref_squeeze %gather3A_1182 : memref<1x64x128xf32, #tpu.memory_space<vmem>> -> memref<64x128xf32, #tpu.memory_space<vmem>>
      %gather3A_1184 = tpu.vector_load_idx %gather3A_1183[%add3A_1178, %broadcast_in_dim3A_1164] : memref<64x128xf32, #tpu.memory_space<vmem>>[vector<16xi32>, vector<16xi32>], vector<16xf32>,
      tpu.vector_store_idx %arg7[%add3A_1178, %broadcast_in_dim3A_1165], %gather3A_1184 : memref<64x512xf32, #tpu.memory_space<vmem>>[vector<16xi32>, vector<16xi32>], vector<16xf32>,
      %add3A_1185 = arith.constant 32 : i32
      %add3A_1186 = vector.broadcast %add3A_1185 : i32 to vector<16xi32>
      %add3A_1187 = arith.addi %iota3A_1166, %add3A_1186 : vector<16xi32>
      %gather3A_1188 = arith.constant 6 : i32
      %gather3A_1189 = arith.constant 0 : i32
      %gather3A_1190 = arith.constant 0 : i32
      %gather3A_1191 = tpu.memref_slice %arg6[%gather3A_1188, %gather3A_1189, %gather3A_1190] : memref<8x64x128xf32, #tpu.memory_space<vmem>> -> memref<1x64x128xf32, #tpu.memory_space<vmem>>
      %gather3A_1192 = tpu.memref_squeeze %gather3A_1191 : memref<1x64x128xf32, #tpu.memory_space<vmem>> -> memref<64x128xf32, #tpu.memory_space<vmem>>
      %gather3A_1193 = tpu.vector_load_idx %gather3A_1192[%add3A_1187, %broadcast_in_dim3A_1164] : memref<64x128xf32, #tpu.memory_space<vmem>>[vector<16xi32>, vector<16xi32>], vector<16xf32>,
      tpu.vector_store_idx %arg7[%add3A_1187, %broadcast_in_dim3A_1165], %gather3A_1193 : memref<64x512xf32, #tpu.memory_space<vmem>>[vector<16xi32>, vector<16xi32>], vector<16xf32>,
      %add3A_1194 = arith.constant 48 : i32
      %add3A_1195 = vector.broadcast %add3A_1194 : i32 to vector<16xi32>
      %add3A_1196 = arith.addi %iota3A_1166, %add3A_1195 : vector<16xi32>
      %gather3A_1197 = arith.constant 6 : i32
      %gather3A_1198 = arith.constant 0 : i32
      %gather3A_1199 = arith.constant 0 : i32
      %gather3A_1200 = tpu.memref_slice %arg6[%gather3A_1197, %gather3A_1198, %gather3A_1199] : memref<8x64x128xf32, #tpu.memory_space<vmem>> -> memref<1x64x128xf32, #tpu.memory_space<vmem>>
      %gather3A_1201 = tpu.memref_squeeze %gather3A_1200 : memref<1x64x128xf32, #tpu.memory_space<vmem>> -> memref<64x128xf32, #tpu.memory_space<vmem>>
      %gather3A_1202 = tpu.vector_load_idx %gather3A_1201[%add3A_1196, %broadcast_in_dim3A_1164] : memref<64x128xf32, #tpu.memory_space<vmem>>[vector<16xi32>, vector<16xi32>], vector<16xf32>,
      tpu.vector_store_idx %arg7[%add3A_1196, %broadcast_in_dim3A_1165], %gather3A_1202 : memref<64x512xf32, #tpu.memory_space<vmem>>[vector<16xi32>, vector<16xi32>], vector<16xf32>,
      %slice3A_1203 = vector.extract_strided_slice %scan3A_153 {offsets = [6], sizes = [1], strides = [1]} : vector<16xi32> to vector<1xi32>
      %squeeze3A_1204 = vector.extract %slice3A_1203[0] : i32 from vector<1xi32>
      %add3A_1205 = arith.constant 8 : i32
      %add3A_1206 = arith.addi %add3A_1144, %add3A_1205 : i32
      %lt3A_1207 = arith.constant 512 : i32
      %lt3A_1208 = arith.cmpi slt, %add3A_1206, %lt3A_1207 : i32
      %convert_element_type3A_1209 = arith.extui %lt3A_1208 : i1 to i32
      %cond3A_1210 = arith.constant 0 : i32
      %cond3A_1211 = arith.cmpi ne, %convert_element_type3A_1209, %cond3A_1210 : i32
      scf.if %cond3A_1211 {
        %and3A_1290 = arith.constant -128 : i32
        %and3A_1291 = arith.andi %squeeze3A_1204, %and3A_1290 : i32
        %multiple_of3A_1292 = tpu.assume_multiple %and3A_1291, 128 : i32
        %dma_start3A_1293 = arith.constant 6 : i32
        %dma_start3A_1294 = arith.constant 0 : i32
        %dma_start3A_1295 = arith.constant 0 : i32
        %dma_start3A_1296 = tpu.memref_slice %arg6[%dma_start3A_1293, %dma_start3A_1294, %dma_start3A_1295] : memref<8x64x128xf32, #tpu.memory_space<vmem>> -> memref<1x64x128xf32, #tpu.memory_space<vmem>>
        %dma_start3A_1297 = tpu.memref_squeeze %dma_start3A_1296 : memref<1x64x128xf32, #tpu.memory_space<vmem>> -> memref<64x128xf32, #tpu.memory_space<vmem>>
        %dma_start3A_1298 = arith.constant 0 : i32
        %dma_start3A_1299 = tpu.memref_slice %arg2[%dma_start3A_1298, %multiple_of3A_1292] : memref<64x1000000xf32, #tpu.memory_space<hbm>> -> memref<64x128xf32, #tpu.memory_space<hbm>>
        %dma_start3A_1300 = arith.constant 0 : i32
        %dma_start3A_1301 = arith.constant 0 : i32
        %dma_start3A_1302 = tpu.memref_slice %arg6[%dma_start3A_1293, %dma_start3A_1300, %dma_start3A_1301] : memref<8x64x128xf32, #tpu.memory_space<vmem>> -> memref<1x64x128xf32, #tpu.memory_space<vmem>>
        %dma_start3A_1303 = tpu.memref_squeeze %dma_start3A_1302 : memref<1x64x128xf32, #tpu.memory_space<vmem>> -> memref<64x128xf32, #tpu.memory_space<vmem>>
        %dma_start3A_1304 = arith.constant 0 : i32
        %dma_start3A_1305 = tpu.memref_slice %arg2[%dma_start3A_1304, %multiple_of3A_1292] : memref<64x1000000xf32, #tpu.memory_space<hbm>> -> memref<64x128xf32, #tpu.memory_space<hbm>>
        tpu.enqueue_dma source(%dma_start3A_1305 : memref<64x128xf32, #tpu.memory_space<hbm>>) target(%dma_start3A_1303 : memref<64x128xf32, #tpu.memory_space<vmem>>) target_semaphore(%arg14 : memref<!tpu.dma_semaphore, #tpu.memory_space<semaphore_mem>>)
      } else {
      }
      %mul3A_1212 = arith.constant 16 : i32
      %mul3A_1213 = arith.muli %scan3A_151, %mul3A_1212 : i32
      %add3A_1214 = arith.constant 15 : i32
      %add3A_1215 = arith.addi %mul3A_1213, %add3A_1214 : i32
      %dma_wait3A_1216 = arith.constant 7 : i32
      %dma_wait3A_1217 = arith.constant 0 : i32
      %dma_wait3A_1218 = arith.constant 0 : i32
      %dma_wait3A_1219 = tpu.memref_slice %arg6[%dma_wait3A_1216, %dma_wait3A_1217, %dma_wait3A_1218] : memref<8x64x128xf32, #tpu.memory_space<vmem>> -> memref<1x64x128xf32, #tpu.memory_space<vmem>>
      %dma_wait3A_1220 = tpu.memref_squeeze %dma_wait3A_1219 : memref<1x64x128xf32, #tpu.memory_space<vmem>> -> memref<64x128xf32, #tpu.memory_space<vmem>>
      %dma_wait3A_1221 = arith.constant 0 : i32
      %dma_wait3A_1222 = arith.constant 0 : i32
      %dma_wait3A_1223 = tpu.memref_slice %arg2[%dma_wait3A_1221, %dma_wait3A_1222] : memref<64x1000000xf32, #tpu.memory_space<hbm>> -> memref<64x128xf32, #tpu.memory_space<hbm>>
      %dma_wait3A_1224 = arith.constant 0 : i32
      %dma_wait3A_1225 = arith.constant 0 : i32
      %dma_wait3A_1226 = tpu.memref_slice %arg6[%dma_wait3A_1216, %dma_wait3A_1224, %dma_wait3A_1225] : memref<8x64x128xf32, #tpu.memory_space<vmem>> -> memref<1x64x128xf32, #tpu.memory_space<vmem>>
      %dma_wait3A_1227 = tpu.memref_squeeze %dma_wait3A_1226 : memref<1x64x128xf32, #tpu.memory_space<vmem>> -> memref<64x128xf32, #tpu.memory_space<vmem>>
      %dma_wait3A_1228 = arith.constant 0 : i32
      %dma_wait3A_1229 = arith.constant 0 : i32
      %dma_wait3A_1230 = tpu.memref_slice %arg2[%dma_wait3A_1228, %dma_wait3A_1229] : memref<64x1000000xf32, #tpu.memory_space<hbm>> -> memref<64x128xf32, #tpu.memory_space<hbm>>
      tpu.wait_dma2 semaphore(%arg15 : memref<!tpu.dma_semaphore, #tpu.memory_space<semaphore_mem>>) src(%dma_wait3A_1230 : memref<64x128xf32, #tpu.memory_space<hbm>>) dst(%dma_wait3A_1227 : memref<64x128xf32, #tpu.memory_space<vmem>>)
      %slice3A_1231 = vector.extract_strided_slice %scan3A_152 {offsets = [15], sizes = [1], strides = [1]} : vector<16xi32> to vector<1xi32>
      %squeeze3A_1232 = vector.extract %slice3A_1231[0] : i32 from vector<1xi32>
      %and3A_1233 = arith.constant 127 : i32
      %and3A_1234 = arith.andi %squeeze3A_1232, %and3A_1233 : i32
      %broadcast_in_dim3A_1235 = vector.broadcast %and3A_1234 : i32 to vector<16xi32>
      %broadcast_in_dim3A_1236 = vector.broadcast %add3A_1215 : i32 to vector<16xi32>
      %iota3A_1237 = tpu.iota {dimensions = array<i32: 0>} : vector<16xi32>
      %add3A_1238 = arith.constant 0 : i32
      %add3A_1239 = vector.broadcast %add3A_1238 : i32 to vector<16xi32>
      %add3A_1240 = arith.addi %iota3A_1237, %add3A_1239 : vector<16xi32>
      %gather3A_1241 = arith.constant 7 : i32
      %gather3A_1242 = arith.constant 0 : i32
      %gather3A_1243 = arith.constant 0 : i32
      %gather3A_1244 = tpu.memref_slice %arg6[%gather3A_1241, %gather3A_1242, %gather3A_1243] : memref<8x64x128xf32, #tpu.memory_space<vmem>> -> memref<1x64x128xf32, #tpu.memory_space<vmem>>
      %gather3A_1245 = tpu.memref_squeeze %gather3A_1244 : memref<1x64x128xf32, #tpu.memory_space<vmem>> -> memref<64x128xf32, #tpu.memory_space<vmem>>
      %gather3A_1246 = tpu.vector_load_idx %gather3A_1245[%add3A_1240, %broadcast_in_dim3A_1235] : memref<64x128xf32, #tpu.memory_space<vmem>>[vector<16xi32>, vector<16xi32>], vector<16xf32>,
      tpu.vector_store_idx %arg7[%add3A_1240, %broadcast_in_dim3A_1236], %gather3A_1246 : memref<64x512xf32, #tpu.memory_space<vmem>>[vector<16xi32>, vector<16xi32>], vector<16xf32>,
      %add3A_1247 = arith.constant 16 : i32
      %add3A_1248 = vector.broadcast %add3A_1247 : i32 to vector<16xi32>
      %add3A_1249 = arith.addi %iota3A_1237, %add3A_1248 : vector<16xi32>
      %gather3A_1250 = arith.constant 7 : i32
      %gather3A_1251 = arith.constant 0 : i32
      %gather3A_1252 = arith.constant 0 : i32
      %gather3A_1253 = tpu.memref_slice %arg6[%gather3A_1250, %gather3A_1251, %gather3A_1252] : memref<8x64x128xf32, #tpu.memory_space<vmem>> -> memref<1x64x128xf32, #tpu.memory_space<vmem>>
      %gather3A_1254 = tpu.memref_squeeze %gather3A_1253 : memref<1x64x128xf32, #tpu.memory_space<vmem>> -> memref<64x128xf32, #tpu.memory_space<vmem>>
      %gather3A_1255 = tpu.vector_load_idx %gather3A_1254[%add3A_1249, %broadcast_in_dim3A_1235] : memref<64x128xf32, #tpu.memory_space<vmem>>[vector<16xi32>, vector<16xi32>], vector<16xf32>,
      tpu.vector_store_idx %arg7[%add3A_1249, %broadcast_in_dim3A_1236], %gather3A_1255 : memref<64x512xf32, #tpu.memory_space<vmem>>[vector<16xi32>, vector<16xi32>], vector<16xf32>,
      %add3A_1256 = arith.constant 32 : i32
      %add3A_1257 = vector.broadcast %add3A_1256 : i32 to vector<16xi32>
      %add3A_1258 = arith.addi %iota3A_1237, %add3A_1257 : vector<16xi32>
      %gather3A_1259 = arith.constant 7 : i32
      %gather3A_1260 = arith.constant 0 : i32
      %gather3A_1261 = arith.constant 0 : i32
      %gather3A_1262 = tpu.memref_slice %arg6[%gather3A_1259, %gather3A_1260, %gather3A_1261] : memref<8x64x128xf32, #tpu.memory_space<vmem>> -> memref<1x64x128xf32, #tpu.memory_space<vmem>>
      %gather3A_1263 = tpu.memref_squeeze %gather3A_1262 : memref<1x64x128xf32, #tpu.memory_space<vmem>> -> memref<64x128xf32, #tpu.memory_space<vmem>>
      %gather3A_1264 = tpu.vector_load_idx %gather3A_1263[%add3A_1258, %broadcast_in_dim3A_1235] : memref<64x128xf32, #tpu.memory_space<vmem>>[vector<16xi32>, vector<16xi32>], vector<16xf32>,
      tpu.vector_store_idx %arg7[%add3A_1258, %broadcast_in_dim3A_1236], %gather3A_1264 : memref<64x512xf32, #tpu.memory_space<vmem>>[vector<16xi32>, vector<16xi32>], vector<16xf32>,
      %add3A_1265 = arith.constant 48 : i32
      %add3A_1266 = vector.broadcast %add3A_1265 : i32 to vector<16xi32>
      %add3A_1267 = arith.addi %iota3A_1237, %add3A_1266 : vector<16xi32>
      %gather3A_1268 = arith.constant 7 : i32
      %gather3A_1269 = arith.constant 0 : i32
      %gather3A_1270 = arith.constant 0 : i32
      %gather3A_1271 = tpu.memref_slice %arg6[%gather3A_1268, %gather3A_1269, %gather3A_1270] : memref<8x64x128xf32, #tpu.memory_space<vmem>> -> memref<1x64x128xf32, #tpu.memory_space<vmem>>
      %gather3A_1272 = tpu.memref_squeeze %gather3A_1271 : memref<1x64x128xf32, #tpu.memory_space<vmem>> -> memref<64x128xf32, #tpu.memory_space<vmem>>
      %gather3A_1273 = tpu.vector_load_idx %gather3A_1272[%add3A_1267, %broadcast_in_dim3A_1235] : memref<64x128xf32, #tpu.memory_space<vmem>>[vector<16xi32>, vector<16xi32>], vector<16xf32>,
      tpu.vector_store_idx %arg7[%add3A_1267, %broadcast_in_dim3A_1236], %gather3A_1273 : memref<64x512xf32, #tpu.memory_space<vmem>>[vector<16xi32>, vector<16xi32>], vector<16xf32>,
      %slice3A_1274 = vector.extract_strided_slice %scan3A_153 {offsets = [7], sizes = [1], strides = [1]} : vector<16xi32> to vector<1xi32>
      %squeeze3A_1275 = vector.extract %slice3A_1274[0] : i32 from vector<1xi32>
      %add3A_1276 = arith.constant 8 : i32
      %add3A_1277 = arith.addi %add3A_1215, %add3A_1276 : i32
      %lt3A_1278 = arith.constant 512 : i32
      %lt3A_1279 = arith.cmpi slt, %add3A_1277, %lt3A_1278 : i32
      %convert_element_type3A_1280 = arith.extui %lt3A_1279 : i1 to i32
      %cond3A_1281 = arith.constant 0 : i32
      %cond3A_1282 = arith.cmpi ne, %convert_element_type3A_1280, %cond3A_1281 : i32
      scf.if %cond3A_1282 {
        %and3A_1290 = arith.constant -128 : i32
        %and3A_1291 = arith.andi %squeeze3A_1275, %and3A_1290 : i32
        %multiple_of3A_1292 = tpu.assume_multiple %and3A_1291, 128 : i32
        %dma_start3A_1293 = arith.constant 7 : i32
        %dma_start3A_1294 = arith.constant 0 : i32
        %dma_start3A_1295 = arith.constant 0 : i32
        %dma_start3A_1296 = tpu.memref_slice %arg6[%dma_start3A_1293, %dma_start3A_1294, %dma_start3A_1295] : memref<8x64x128xf32, #tpu.memory_space<vmem>> -> memref<1x64x128xf32, #tpu.memory_space<vmem>>
        %dma_start3A_1297 = tpu.memref_squeeze %dma_start3A_1296 : memref<1x64x128xf32, #tpu.memory_space<vmem>> -> memref<64x128xf32, #tpu.memory_space<vmem>>
        %dma_start3A_1298 = arith.constant 0 : i32
        %dma_start3A_1299 = tpu.memref_slice %arg2[%dma_start3A_1298, %multiple_of3A_1292] : memref<64x1000000xf32, #tpu.memory_space<hbm>> -> memref<64x128xf32, #tpu.memory_space<hbm>>
        %dma_start3A_1300 = arith.constant 0 : i32
        %dma_start3A_1301 = arith.constant 0 : i32
        %dma_start3A_1302 = tpu.memref_slice %arg6[%dma_start3A_1293, %dma_start3A_1300, %dma_start3A_1301] : memref<8x64x128xf32, #tpu.memory_space<vmem>> -> memref<1x64x128xf32, #tpu.memory_space<vmem>>
        %dma_start3A_1303 = tpu.memref_squeeze %dma_start3A_1302 : memref<1x64x128xf32, #tpu.memory_space<vmem>> -> memref<64x128xf32, #tpu.memory_space<vmem>>
        %dma_start3A_1304 = arith.constant 0 : i32
        %dma_start3A_1305 = tpu.memref_slice %arg2[%dma_start3A_1304, %multiple_of3A_1292] : memref<64x1000000xf32, #tpu.memory_space<hbm>> -> memref<64x128xf32, #tpu.memory_space<hbm>>
        tpu.enqueue_dma source(%dma_start3A_1305 : memref<64x128xf32, #tpu.memory_space<hbm>>) target(%dma_start3A_1303 : memref<64x128xf32, #tpu.memory_space<vmem>>) target_semaphore(%arg15 : memref<!tpu.dma_semaphore, #tpu.memory_space<semaphore_mem>>)
      } else {
      }
      %add3A_1283 = arith.constant 2 : i32
      %add3A_1284 = arith.addi %scan3A_151, %add3A_1283 : i32
      %mul3A_1285 = arith.constant 16 : i32
      %mul3A_1286 = arith.muli %add3A_1284, %mul3A_1285 : i32
      %min3A = arith.constant 496 : i32
      %min3A_1287 = arith.minsi %mul3A_1286, %min3A : i32
      %get3A_1288 = arith.index_cast %min3A_1287 : i32 to index
      %get3A_1289 = tpu.vector_load %arg5[%get3A_1288] {strides = array<i32>} : memref<512xi32, #tpu.memory_space<vmem>>, vector<16xi32>,
      scf.yield %scan3A_153, %get3A_1289 : vector<16xi32>, vector<16xi32>
    }
    %scan3A_150 = arith.constant 32 : i32
    "tpu.region"() ({
      %run_scoped3A = tpu.sem_alloc : memref<!tpu.dma_semaphore, #tpu.memory_space<semaphore_mem>>
      %dma_start3A_151 = arith.constant 0 : i32
      %dma_start3A_152 = tpu.memref_slice %arg4[%dma_start3A_151, %multiple_of3A] : memref<64x16384xf32, #tpu.memory_space<hbm>> -> memref<64x512xf32, #tpu.memory_space<hbm>>
      %dma_start3A_153 = arith.constant 0 : i32
      %dma_start3A_154 = tpu.memref_slice %arg4[%dma_start3A_153, %multiple_of3A] : memref<64x16384xf32, #tpu.memory_space<hbm>> -> memref<64x512xf32, #tpu.memory_space<hbm>>
      tpu.enqueue_dma source(%arg7 : memref<64x512xf32, #tpu.memory_space<vmem>>) target(%dma_start3A_154 : memref<64x512xf32, #tpu.memory_space<hbm>>) target_semaphore(%run_scoped3A : memref<!tpu.dma_semaphore, #tpu.memory_space<semaphore_mem>>)
      %dma_wait3A = arith.constant 0 : i32
      %dma_wait3A_155 = tpu.memref_slice %arg4[%dma_wait3A, %multiple_of3A] : memref<64x16384xf32, #tpu.memory_space<hbm>> -> memref<64x512xf32, #tpu.memory_space<hbm>>
      %dma_wait3A_156 = arith.constant 0 : i32
      %dma_wait3A_157 = tpu.memref_slice %arg4[%dma_wait3A_156, %multiple_of3A] : memref<64x16384xf32, #tpu.memory_space<hbm>> -> memref<64x512xf32, #tpu.memory_space<hbm>>
      tpu.wait_dma2 semaphore(%run_scoped3A : memref<!tpu.dma_semaphore, #tpu.memory_space<semaphore_mem>>) src(%arg7 : memref<64x512xf32, #tpu.memory_space<vmem>>) dst(%dma_wait3A_157 : memref<64x512xf32, #tpu.memory_space<hbm>>)
      tpu.yield
    }) : () -> ()
    return
  }
}

</mosaic_0001>

<sc_bundles>
// kernel: kernel.3.cloned.1.call-start
scs
__scs_entry_jumppad:
0x0: {  	(pc) =	sbr.rel $0x88, $3  }
0x1: {  	(tag) =	ssettag $0x0;
	lr =	simm.s32 $0x1  }
0x2: {  	[smem:$0x3F9F] =	sst lr;
	_ =	strace $0xD0000000  }
0x3: {  	_ = 	snop  }
0x4: {  	_ = 	snop  }
0x5: {  	_ = 	snop  }
0x6: {  	_ = 	snop  }
0x7: {  	_ = 	snop  }
__scs_overlays_trampoline_lowered:
0x8: {  	[smem:$0x3FAE] =	sst s0  }
0x9: {  	[smem:$0x3FAF] =	sst s1  }
0xa: {  	[smem:$0x3FB0] =	sst s2  }
0xb: {  	[smem:$0x3FB1] =	sst s3  }
0xc: {  	[smem:$0x3FB2] =	sst s4  }
0xd: {  	[smem:$0x3FB3] =	sst s5  }
0xe: {  	[smem:$0x3FB4] =	sst s6  }
0xf: {  	[smem:$0x3FB5] =	sst s7  }
0x10: {  	[smem:$0x3FB6] =	sst s8  }
0x11: {  	[smem:$0x3FB7] =	sst s9;
	s0 =	simm.s32 @!p0 $0x0  }
0x12: {  	s1 =	sld [smem:$0x3F9D];
	s0 =	simm.s32 @p0 $0x1  }
0x13: {  	[smem:$0x3FB8] =	sst s0;
	s0 =	simm.s32 @!p1 $0x0  }
0x14: {  	s2 =	sld [smem:$0x3F9C];
	s0 =	simm.s32 @p1 $0x1  }
0x15: {  	[smem:$0x3FB9] =	sst s0;
	s0 =	simm.s32 @!p2 $0x0  }
0x16: {  	s3 =	sld [smem:$0x3FDB];
	s0 =	simm.s32 @p2 $0x1  }
0x17: {  	s4 =	simm.s32 $0x1BF5;
	[smem:$0x3FBB] =	sst s0  }
0x18: {  	s0 =	sld [smem:$0x3F9E];
	_ =	swait.ge [sflag:s4], $0x0  }
0x19: {  	s7 =	sld [smem:$0x3F9F]  }
0x1a: {  	s8 =	sadd.s32 $0xFFFFE003, lr  }
0x1b: {  	s9 =	sadd.s32 $0xFFFFFEF7, lr;
	s5 =	simm.s32 $0xFFFFFFFF;
	p2 =	slt.u32 s8, $0xFFFFF086  }
0x1c: {  	p1 =	slt.u32 s9, $0xF7A;
	s5 =	simm.s32 @!p2 $0x0  }
0x1d: {  	s5 =	simm.s32 @p1 $0x1;
	p0 =	seq.s32 s7, s2  }
0x1e: {  	s7 =	smul.u32 @!p0 $0xF7A, s2;
	p2 =	seq.s32 @!p0 s5, $0x0  }
0x1f: {  	s9 =	smul.u32 $0xF7A, s1;
	s8 =	simm.s32 @!p0 $0x1BF5;
	p2 =	por !p2, p0  }
0x20: {  	[sflag:s8] =	ssyncset.s32 @!p0 $0xFFFFF086;
	s6 =	sadd.s32 @!p0 s3, s7;
	s7 =	simm.s32 @!p0 $0x108  }
0x21: {  	s3 =	sadd.s32 s3, s9;
	s6 =	sadd.s32 @!p0 $0x88, s6;
	s7 =	simm.s32 @p2 $0x1082  }
0x22: {  	[simem:s7], [sflag:s8] =	dma.local @!p0 [hbm:s6], $0xF7A  }
0x23: {  	s9 =	sor.u32 $0xD0000000, s2;
	s6 =	simm.s32 $0x108;
	_ =	swait.ge @!p0 [sflag:s8], $0x0  }
0x24: {  	s3 =	sadd.s32 $0x88, s3;
	s6 =	simm.s32 @!p1 $0x1082;
	[sflag:s4] =	ssyncset.s32 $0xFFFFF086  }
0x25: {  	[simem:s6], [sflag:s4] =	dma.local [hbm:s3], $0xF7A  }
0x26: {  	[smem:$0x3F9F] =	sst s1;
	(tag) =	ssettag s2;
	_ =	strace s9  }
0x27: {  	s1 =	sld [smem:$0x3FAF]  }
0x28: {  	s2 =	sld [smem:$0x3FB0]  }
0x29: {  	s4 =	sld [smem:$0x3FB2]  }
0x2a: {  	p0 =	seq.s32 s5, $0x0;
	s5 =	sld [smem:$0x3FB3]  }
0x2b: {  	s6 =	sld [smem:$0x3FB4]  }
0x2c: {  	s7 =	sld [smem:$0x3FB5]  }
0x2d: {  	s3 =	simm.s32 $0x108;
	s8 =	sld [smem:$0x3FB6]  }
0x2e: {  	s3 =	simm.s32 @!p0 $0x1082;
	s9 =	sld [smem:$0x3FB7]  }
0x2f: {  	lr =	sadd.s32 s0, s3;
	s0 =	sld [smem:$0x3FAE]  }
0x30: {  	s3 =	sld [smem:$0x3FB1]  }
0x31: {  	[smem:$0x3FBA] =	sst s10  }
0x32: {  	s10 =	sld [smem:$0x3FB8];
	_ =	sdelay $0x3  }
0x33: {  	p0 =	seq.s32 s10, $0x1;
	s10 =	sld [smem:$0x3FBA];
	_ =	sdelay $0x3  }
0x34: {  	[smem:$0x3FBA] =	sst s10  }
0x35: {  	s10 =	sld [smem:$0x3FB9];
	_ =	sdelay $0x3  }
0x36: {  	p1 =	seq.s32 s10, $0x1;
	s10 =	sld [smem:$0x3FBA];
	_ =	sdelay $0x3  }
0x37: {  	[smem:$0x3FBA] =	sst s10  }
0x38: {  	s10 =	sld [smem:$0x3FBB]  }
0x39: {  	_ = 	snop;
	(pc) =	sbr.ind lr, $3  }
0x3a: {  	_ = 	snop  }
0x3b: {  	_ = 	snop  }
0x3c: {  	p2 =	seq.s32 s10, $0x1;
	s10 =	sld [smem:$0x3FBA]  }
0x3d: {  	_ =	shalt  }
0x3e: {  	_ =	shalt  }
0x3f: {  	_ =	shalt  }
0x40: {  	_ =	shalt  }
0x41: {  	_ =	shalt  }
0x42: {  	_ =	shalt  }
0x43: {  	_ =	shalt  }
0x44: {  	_ =	shalt  }
0x45: {  	_ =	shalt  }
0x46: {  	_ =	shalt  }
0x47: {  	_ =	shalt  }
0x48: {  	_ =	shalt  }
0x49: {  	_ =	shalt  }
0x4a: {  	_ =	shalt  }
0x4b: {  	_ =	shalt  }
0x4c: {  	_ =	shalt  }
0x4d: {  	_ =	shalt  }
0x4e: {  	_ =	shalt  }
0x4f: {  	_ =	shalt  }
0x50: {  	_ =	shalt  }
0x51: {  	_ =	shalt  }
0x52: {  	_ =	shalt  }
0x53: {  	_ =	shalt  }
0x54: {  	_ =	shalt  }
0x55: {  	_ =	shalt  }
0x56: {  	_ =	shalt  }
0x57: {  	_ =	shalt  }
0x58: {  	_ =	shalt  }
0x59: {  	_ =	shalt  }
0x5a: {  	_ =	shalt  }
0x5b: {  	_ =	shalt  }
0x5c: {  	_ =	shalt  }
0x5d: {  	_ =	shalt  }
0x5e: {  	_ =	shalt  }
0x5f: {  	_ =	shalt  }
0x60: {  	_ =	shalt  }
0x61: {  	_ =	shalt  }
0x62: {  	_ =	shalt  }
0x63: {  	_ =	shalt  }
0x64: {  	_ =	shalt  }
0x65: {  	_ =	shalt  }
0x66: {  	_ =	shalt  }
0x67: {  	_ =	shalt  }
0x68: {  	_ =	shalt  }
0x69: {  	_ =	shalt  }
0x6a: {  	_ =	shalt  }
0x6b: {  	_ =	shalt  }
0x6c: {  	_ =	shalt  }
0x6d: {  	_ =	shalt  }
0x6e: {  	_ =	shalt  }
0x6f: {  	_ =	shalt  }
0x70: {  	_ =	shalt  }
0x71: {  	_ =	shalt  }
0x72: {  	_ =	shalt  }
0x73: {  	_ =	shalt  }
0x74: {  	_ =	shalt  }
0x75: {  	_ =	shalt  }
0x76: {  	_ =	shalt  }
0x77: {  	_ =	shalt  }
0x78: {  	_ =	shalt  }
0x79: {  	_ =	shalt  }
0x7a: {  	_ =	shalt  }
0x7b: {  	_ =	shalt  }
0x7c: {  	_ =	shalt  }
0x7d: {  	_ =	shalt  }
0x7e: {  	_ =	shalt  }
0x7f: {  	_ =	shalt  }
0x80: {  	_ =	shalt  }
0x81: {  	_ =	shalt  }
0x82: {  	_ =	shalt  }
0x83: {  	_ =	shalt  }
0x84: {  	_ =	shalt  }
0x85: {  	_ =	shalt  }
0x86: {  	_ =	shalt  }
0x87: {  	_ =	shalt  }
.Lfunc_end0:
.L_simem_size_0:
called_computation_lowered:
.L_overlay_start_0:
0x88: {  	s2 =	sld [smem:$0x3FD9]  }
0x89: {  	s3 =	sld [smem:$0x3FFE];
	_ =	sdelay $0x1  }
0x8a: {  	s1 =	srdreg.scid  }
0x8b: {  	s0 =	sand.u32 $0x1, s1  }
0x8c: {  	s18 =	sshll.u32 s0, $0xA;
	s2 =	sadd.s32 s3, s2  }
0x8d: {  	s2 =	sadd.s32 s2, s18  }
0x8e: {  	[smem:$0x3FC6] =	sst s2  }
0x8f: {  	_ = 	snop  }
0x90: {  	s2 =	sld [smem:$0x3FC9]  }
0x91: {  	s19 =	sld [smem:$0x3FC8]  }
0x92: {  	s4 =	sld [smem:$0x3FD0];
	(tm) =	ssettm $0x1  }
0x93: {  	s5 =	sld [smem:$0x3FFB];
	_ =	sdelay $0x3  }
0x94: {  	_ =	strace s5  }
0x95: {  	s5 =	sld [smem:$0x3FFC];
	_ =	sdelay $0x3  }
0x96: {  	_ =	strace s5  }
0x97: {  	s5 =	sld [smem:$0x3FFD];
	_ =	sdelay $0x3  }
0x98: {  	_ =	strace s5  }
0x99: {  	_ =	strace $0x8FFFFFFF  }
0x9a: {  	s20 =	sld [smem:$0x3FDB];
	_ =	sdelay $0x1  }
0x9b: {  	s6 =	simm.s32 $_scs_section_size  }
0x9c: {  	s7 =	simm.s32 $_size__tile_overlayer_lowered;
	s8 =	simm.s32 $_tile_overlayer_lowered  }
0x9d: {  	s23 =	simm.s32 $0x1BFF;
	s22 =	sshll.u32 s8, $0x1;
	s5 =	sadd.s32 s6, s20  }
0x9e: {  	s9 =	simm.s32 $0x0;
	s21 =	sshll.u32 s7, $0x1;
	s7 =	sadd.s32 s22, s5  }
0x9f: {  	[timem:s9], [sflag:s23] =	dma.local [hbm:s7], s21  }
0xa0: {  	_ =	swait.ge [sflag:s23], s21  }
0xa1: {  	s6 =	ssub.s32 $0x0, s21;
	[sflag:s23] =	ssyncset.done $0x0  }
0xa2: {  	[sflag:s23] =	ssyncadd.s32 s6;
	_ =	sdelay $0x1  }
0xa3: {  	s24 =	simm.s32 $0x1B8B  }
0xa4: {  	_ =	swait.ge [sflag:s24], $0x1  }
0xa5: {  	[sflag:s24] =	ssyncset.done $0x0  }
0xa6: {  	s25 =	simm.s32 $0x1B8E;
	[sflag:s24] =	ssyncadd.s32 $0xFFFFFFFF  }
0xa7: {  	s26 =	simm.s32 $execute0_lowered;
	[smem:$0x3FD2] =	sst s25  }
0xa8: {  	s6 =	sshll.u32 s26, $0x1;
	_ =	strace $0x80000046;
	[dreg:$0x1] =	wrdreg $0xFFFFFFFF  }
0xa9: {  	s28 =	simm.s32 $_size_execute0_lowered;
	s5 =	sadd.s32 s5, s6;
	[dreg:$0x0] =	wrdreg $0x0  }
0xaa: {  	s6 =	sshll.u32 s28, $0x1;
	[dreg:$0x2] =	wrdreg s5  }
0xab: {  	[dreg:$0x3] =	wrdreg s6  }
0xac: {  	[dreg:$0x4] =	wrdreg $0xC0  }
0xad: {  	_ =	task [dreg:s9], $0x5FFFF  }
0xae: {  	[dreg:$0x1] =	wrdreg $0xFFFFFFFF  }
0xaf: {  	[dreg:$0x0] =	wrdreg $0x60  }
0xb0: {  	[dreg:$0x2] =	wrdreg s19  }
0xb1: {  	[dreg:$0x3] =	wrdreg s2  }
0xb2: {  	[dreg:$0x4] =	wrdreg s4  }
0xb3: {  	[dreg:$0x5] =	wrdreg $0x9  }
0xb4: {  	_ =	task.clear_ibuf [dreg:s9], $0x6FFFF;
	_ =	strace $0x90000046  }
0xb5: {  	s29 =	simm.s32 $0x9;
	_ =	strace $0x80000048  }
0xb6: {  	_ =	swait.ge [sflag:s29], $0x1  }
0xb7: {  	[sflag:s29] =	ssyncadd.s32 $0xFFFFFFFF  }
0xb8: {  	_ =	strace $0x90000048  }
0xb9: {  	_ =	sfence  }
0xba: {  	s30 =	sld [smem:$0x0];
	_ =	sdelay $0x2  }
0xbb: {  	s31 =	sshll.u32 s1, $0xD;
	s1 =	sshrl.u32 s1, $0x2  }
0xbc: {  	s3 =	sand.u32 $0x4000, s31;
	s1 =	sadd.s32 s1, s30  }
0xbd: {  	s0 =	sor.u32 s3, s0;
	s1 =	sshll.u32 s1, $0x11  }
0xbe: {  	s0 =	sor.u32 s1, s0  }
0xbf: {  	s0 =	sadd.s32 $0x8F2B, s0  }
0xc0: {  	[sflag:s0] =	ssyncadd.remote.s32 $0x1  }
0xc1: {  	_ =	sfence.sel $0xFFFF  }
0xc2: {  	[dreg:$0x0] =	wrdreg $0xFFFFFFFF;
	(pc) =	sbr.abs _section_cstart, $3  }
0xc3: {  	[dreg:$0x1] =	wrdreg $0xFFFFFFFF  }
0xc4: {  	_ =	task.clear_ibuf [dreg:s9], $0x2FFFF;
	_ =	strace $0x9FFFFFFF  }
0xc5: {  	(tm) =	ssettm $0x7FFFFFFF  }
tec
execute0_lowered:
.L_overlay_start_1:
0x0: {  	(tag) =	ssettag $0x1  }
0x1: {  	v0 =	vimm.s32 $0x1380;
	vm14 =	vcmask $0x300;
	vm13 =	vcmask $0x704  }
0x2: {  	vm12 =	vcmask $0xB08;
	vm11 =	vcmask $0xF0C;
	vm10 =	vcmask $0x1310  }
0x3: {  	vm9 =	vcmask $0x1714;
	vm8 =	vcmask $0x1B18;
	vm7 =	vcmask $0x1F1C  }
0x4: {  	vm6 =	vcmask $0x2320;
	vm5 =	vcmask $0x2724;
	vm4 =	vcmask $0x2B28  }
0x5: {  	vm3 =	vcmask $0x2F2C;
	v1 =	vlaneseq.u32;
	vm2 =	vcmask $0x3330  }
0x6: {  	vm1 =	vcmask $0x3734;
	vm0 =	vcmask $0x3B38;
	v3 =	vimm.s32 $0x3380  }
0x7: {  	v4 =	vimm.s32 $0x5380;
	v5 =	vimm.s32 $0x7380;
	v0 =	vsel vm14, $0x0, v0  }
0x8: {  	v3 =	vsel vm14, $0x2000, v3;
	v4 =	vsel vm14, $0x4000, v4;
	v5 =	vsel vm14, $0x6000, v5  }
0x9: {  	v0 =	vsel vm13, $0x80, v0;
	v3 =	vsel vm13, $0x2080, v3;
	v4 =	vsel vm13, $0x4080, v4  }
0xa: {  	v5 =	vsel vm13, $0x6080, v5;
	v0 =	vsel vm12, $0x100, v0;
	v3 =	vsel vm12, $0x2100, v3  }
0xb: {  	v4 =	vsel vm12, $0x4100, v4;
	v5 =	vsel vm12, $0x6100, v5;
	v0 =	vsel vm11, $0x180, v0  }
0xc: {  	v3 =	vsel vm11, $0x2180, v3;
	v4 =	vsel vm11, $0x4180, v4;
	v5 =	vsel vm11, $0x6180, v5  }
0xd: {  	s0 =	rddreg [dreg:$0x0];
	v0 =	vsel vm10, $0x200, v0;
	v3 =	vsel vm10, $0x2200, v3;
	v4 =	vsel vm10, $0x4200, v4  }
0xe: {  	s1 =	rddreg [dreg:$0x1];
	v5 =	vsel vm10, $0x6200, v5;
	v0 =	vsel vm9, $0x280, v0;
	v3 =	vsel vm9, $0x2280, v3  }
0xf: {  	s2 =	rddreg [dreg:$0x2];
	s3 =	srdreg.scid;
	v4 =	vsel vm9, $0x4280, v4;
	v5 =	vsel vm9, $0x6280, v5;
	v0 =	vsel vm8, $0x300, v0  }
0x10: {  	s4 =	stileid.u32;
	s6 =	simm.s32 $0x0;
	s15 =	simm.s32 $0x400;
	v3 =	vsel vm8, $0x2300, v3;
	v4 =	vsel vm8, $0x4300, v4;
	v5 =	vsel vm8, $0x6300, v5  }
0x11: {  	s11 =	simm.s32 $0x200;
	s21 =	simm.s32 $0x2200;
	s12 =	simm.s32 $0x4200;
	v0 =	vsel vm7, $0x380, v0;
	v3 =	vsel vm7, $0x2380, v3;
	v4 =	vsel vm7, $0x4380, v4  }
0x12: {  	s13 =	simm.s32 $0x6200;
	s14 =	simm.s32 $0x8200;
	s7 =	simm.s32 $0xA200;
	v5 =	vsel vm7, $0x6380, v5;
	v0 =	vsel vm6, $0x1000, v0;
	v3 =	vsel vm6, $0x3000, v3  }
0x13: {  	s8 =	simm.s32 $0xC200;
	s17 =	simm.s32 $0xE200;
	s19 =	simm.s32 $0x10200;
	v4 =	vsel vm6, $0x5000, v4;
	v5 =	vsel vm6, $0x7000, v5;
	v0 =	vsel vm5, $0x1080, v0  }
0x14: {  	s22 =	simm.s32 $0x3;
	s23 =	simm.s32 $0x4;
	s24 =	simm.s32 $0x5;
	v3 =	vsel vm5, $0x3080, v3;
	v4 =	vsel vm5, $0x5080, v4;
	v5 =	vsel vm5, $0x7080, v5  }
0x15: {  	s25 =	simm.s32 $0x6;
	s16 =	simm.s32 $0xA200;
	s26 =	simm.s32 $0x7;
	v0 =	vsel vm4, $0x1100, v0;
	v3 =	vsel vm4, $0x3100, v3;
	v4 =	vsel vm4, $0x5100, v4  }
0x16: {  	s9 =	simm.s32 $0xC200;
	s3 =	sand.u32 $0x1, s3;
	s4 =	sshll.u32 s4, $0xA;
	v5 =	vsel vm4, $0x7100, v5;
	v2 =	vsel vm3, $0x1180, v0;
	v0 =	vmul.u32 $0x80, v1  }
0x17: {  	[smem:$0x7FF] =	sst s6;
	s5 =	sshll.u32 s3, $0x9;
	s3 =	ssub.s32 $0x2, s3;
	v3 =	vsel vm3, $0x3180, v3;
	v4 =	vsel vm3, $0x5180, v4;
	v5 =	vsel vm3, $0x7180, v5  }
.Ltmp0:
0x18: {  	_ =	strace $0x80000047;
	s4 =	sor.u32 s5, s4;
	v1 =	vsel vm2, $0x1200, v2;
	v3 =	vsel vm2, $0x3200, v3;
	v6 =	vsel vm2, $0x5200, v4;
	(pc) =	sbr.rel .LBB2_1-.Ltmp0, $4  }
0x19: {  	s28 =	sshrl.u32 s3, $0x1;
	s29 =	sshrl.u32 s4, $0x3;
	s30 =	sadd.s32 s2, s4;
	v5 =	vsel vm2, $0x7200, v5;
	v1 =	vsel vm1, $0x1280, v1;
	v2 =	vor.u32 $0x800, v0  }
0x1a: {  	s3 =	ssub.s32 s3, s28;
	s1 =	sadd.s32 s1, s29;
	[dreg:$0x5] =	wrdreg s30;
	v3 =	vsel vm1, $0x3280, v3;
	v4 =	vor.u32 $0x1000, v0;
	v6 =	vsel vm1, $0x5280, v6  }
0x1b: {  	s10 =	simm.s32 $0x8;
	s31 =	smax.u32 s3, $0x1;
	[dreg:$0x4] =	wrdreg s1;
	v7 =	vsel vm1, $0x7280, v5;
	v1 =	vsel vm0, $0x1300, v1;
	v3 =	vsel vm0, $0x3300, v3  }
0x1c: {  	s2 =	simm.s32 $0x0;
	s3 =	simm.s32 $0x9;
	[dreg:$0x6] =	wrdreg s31;
	v5 =	vsel vm0, $0x5300, v6;
	v6 =	vor.u32 $0x1800, v0;
	v7 =	vsel vm0, $0x7300, v7  }
.LBB2_4:
0x1d: {  	s1 =	rddreg [dreg:$0x5];
	s2 =	simm.s32 $0x1000;
	s3 =	simm.s32 $0x20000  }
0x1e: {  	[hbm4b:s1+s2] =	stream.strided.scatter [tilespmem:s19], [sflag:$0x9], $0x8000, s3, s2, $0x38;
	[tilespmem:$0x18200] =	vst v63  }
0x1f: {  	s3 =	simm.s32 $0x9  }
0x20: {  	_ =	swait.ge [sflag:s3], $0x8000  }
0x21: {  	s30 =	rddreg [dreg:$0x7]  }
0x22: {  	s31 =	rddreg [dreg:$0x6];
	s2 =	sadd.s32 $0x1, s30  }
0x23: {  	p0 =	sne.s32 s2, s31  }
.Ltmp1:
0x24: {  	_ = 	snop;
	(pc) =	sbr.rel @!p0 .LBB2_5-.Ltmp1, $3  }
0x25: {  	_ =	sdelay $0x1  }
0x26: {  	[sflag:s3] =	ssyncset.done $0x0  }
0x27: {  	s15 =	simm.s32 $0x400;
	[sflag:s3] =	ssyncadd.s32 $0xFFFF8000  }
.LBB2_1:
0x28: {  	[dreg:$0x7] =	wrdreg s2  }
0x29: {  	s1 =	simm.s32 $0x0;
	s30 =	rddreg [dreg:$0x4]  }
0x2a: {  	[tilespmem:s1], [sflag:$0x9] =	stream.linear.gather [hbm4b:s30+s1], $0x200, $0x38;
	[tilespmem:$0x18200] =	vst v63  }
0x2b: {  	_ =	swait.ge [sflag:s3], $0x200  }
0x2c: {  	[sflag:s3] =	ssyncset.done $0x0  }
0x2d: {  	[sflag:s3] =	ssyncadd.s32 $0xFFFFFE00  }
0x2e: {  	v9 =	vld [tilespmem:$0x0];
	_ =	sdelay $0x4  }
0x2f: {  	(v2sf) =	vpush v9, $0x0;
	_ =	sdelay $0x1  }
0x30: {  	(v2sf) =	vpush v9, $0x1;
	_ =	sdelay $0x1  }
0x31: {  	(v2sf) =	vpush v9, $0x2;
	_ =	sdelay $0x2  }
0x32: {  	(v2sf) =	vpush v9, $0x3;
	_ =	sdelay $0x7  }
0x33: {  	s4 =	spop (v2sf);
	(v2sf) =	vpush v9, $0x4;
	_ =	sdelay $0x1  }
0x34: {  	s6 =	spop (v2sf);
	(v2sf) =	vpush v9, $0x5  }
0x35: {  	s1 =	sand.u32 $0xFFFFF80, s4  }
0x36: {  	s5 =	simm.s32 $0x7A1400;
	s1 =	sadd.s32 s0, s1;
	s18 =	spop (v2sf)  }
0x37: {  	v8 =	vld [tilespmem:$0x10];
	(v2sf) =	vpush v9, $0x6;
	[tilespmem:s11], [sflag:$0x1] =	stream.strided.gather [hbm4b:s1+s15], $0x2000, s5, s15, $0x38  }
0x38: {  	s1 =	sand.u32 $0xFFFFF80, s6  }
0x39: {  	s11 =	simm.s32 $0x7A1400;
	s20 =	spop (v2sf);
	s1 =	sadd.s32 s0, s1  }
0x3a: {  	(v2sf) =	vpush v9, $0x7;
	[tilespmem:s21], [sflag:$0x2] =	stream.strided.gather [hbm4b:s1+s15], $0x2000, s11, s15, $0x38;
	[tilespmem:$0x18200] =	vst v63  }
0x3b: {  	s1 =	sand.u32 $0xFFFFF80, s18  }
0x3c: {  	s1 =	sadd.s32 s0, s1  }
0x3d: {  	[tilespmem:s12], [sflag:$0x3] =	stream.strided.gather [hbm4b:s1+s15], $0x2000, s11, s15, $0x38;
	[tilespmem:$0x18200] =	vst v63  }
0x3e: {  	s1 =	sand.u32 $0xFFFFF80, s20  }
0x3f: {  	s1 =	sadd.s32 s0, s1  }
0x40: {  	[tilespmem:s13], [sflag:$0x4] =	stream.strided.gather [hbm4b:s1+s15], $0x2000, s11, s15, $0x38;
	[tilespmem:$0x18200] =	vst v63  }
0x41: {  	s21 =	spop (v2sf)  }
0x42: {  	s1 =	sand.u32 $0xFFFFF80, s21  }
0x43: {  	s28 =	spop (v2sf);
	s1 =	sadd.s32 s0, s1  }
0x44: {  	[tilespmem:s14], [sflag:$0x5] =	stream.strided.gather [hbm4b:s1+s15], $0x2000, s11, s15, $0x38;
	[tilespmem:$0x18200] =	vst v63  }
0x45: {  	s1 =	sand.u32 $0xFFFFF80, s28  }
0x46: {  	s29 =	spop (v2sf);
	s1 =	sadd.s32 s0, s1  }
0x47: {  	[tilespmem:s7], [sflag:$0x6] =	stream.strided.gather [hbm4b:s1+s15], $0x2000, s11, s15, $0x38;
	[tilespmem:$0x18200] =	vst v63  }
0x48: {  	s1 =	sand.u32 $0xFFFFF80, s29  }
0x49: {  	s30 =	spop (v2sf);
	s1 =	sadd.s32 s0, s1  }
0x4a: {  	[tilespmem:s8], [sflag:$0x7] =	stream.strided.gather [hbm4b:s1+s15], $0x2000, s11, s15, $0x38;
	[tilespmem:$0x18200] =	vst v63  }
0x4b: {  	s1 =	sand.u32 $0xFFFFF80, s30  }
0x4c: {  	s31 =	simm.s32 $0x0;
	s1 =	sadd.s32 s0, s1  }
0x4d: {  	[tilespmem:s17], [sflag:$0x8] =	stream.strided.gather [hbm4b:s1+s15], $0x2000, s11, s15, $0x38;
	[tilespmem:$0x18200] =	vst v63  }
.LBB2_2:
0x4e: {  	s18 =	simm.s32 $0x1  }
0x4f: {  	_ =	swait.ge [sflag:s18], $0x2000  }
0x50: {  	(v2sf) =	vpush v9, $0x0;
	_ =	sdelay $0xe  }
0x51: {  	s1 =	spop (v2sf)  }
0x52: {  	s1 =	sand.u32 $0x7F, s1  }
0x53: {  	v10 =	vor.u32 s1, v0  }
0x54: {  	v11 =	vmov s31  }
0x55: {  	v12 =	vshll.u32 v11, $0x3  }
0x56: {  	v11 =	vand.u32 $0x70, v11;
	[sflag:s18] =	ssyncset.done $0x0;
	v12 =	vand.u32 $0xC00, v12  }
0x57: {  	s20 =	simm.s32 $0x200;
	[sflag:s18] =	ssyncadd.s32 $0xFFFFE000;
	v11 =	vor.u32 v11, v12  }
0x58: {  	v12 =	vor.u32 v1, v11;
	v10 =	vld.idx.msk [tilespmem:v10+s20+$0x0], $0xffff  }
0x59: {  	v13 =	vor.u32 s1, v2;
	_ =	sdelay $0x3  }
0x5a: {  	[tilespmem:v12+s19+$0x0] =	vst.idx.msk $0xffff, v10  }
0x5b: {  	v43 =	vor.u32 v3, v11;
	(v2sf) =	vpush v9, $0x8;
	v10 =	vld.idx.msk [tilespmem:v13+s20+$0x0], $0xffff  }
0x5c: {  	v44 =	vor.u32 s1, v4;
	_ =	sdelay $0x3  }
0x5d: {  	[tilespmem:v43+s19+$0x0] =	vst.idx.msk $0xffff, v10  }
0x5e: {  	v45 =	vor.u32 v5, v11;
	v10 =	vld.idx.msk [tilespmem:v44+s20+$0x0], $0xffff  }
0x5f: {  	v46 =	vor.u32 s1, v6;
	_ =	sdelay $0x3  }
0x60: {  	[tilespmem:v45+s19+$0x0] =	vst.idx.msk $0xffff, v10  }
0x61: {  	v11 =	vor.u32 v7, v11;
	v10 =	vld.idx.msk [tilespmem:v46+s20+$0x0], $0xffff;
	_ =	sdelay $0x2  }
0x62: {  	s28 =	spop (v2sf)  }
0x63: {  	s6 =	sand.u32 $0xFFFFF80, s28  }
0x64: {  	s21 =	simm.s32 $0x2;
	s1 =	sadd.s32 s0, s6;
	[tilespmem:v11+s19+$0x0] =	vst.idx.msk $0xffff, v10  }
0x65: {  	[tilespmem:s20], [sflag:$0x1] =	stream.strided.gather [hbm4b:s1+s15], $0x2000, s11, s15, $0x38;
	[tilespmem:$0x18200] =	vst v63  }
0x66: {  	_ =	swait.ge [sflag:s21], $0x2000  }
0x67: {  	(v2sf) =	vpush v9, $0x1;
	_ =	sdelay $0xe  }
0x68: {  	s7 =	spop (v2sf)  }
0x69: {  	s1 =	sand.u32 $0x7F, s7  }
0x6a: {  	s2 =	sadd.s32 $0x1, s31;
	v10 =	vor.u32 s1, v0  }
0x6b: {  	v11 =	vmov s2  }
0x6c: {  	v47 =	vshll.u32 v11, $0x3  }
0x6d: {  	v11 =	vand.u32 $0x71, v11;
	v12 =	vand.u32 $0xC00, v47;
	[sflag:s21] =	ssyncset.done $0x0  }
0x6e: {  	s12 =	simm.s32 $0x2200;
	v11 =	vor.u32 v11, v12;
	[sflag:s21] =	ssyncadd.s32 $0xFFFFE000  }
0x6f: {  	v12 =	vor.u32 v1, v11;
	v10 =	vld.idx.msk [tilespmem:v10+s12+$0x0], $0xffff  }
0x70: {  	v48 =	vor.u32 s1, v2;
	_ =	sdelay $0x3  }
0x71: {  	[tilespmem:v12+s19+$0x0] =	vst.idx.msk $0xffff, v10  }
0x72: {  	v49 =	vor.u32 v3, v11;
	(v2sf) =	vpush v9, $0x9;
	v10 =	vld.idx.msk [tilespmem:v48+s12+$0x0], $0xffff  }
0x73: {  	v50 =	vor.u32 s1, v4;
	_ =	sdelay $0x3  }
0x74: {  	[tilespmem:v49+s19+$0x0] =	vst.idx.msk $0xffff, v10  }
0x75: {  	v51 =	vor.u32 v5, v11;
	v10 =	vld.idx.msk [tilespmem:v50+s12+$0x0], $0xffff  }
0x76: {  	v52 =	vor.u32 s1, v6;
	_ =	sdelay $0x3  }
0x77: {  	[tilespmem:v51+s19+$0x0] =	vst.idx.msk $0xffff, v10  }
0x78: {  	v11 =	vor.u32 v7, v11;
	v10 =	vld.idx.msk [tilespmem:v52+s12+$0x0], $0xffff;
	_ =	sdelay $0x2  }
0x79: {  	s1 =	spop (v2sf)  }
0x7a: {  	s8 =	sand.u32 $0xFFFFF80, s1  }
0x7b: {  	s2 =	sadd.s32 s0, s8;
	[tilespmem:v11+s19+$0x0] =	vst.idx.msk $0xffff, v10  }
0x7c: {  	[tilespmem:s12], [sflag:$0x2] =	stream.strided.gather [hbm4b:s2+s15], $0x2000, s11, s15, $0x38;
	[tilespmem:$0x18200] =	vst v63  }
0x7d: {  	_ =	swait.ge [sflag:s22], $0x2000  }
0x7e: {  	(v2sf) =	vpush v9, $0x2;
	_ =	sdelay $0xe  }
0x7f: {  	s13 =	spop (v2sf)  }
0x80: {  	s2 =	sand.u32 $0x7F, s13  }
0x81: {  	s3 =	sadd.s32 $0x2, s31;
	v10 =	vor.u32 s2, v0  }
0x82: {  	v11 =	vmov s3  }
0x83: {  	v53 =	vshll.u32 v11, $0x3  }
0x84: {  	v11 =	vand.u32 $0x72, v11;
	v12 =	vand.u32 $0xC00, v53;
	[sflag:s22] =	ssyncset.done $0x0  }
0x85: {  	v11 =	vor.u32 v11, v12;
	[sflag:s22] =	ssyncadd.s32 $0xFFFFE000;
	s13 =	simm.s32 $0x4200  }
0x86: {  	v12 =	vor.u32 v1, v11;
	v10 =	vld.idx.msk [tilespmem:v10+s13+$0x0], $0xffff  }
0x87: {  	v54 =	vor.u32 s2, v2;
	_ =	sdelay $0x3  }
0x88: {  	[tilespmem:v12+s19+$0x0] =	vst.idx.msk $0xffff, v10  }
0x89: {  	v55 =	vor.u32 v3, v11;
	(v2sf) =	vpush v9, $0xA;
	v10 =	vld.idx.msk [tilespmem:v54+s13+$0x0], $0xffff  }
0x8a: {  	v56 =	vor.u32 s2, v4;
	_ =	sdelay $0x3  }
0x8b: {  	[tilespmem:v55+s19+$0x0] =	vst.idx.msk $0xffff, v10  }
0x8c: {  	v57 =	vor.u32 v5, v11;
	v10 =	vld.idx.msk [tilespmem:v56+s13+$0x0], $0xffff  }
0x8d: {  	v58 =	vor.u32 s2, v6;
	_ =	sdelay $0x3  }
0x8e: {  	[tilespmem:v57+s19+$0x0] =	vst.idx.msk $0xffff, v10  }
0x8f: {  	v11 =	vor.u32 v7, v11;
	v10 =	vld.idx.msk [tilespmem:v58+s13+$0x0], $0xffff;
	_ =	sdelay $0x2  }
0x90: {  	s2 =	spop (v2sf)  }
0x91: {  	s14 =	sand.u32 $0xFFFFF80, s2  }
0x92: {  	s3 =	sadd.s32 s0, s14;
	[tilespmem:v11+s19+$0x0] =	vst.idx.msk $0xffff, v10  }
0x93: {  	[tilespmem:s13], [sflag:$0x3] =	stream.strided.gather [hbm4b:s3+s15], $0x2000, s11, s15, $0x38;
	[tilespmem:$0x18200] =	vst v63  }
0x94: {  	_ =	swait.ge [sflag:s23], $0x2000  }
0x95: {  	(v2sf) =	vpush v9, $0x3;
	_ =	sdelay $0xe  }
0x96: {  	s29 =	spop (v2sf)  }
0x97: {  	s3 =	sand.u32 $0x7F, s29  }
0x98: {  	s4 =	sadd.s32 $0x3, s31;
	v10 =	vor.u32 s3, v0  }
0x99: {  	v11 =	vmov s4  }
0x9a: {  	v59 =	vshll.u32 v11, $0x3  }
0x9b: {  	v11 =	vand.u32 $0x73, v11;
	v12 =	vand.u32 $0xC00, v59;
	[sflag:s23] =	ssyncset.done $0x0  }
0x9c: {  	s14 =	simm.s32 $0x6200;
	v11 =	vor.u32 v11, v12;
	[sflag:s23] =	ssyncadd.s32 $0xFFFFE000  }
0x9d: {  	v12 =	vor.u32 v1, v11;
	v10 =	vld.idx.msk [tilespmem:v10+s14+$0x0], $0xffff  }
0x9e: {  	v60 =	vor.u32 s3, v2;
	_ =	sdelay $0x3  }
0x9f: {  	[tilespmem:v12+s19+$0x0] =	vst.idx.msk $0xffff, v10  }
0xa0: {  	v61 =	vor.u32 v3, v11;
	(v2sf) =	vpush v9, $0xB;
	v10 =	vld.idx.msk [tilespmem:v60+s14+$0x0], $0xffff  }
0xa1: {  	v62 =	vor.u32 s3, v4;
	_ =	sdelay $0x3  }
0xa2: {  	[tilespmem:v61+s19+$0x0] =	vst.idx.msk $0xffff, v10  }
0xa3: {  	v63 =	vor.u32 v5, v11;
	v10 =	vld.idx.msk [tilespmem:v62+s14+$0x0], $0xffff  }
0xa4: {  	v16 =	vor.u32 s3, v6;
	_ =	sdelay $0x3  }
0xa5: {  	[tilespmem:v63+s19+$0x0] =	vst.idx.msk $0xffff, v10  }
0xa6: {  	v11 =	vor.u32 v7, v11;
	v10 =	vld.idx.msk [tilespmem:v16+s14+$0x0], $0xffff;
	_ =	sdelay $0x2  }
0xa7: {  	s3 =	spop (v2sf)  }
0xa8: {  	s30 =	sand.u32 $0xFFFFF80, s3  }
0xa9: {  	s4 =	sadd.s32 s0, s30;
	[tilespmem:v11+s19+$0x0] =	vst.idx.msk $0xffff, v10  }
0xaa: {  	[tilespmem:s14], [sflag:$0x4] =	stream.strided.gather [hbm4b:s4+s15], $0x2000, s11, s15, $0x38;
	[tilespmem:$0x18200] =	vst v63  }
0xab: {  	_ =	swait.ge [sflag:s24], $0x2000  }
0xac: {  	(v2sf) =	vpush v9, $0x4;
	_ =	sdelay $0xe  }
0xad: {  	s5 =	spop (v2sf)  }
0xae: {  	s4 =	sand.u32 $0x7F, s5  }
0xaf: {  	s5 =	sadd.s32 $0x4, s31;
	v10 =	vor.u32 s4, v0  }
0xb0: {  	v11 =	vmov s5  }
0xb1: {  	v17 =	vshll.u32 v11, $0x3  }
0xb2: {  	[sflag:s24] =	ssyncset.done $0x0;
	v11 =	vand.u32 $0x74, v11;
	v12 =	vand.u32 $0xC00, v17  }
0xb3: {  	s8 =	simm.s32 $0x8200;
	[sflag:s24] =	ssyncadd.s32 $0xFFFFE000;
	v11 =	vor.u32 v11, v12  }
0xb4: {  	v12 =	vor.u32 v1, v11;
	v10 =	vld.idx.msk [tilespmem:v10+s8+$0x0], $0xffff  }
0xb5: {  	v18 =	vor.u32 s4, v2;
	_ =	sdelay $0x3  }
0xb6: {  	[tilespmem:v12+s19+$0x0] =	vst.idx.msk $0xffff, v10  }
0xb7: {  	(v2sf) =	vpush v9, $0xC;
	v19 =	vor.u32 v3, v11;
	v10 =	vld.idx.msk [tilespmem:v18+s8+$0x0], $0xffff  }
0xb8: {  	v20 =	vor.u32 s4, v4;
	_ =	sdelay $0x3  }
0xb9: {  	[tilespmem:v19+s19+$0x0] =	vst.idx.msk $0xffff, v10  }
0xba: {  	v21 =	vor.u32 v5, v11;
	v10 =	vld.idx.msk [tilespmem:v20+s8+$0x0], $0xffff  }
0xbb: {  	v22 =	vor.u32 s4, v6;
	_ =	sdelay $0x3  }
0xbc: {  	[tilespmem:v21+s19+$0x0] =	vst.idx.msk $0xffff, v10  }
0xbd: {  	v11 =	vor.u32 v7, v11;
	v10 =	vld.idx.msk [tilespmem:v22+s8+$0x0], $0xffff;
	_ =	sdelay $0x2  }
0xbe: {  	s29 =	spop (v2sf)  }
0xbf: {  	s6 =	sand.u32 $0xFFFFF80, s29  }
0xc0: {  	s4 =	sadd.s32 s0, s6;
	[tilespmem:v11+s19+$0x0] =	vst.idx.msk $0xffff, v10  }
0xc1: {  	[tilespmem:s8], [sflag:$0x5] =	stream.strided.gather [hbm4b:s4+s15], $0x2000, s11, s15, $0x38;
	[tilespmem:$0x18200] =	vst v63  }
0xc2: {  	_ =	swait.ge [sflag:s25], $0x2000  }
0xc3: {  	(v2sf) =	vpush v9, $0x5;
	_ =	sdelay $0xe  }
0xc4: {  	s7 =	spop (v2sf)  }
0xc5: {  	s4 =	sand.u32 $0x7F, s7  }
0xc6: {  	s30 =	sadd.s32 $0x5, s31;
	v10 =	vor.u32 s4, v0  }
0xc7: {  	v11 =	vmov s30  }
0xc8: {  	v23 =	vshll.u32 v11, $0x3  }
0xc9: {  	v11 =	vand.u32 $0x75, v11;
	v12 =	vand.u32 $0xC00, v23;
	[sflag:s25] =	ssyncset.done $0x0  }
0xca: {  	v11 =	vor.u32 v11, v12;
	[sflag:s25] =	ssyncadd.s32 $0xFFFFE000  }
0xcb: {  	v12 =	vor.u32 v1, v11;
	v10 =	vld.idx.msk [tilespmem:v10+s16+$0x0], $0xffff  }
0xcc: {  	v24 =	vor.u32 s4, v2;
	_ =	sdelay $0x3  }
0xcd: {  	[tilespmem:v12+s19+$0x0] =	vst.idx.msk $0xffff, v10  }
0xce: {  	v25 =	vor.u32 v3, v11;
	(v2sf) =	vpush v9, $0xD;
	v10 =	vld.idx.msk [tilespmem:v24+s16+$0x0], $0xffff  }
0xcf: {  	v26 =	vor.u32 s4, v4;
	_ =	sdelay $0x3  }
0xd0: {  	[tilespmem:v25+s19+$0x0] =	vst.idx.msk $0xffff, v10  }
0xd1: {  	v27 =	vor.u32 v5, v11;
	v10 =	vld.idx.msk [tilespmem:v26+s16+$0x0], $0xffff  }
0xd2: {  	v28 =	vor.u32 s4, v6;
	_ =	sdelay $0x3  }
0xd3: {  	[tilespmem:v27+s19+$0x0] =	vst.idx.msk $0xffff, v10  }
0xd4: {  	v11 =	vor.u32 v7, v11;
	v10 =	vld.idx.msk [tilespmem:v28+s16+$0x0], $0xffff;
	_ =	sdelay $0x2  }
0xd5: {  	s4 =	spop (v2sf)  }
0xd6: {  	s6 =	sand.u32 $0xFFFFF80, s4  }
0xd7: {  	s5 =	sadd.s32 s0, s6;
	[tilespmem:v11+s19+$0x0] =	vst.idx.msk $0xffff, v10  }
0xd8: {  	[tilespmem:s16], [sflag:$0x6] =	stream.strided.gather [hbm4b:s5+s15], $0x2000, s11, s15, $0x38;
	[tilespmem:$0x18200] =	vst v63  }
0xd9: {  	_ =	swait.ge [sflag:s26], $0x2000  }
0xda: {  	(v2sf) =	vpush v9, $0x6;
	_ =	sdelay $0xe  }
0xdb: {  	s7 =	spop (v2sf)  }
0xdc: {  	s5 =	sand.u32 $0x7F, s7  }
0xdd: {  	s6 =	sadd.s32 $0x6, s31;
	v10 =	vor.u32 s5, v0  }
0xde: {  	v11 =	vmov s6  }
0xdf: {  	v29 =	vshll.u32 v11, $0x3  }
0xe0: {  	v11 =	vand.u32 $0x76, v11;
	v12 =	vand.u32 $0xC00, v29;
	[sflag:s26] =	ssyncset.done $0x0  }
0xe1: {  	v11 =	vor.u32 v11, v12;
	[sflag:s26] =	ssyncadd.s32 $0xFFFFE000  }
0xe2: {  	v12 =	vor.u32 v1, v11;
	v10 =	vld.idx.msk [tilespmem:v10+s9+$0x0], $0xffff  }
0xe3: {  	v30 =	vor.u32 s5, v2;
	_ =	sdelay $0x3  }
0xe4: {  	[tilespmem:v12+s19+$0x0] =	vst.idx.msk $0xffff, v10  }
0xe5: {  	v31 =	vor.u32 v3, v11;
	(v2sf) =	vpush v9, $0xE;
	v10 =	vld.idx.msk [tilespmem:v30+s9+$0x0], $0xffff  }
0xe6: {  	v32 =	vor.u32 s5, v4;
	_ =	sdelay $0x3  }
0xe7: {  	[tilespmem:v31+s19+$0x0] =	vst.idx.msk $0xffff, v10  }
0xe8: {  	v33 =	vor.u32 v5, v11;
	v10 =	vld.idx.msk [tilespmem:v32+s9+$0x0], $0xffff  }
0xe9: {  	v34 =	vor.u32 s5, v6;
	_ =	sdelay $0x3  }
0xea: {  	[tilespmem:v33+s19+$0x0] =	vst.idx.msk $0xffff, v10  }
0xeb: {  	v11 =	vor.u32 v7, v11;
	v10 =	vld.idx.msk [tilespmem:v34+s9+$0x0], $0xffff;
	_ =	sdelay $0x2  }
0xec: {  	s5 =	spop (v2sf)  }
0xed: {  	s30 =	sand.u32 $0xFFFFF80, s5  }
0xee: {  	s6 =	sadd.s32 s0, s30;
	[tilespmem:v11+s19+$0x0] =	vst.idx.msk $0xffff, v10  }
0xef: {  	[tilespmem:s9], [sflag:$0x7] =	stream.strided.gather [hbm4b:s6+s15], $0x2000, s11, s15, $0x38;
	[tilespmem:$0x18200] =	vst v63  }
0xf0: {  	_ =	swait.ge [sflag:s10], $0x2000  }
0xf1: {  	(v2sf) =	vpush v9, $0x7;
	_ =	sdelay $0xe  }
0xf2: {  	s7 =	spop (v2sf)  }
0xf3: {  	s6 =	sand.u32 $0x7F, s7  }
0xf4: {  	s7 =	sadd.s32 $0x7, s31;
	v10 =	vor.u32 s6, v0  }
0xf5: {  	v11 =	vmov s7  }
0xf6: {  	v35 =	vshll.u32 v11, $0x3  }
0xf7: {  	[sflag:s10] =	ssyncset.done $0x0;
	v11 =	vand.u32 $0x77, v11;
	v12 =	vand.u32 $0xC00, v35  }
0xf8: {  	[sflag:s10] =	ssyncadd.s32 $0xFFFFE000;
	v11 =	vor.u32 v11, v12  }
0xf9: {  	v12 =	vor.u32 v1, v11;
	v10 =	vld.idx.msk [tilespmem:v10+s17+$0x0], $0xffff  }
0xfa: {  	v36 =	vor.u32 s6, v2;
	_ =	sdelay $0x3  }
0xfb: {  	[tilespmem:v12+s19+$0x0] =	vst.idx.msk $0xffff, v10  }
0xfc: {  	(v2sf) =	vpush v9, $0xF;
	v37 =	vor.u32 v3, v11;
	v10 =	vld.idx.msk [tilespmem:v36+s17+$0x0], $0xffff  }
0xfd: {  	v9 =	vor.u32 s6, v4;
	_ =	sdelay $0x3  }
0xfe: {  	[tilespmem:v37+s19+$0x0] =	vst.idx.msk $0xffff, v10  }
0xff: {  	v10 =	vor.u32 v5, v11;
	v9 =	vld.idx.msk [tilespmem:v9+s17+$0x0], $0xffff  }
0x100: {  	v38 =	vor.u32 s6, v6;
	_ =	sdelay $0x3  }
0x101: {  	[tilespmem:v10+s19+$0x0] =	vst.idx.msk $0xffff, v9  }
0x102: {  	v10 =	vor.u32 v7, v11;
	v9 =	vld.idx.msk [tilespmem:v38+s17+$0x0], $0xffff;
	_ =	sdelay $0x2  }
0x103: {  	s6 =	spop (v2sf)  }
0x104: {  	s28 =	sand.u32 $0x7F, s28;
	s7 =	sand.u32 $0xFFFFF80, s6  }
0x105: {  	s30 =	sadd.s32 $0x8, s31;
	s7 =	sadd.s32 s0, s7;
	[tilespmem:v10+s19+$0x0] =	vst.idx.msk $0xffff, v9;
	v9 =	vor.u32 s28, v0  }
0x106: {  	v10 =	vmov s30;
	[tilespmem:s17], [sflag:$0x8] =	stream.strided.gather [hbm4b:s7+s15], $0x2000, s11, s15, $0x38;
	[tilespmem:$0x18200] =	vst v63  }
0x107: {  	v11 =	vshll.u32 v10, $0x3;
	_ =	swait.ge [sflag:s18], $0x2000  }
0x108: {  	v10 =	vand.u32 $0x78, v10;
	v11 =	vand.u32 $0xC00, v11;
	[sflag:s18] =	ssyncset.done $0x0  }
0x109: {  	v10 =	vor.u32 v10, v11;
	[sflag:s18] =	ssyncadd.s32 $0xFFFFE000  }
0x10a: {  	v39 =	vor.u32 v1, v10;
	v11 =	vld.idx.msk [tilespmem:v9+s20+$0x0], $0xffff  }
0x10b: {  	v40 =	vor.u32 s28, v2;
	_ =	sdelay $0x3  }
0x10c: {  	p0 =	seq.s32 s31, $0x1F0;
	[tilespmem:v39+s19+$0x0] =	vst.idx.msk $0xffff, v11  }
0x10d: {  	(v2sf) =	vpush @!p0 v8, $0x0;
	v9 =	vmov v8;
	v11 =	vor.u32 v3, v10;
	v8 =	vld.idx.msk [tilespmem:v40+s20+$0x0], $0xffff  }
0x10e: {  	v41 =	vor.u32 s28, v4;
	_ =	sdelay $0x3  }
0x10f: {  	[tilespmem:v11+s19+$0x0] =	vst.idx.msk $0xffff, v8  }
0x110: {  	v11 =	vor.u32 v5, v10;
	v8 =	vld.idx.msk [tilespmem:v41+s20+$0x0], $0xffff  }
0x111: {  	v42 =	vor.u32 s28, v6;
	_ =	sdelay $0x3  }
0x112: {  	[tilespmem:v11+s19+$0x0] =	vst.idx.msk $0xffff, v8  }
0x113: {  	v10 =	vor.u32 v7, v10;
	v8 =	vld.idx.msk [tilespmem:v42+s20+$0x0], $0xffff;
	_ =	sdelay $0x2  }
0x114: {  	s28 =	simm.s32 @!p0 $0x7A1400;
	s7 =	spop @!p0 (v2sf)  }
0x115: {  	s30 =	sadd.s32 $0x9, s31;
	s18 =	sand.u32 $0x7F, s1;
	s7 =	sand.u32 @!p0 $0xFFFFF80, s7  }
0x116: {  	s1 =	simm.s32 @!p0 $0x400;
	s7 =	sadd.s32 @!p0 s0, s7;
	s20 =	simm.s32 @!p0 $0x200;
	[tilespmem:v10+s19+$0x0] =	vst.idx.msk $0xffff, v8;
	v8 =	vor.u32 s18, v0  }
0x117: {  	v10 =	vmov s30;
	[tilespmem:s20], [sflag:$0x1] =	stream.strided.gather @!p0 [hbm4b:s7+s1], $0x2000, s28, s1, $0x38;
	[tilespmem:$0x18200] =	vst v63  }
0x118: {  	v11 =	vshll.u32 v10, $0x3;
	_ =	swait.ge [sflag:s21], $0x2000  }
0x119: {  	v10 =	vand.u32 $0x79, v10;
	v11 =	vand.u32 $0xC00, v11;
	[sflag:s21] =	ssyncset.done $0x0  }
0x11a: {  	v10 =	vor.u32 v10, v11;
	[sflag:s21] =	ssyncadd.s32 $0xFFFFE000  }
0x11b: {  	v11 =	vor.u32 v1, v10;
	v8 =	vld.idx.msk [tilespmem:v8+s12+$0x0], $0xffff  }
0x11c: {  	v43 =	vor.u32 s18, v2;
	_ =	sdelay $0x3  }
0x11d: {  	[tilespmem:v11+s19+$0x0] =	vst.idx.msk $0xffff, v8  }
0x11e: {  	(v2sf) =	vpush @!p0 v9, $0x1;
	v11 =	vor.u32 v3, v10;
	v8 =	vld.idx.msk [tilespmem:v43+s12+$0x0], $0xffff  }
0x11f: {  	v44 =	vor.u32 s18, v4;
	_ =	sdelay $0x3  }
0x120: {  	[tilespmem:v11+s19+$0x0] =	vst.idx.msk $0xffff, v8  }
0x121: {  	v11 =	vor.u32 v5, v10;
	v8 =	vld.idx.msk [tilespmem:v44+s12+$0x0], $0xffff  }
0x122: {  	v45 =	vor.u32 s18, v6;
	_ =	sdelay $0x3  }
0x123: {  	[tilespmem:v11+s19+$0x0] =	vst.idx.msk $0xffff, v8  }
0x124: {  	v10 =	vor.u32 v7, v10;
	v8 =	vld.idx.msk [tilespmem:v45+s12+$0x0], $0xffff;
	_ =	sdelay $0x2  }
0x125: {  	s7 =	spop @!p0 (v2sf)  }
0x126: {  	s2 =	sand.u32 $0x7F, s2;
	s7 =	sand.u32 @!p0 $0xFFFFF80, s7  }
0x127: {  	s20 =	simm.s32 @!p0 $0x2200;
	s7 =	sadd.s32 @!p0 s0, s7;
	s12 =	sadd.s32 $0xA, s31;
	[tilespmem:v10+s19+$0x0] =	vst.idx.msk $0xffff, v8;
	v8 =	vor.u32 s2, v0  }
0x128: {  	v10 =	vmov s12;
	[tilespmem:s20], [sflag:$0x2] =	stream.strided.gather @!p0 [hbm4b:s7+s1], $0x2000, s28, s1, $0x38;
	[tilespmem:$0x18200] =	vst v63  }
0x129: {  	v11 =	vshll.u32 v10, $0x3;
	_ =	swait.ge [sflag:s22], $0x2000  }
0x12a: {  	v10 =	vand.u32 $0x7A, v10;
	v11 =	vand.u32 $0xC00, v11;
	[sflag:s22] =	ssyncset.done $0x0  }
0x12b: {  	v10 =	vor.u32 v10, v11;
	[sflag:s22] =	ssyncadd.s32 $0xFFFFE000  }
0x12c: {  	v11 =	vor.u32 v1, v10;
	v8 =	vld.idx.msk [tilespmem:v8+s13+$0x0], $0xffff  }
0x12d: {  	v46 =	vor.u32 s2, v2;
	_ =	sdelay $0x3  }
0x12e: {  	[tilespmem:v11+s19+$0x0] =	vst.idx.msk $0xffff, v8  }
0x12f: {  	(v2sf) =	vpush @!p0 v9, $0x2;
	v11 =	vor.u32 v3, v10;
	v8 =	vld.idx.msk [tilespmem:v46+s13+$0x0], $0xffff  }
0x130: {  	v47 =	vor.u32 s2, v4;
	_ =	sdelay $0x3  }
0x131: {  	[tilespmem:v11+s19+$0x0] =	vst.idx.msk $0xffff, v8  }
0x132: {  	v11 =	vor.u32 v5, v10;
	v8 =	vld.idx.msk [tilespmem:v47+s13+$0x0], $0xffff  }
0x133: {  	v48 =	vor.u32 s2, v6;
	_ =	sdelay $0x3  }
0x134: {  	[tilespmem:v11+s19+$0x0] =	vst.idx.msk $0xffff, v8  }
0x135: {  	v10 =	vor.u32 v7, v10;
	v8 =	vld.idx.msk [tilespmem:v48+s13+$0x0], $0xffff;
	_ =	sdelay $0x2  }
0x136: {  	s2 =	spop @!p0 (v2sf)  }
0x137: {  	s3 =	sand.u32 $0x7F, s3;
	s2 =	sand.u32 @!p0 $0xFFFFF80, s2  }
0x138: {  	s18 =	simm.s32 @!p0 $0x4200;
	s2 =	sadd.s32 @!p0 s0, s2;
	s13 =	sadd.s32 $0xB, s31;
	[tilespmem:v10+s19+$0x0] =	vst.idx.msk $0xffff, v8;
	v8 =	vor.u32 s3, v0  }
0x139: {  	v10 =	vmov s13;
	[tilespmem:s18], [sflag:$0x3] =	stream.strided.gather @!p0 [hbm4b:s2+s1], $0x2000, s28, s1, $0x38;
	[tilespmem:$0x18200] =	vst v63  }
0x13a: {  	v11 =	vshll.u32 v10, $0x3;
	_ =	swait.ge [sflag:s23], $0x2000  }
0x13b: {  	v10 =	vand.u32 $0x7B, v10;
	v11 =	vand.u32 $0xC00, v11;
	[sflag:s23] =	ssyncset.done $0x0  }
0x13c: {  	v10 =	vor.u32 v10, v11;
	[sflag:s23] =	ssyncadd.s32 $0xFFFFE000  }
0x13d: {  	v11 =	vor.u32 v1, v10;
	v8 =	vld.idx.msk [tilespmem:v8+s14+$0x0], $0xffff  }
0x13e: {  	v49 =	vor.u32 s3, v2;
	_ =	sdelay $0x3  }
0x13f: {  	[tilespmem:v11+s19+$0x0] =	vst.idx.msk $0xffff, v8  }
0x140: {  	(v2sf) =	vpush @!p0 v9, $0x3;
	v11 =	vor.u32 v3, v10;
	v8 =	vld.idx.msk [tilespmem:v49+s14+$0x0], $0xffff  }
0x141: {  	v50 =	vor.u32 s3, v4;
	_ =	sdelay $0x3  }
0x142: {  	[tilespmem:v11+s19+$0x0] =	vst.idx.msk $0xffff, v8  }
0x143: {  	v11 =	vor.u32 v5, v10;
	v8 =	vld.idx.msk [tilespmem:v50+s14+$0x0], $0xffff  }
0x144: {  	v51 =	vor.u32 s3, v6;
	_ =	sdelay $0x3  }
0x145: {  	[tilespmem:v11+s19+$0x0] =	vst.idx.msk $0xffff, v8  }
0x146: {  	v10 =	vor.u32 v7, v10;
	v8 =	vld.idx.msk [tilespmem:v51+s14+$0x0], $0xffff;
	_ =	sdelay $0x2  }
0x147: {  	s2 =	spop @!p0 (v2sf)  }
0x148: {  	s20 =	sand.u32 $0x7F, s29;
	s2 =	sand.u32 @!p0 $0xFFFFF80, s2  }
0x149: {  	s29 =	sadd.s32 $0xC, s31;
	s18 =	simm.s32 @!p0 $0x6200;
	s2 =	sadd.s32 @!p0 s0, s2;
	[tilespmem:v10+s19+$0x0] =	vst.idx.msk $0xffff, v8;
	v8 =	vor.u32 s20, v0  }
0x14a: {  	v10 =	vmov s29;
	[tilespmem:s18], [sflag:$0x4] =	stream.strided.gather @!p0 [hbm4b:s2+s1], $0x2000, s28, s1, $0x38;
	[tilespmem:$0x18200] =	vst v63  }
0x14b: {  	v11 =	vshll.u32 v10, $0x3;
	_ =	swait.ge [sflag:s24], $0x2000  }
0x14c: {  	v10 =	vand.u32 $0x7C, v10;
	v11 =	vand.u32 $0xC00, v11;
	[sflag:s24] =	ssyncset.done $0x0  }
0x14d: {  	v10 =	vor.u32 v10, v11;
	[sflag:s24] =	ssyncadd.s32 $0xFFFFE000  }
0x14e: {  	v11 =	vor.u32 v1, v10;
	v8 =	vld.idx.msk [tilespmem:v8+s8+$0x0], $0xffff  }
0x14f: {  	v52 =	vor.u32 s20, v2;
	_ =	sdelay $0x3  }
0x150: {  	[tilespmem:v11+s19+$0x0] =	vst.idx.msk $0xffff, v8  }
0x151: {  	(v2sf) =	vpush @!p0 v9, $0x4;
	v11 =	vor.u32 v3, v10;
	v8 =	vld.idx.msk [tilespmem:v52+s8+$0x0], $0xffff  }
0x152: {  	v53 =	vor.u32 s20, v4;
	_ =	sdelay $0x3  }
0x153: {  	[tilespmem:v11+s19+$0x0] =	vst.idx.msk $0xffff, v8  }
0x154: {  	v11 =	vor.u32 v5, v10;
	v8 =	vld.idx.msk [tilespmem:v53+s8+$0x0], $0xffff  }
0x155: {  	v54 =	vor.u32 s20, v6;
	_ =	sdelay $0x3  }
0x156: {  	[tilespmem:v11+s19+$0x0] =	vst.idx.msk $0xffff, v8  }
0x157: {  	v10 =	vor.u32 v7, v10;
	v8 =	vld.idx.msk [tilespmem:v54+s8+$0x0], $0xffff;
	_ =	sdelay $0x2  }
0x158: {  	s2 =	spop @!p0 (v2sf)  }
0x159: {  	s30 =	sand.u32 $0x7F, s4;
	s2 =	sand.u32 @!p0 $0xFFFFF80, s2  }
0x15a: {  	s7 =	simm.s32 @!p0 $0x8200;
	s2 =	sadd.s32 @!p0 s0, s2;
	s8 =	sadd.s32 $0xD, s31;
	[tilespmem:v10+s19+$0x0] =	vst.idx.msk $0xffff, v8;
	v8 =	vor.u32 s30, v0  }
0x15b: {  	v10 =	vmov s8;
	[tilespmem:s7], [sflag:$0x5] =	stream.strided.gather @!p0 [hbm4b:s2+s1], $0x2000, s28, s1, $0x38;
	[tilespmem:$0x18200] =	vst v63  }
0x15c: {  	v11 =	vshll.u32 v10, $0x3;
	_ =	swait.ge [sflag:s25], $0x2000  }
0x15d: {  	v10 =	vand.u32 $0x7D, v10;
	v11 =	vand.u32 $0xC00, v11;
	[sflag:s25] =	ssyncset.done $0x0  }
0x15e: {  	v10 =	vor.u32 v10, v11;
	[sflag:s25] =	ssyncadd.s32 $0xFFFFE000  }
0x15f: {  	v11 =	vor.u32 v1, v10;
	v8 =	vld.idx.msk [tilespmem:v8+s16+$0x0], $0xffff  }
0x160: {  	v55 =	vor.u32 s30, v2;
	_ =	sdelay $0x3  }
0x161: {  	[tilespmem:v11+s19+$0x0] =	vst.idx.msk $0xffff, v8  }
0x162: {  	(v2sf) =	vpush @!p0 v9, $0x5;
	v11 =	vor.u32 v3, v10;
	v8 =	vld.idx.msk [tilespmem:v55+s16+$0x0], $0xffff  }
0x163: {  	v56 =	vor.u32 s30, v4;
	_ =	sdelay $0x3  }
0x164: {  	[tilespmem:v11+s19+$0x0] =	vst.idx.msk $0xffff, v8  }
0x165: {  	v11 =	vor.u32 v5, v10;
	v8 =	vld.idx.msk [tilespmem:v56+s16+$0x0], $0xffff  }
0x166: {  	v57 =	vor.u32 s30, v6;
	_ =	sdelay $0x3  }
0x167: {  	[tilespmem:v11+s19+$0x0] =	vst.idx.msk $0xffff, v8  }
0x168: {  	v10 =	vor.u32 v7, v10;
	v8 =	vld.idx.msk [tilespmem:v57+s16+$0x0], $0xffff;
	_ =	sdelay $0x2  }
0x169: {  	s2 =	spop @!p0 (v2sf)  }
0x16a: {  	s18 =	sand.u32 $0x7F, s5;
	s2 =	sand.u32 @!p0 $0xFFFFF80, s2  }
0x16b: {  	s20 =	sadd.s32 $0xE, s31;
	s5 =	simm.s32 @!p0 $0xA200;
	s2 =	sadd.s32 @!p0 s0, s2;
	[tilespmem:v10+s19+$0x0] =	vst.idx.msk $0xffff, v8;
	v8 =	vor.u32 s18, v0  }
0x16c: {  	v10 =	vmov s20;
	[tilespmem:s5], [sflag:$0x6] =	stream.strided.gather @!p0 [hbm4b:s2+s1], $0x2000, s28, s1, $0x38;
	[tilespmem:$0x18200] =	vst v63  }
0x16d: {  	v11 =	vshll.u32 v10, $0x3;
	_ =	swait.ge [sflag:s26], $0x2000  }
0x16e: {  	v10 =	vand.u32 $0x7E, v10;
	v11 =	vand.u32 $0xC00, v11;
	[sflag:s26] =	ssyncset.done $0x0  }
0x16f: {  	v10 =	vor.u32 v10, v11;
	[sflag:s26] =	ssyncadd.s32 $0xFFFFE000  }
0x170: {  	v11 =	vor.u32 v1, v10;
	v8 =	vld.idx.msk [tilespmem:v8+s9+$0x0], $0xffff  }
0x171: {  	v58 =	vor.u32 s18, v2;
	_ =	sdelay $0x3  }
0x172: {  	[tilespmem:v11+s19+$0x0] =	vst.idx.msk $0xffff, v8  }
0x173: {  	(v2sf) =	vpush @!p0 v9, $0x6;
	v11 =	vor.u32 v3, v10;
	v8 =	vld.idx.msk [tilespmem:v58+s9+$0x0], $0xffff  }
0x174: {  	v59 =	vor.u32 s18, v4;
	_ =	sdelay $0x3  }
0x175: {  	[tilespmem:v11+s19+$0x0] =	vst.idx.msk $0xffff, v8  }
0x176: {  	v11 =	vor.u32 v5, v10;
	v8 =	vld.idx.msk [tilespmem:v59+s9+$0x0], $0xffff  }
0x177: {  	v60 =	vor.u32 s18, v6;
	_ =	sdelay $0x3  }
0x178: {  	[tilespmem:v11+s19+$0x0] =	vst.idx.msk $0xffff, v8  }
0x179: {  	v10 =	vor.u32 v7, v10;
	v8 =	vld.idx.msk [tilespmem:v60+s9+$0x0], $0xffff;
	_ =	sdelay $0x2  }
0x17a: {  	s2 =	spop @!p0 (v2sf)  }
0x17b: {  	s29 =	sand.u32 $0x7F, s6;
	s2 =	sand.u32 @!p0 $0xFFFFF80, s2  }
0x17c: {  	s30 =	sadd.s32 $0xF, s31;
	s5 =	simm.s32 @!p0 $0xC200;
	s2 =	sadd.s32 @!p0 s0, s2;
	[tilespmem:v10+s19+$0x0] =	vst.idx.msk $0xffff, v8;
	v8 =	vor.u32 s29, v0  }
0x17d: {  	v10 =	vmov s30;
	[tilespmem:s5], [sflag:$0x7] =	stream.strided.gather @!p0 [hbm4b:s2+s1], $0x2000, s28, s1, $0x38;
	[tilespmem:$0x18200] =	vst v63  }
0x17e: {  	v11 =	vshll.u32 v10, $0x3;
	_ =	swait.ge [sflag:s10], $0x2000  }
0x17f: {  	v10 =	vand.u32 $0x7F, v10;
	v11 =	vand.u32 $0xC00, v11;
	[sflag:s10] =	ssyncset.done $0x0  }
0x180: {  	v10 =	vor.u32 v10, v11;
	[sflag:s10] =	ssyncadd.s32 $0xFFFFE000  }
0x181: {  	v11 =	vor.u32 v1, v10;
	v8 =	vld.idx.msk [tilespmem:v8+s17+$0x0], $0xffff  }
0x182: {  	v61 =	vor.u32 s29, v2;
	_ =	sdelay $0x3  }
0x183: {  	[tilespmem:v11+s19+$0x0] =	vst.idx.msk $0xffff, v8  }
0x184: {  	v11 =	vor.u32 v3, v10;
	v8 =	vld.idx.msk [tilespmem:v61+s17+$0x0], $0xffff  }
0x185: {  	v62 =	vor.u32 s29, v4;
	_ =	sdelay $0x3  }
0x186: {  	[tilespmem:v11+s19+$0x0] =	vst.idx.msk $0xffff, v8  }
0x187: {  	v11 =	vor.u32 v5, v10;
	v8 =	vld.idx.msk [tilespmem:v62+s17+$0x0], $0xffff  }
0x188: {  	v63 =	vor.u32 s29, v6;
	_ =	sdelay $0x3  }
0x189: {  	[tilespmem:v11+s19+$0x0] =	vst.idx.msk $0xffff, v8  }
0x18a: {  	v10 =	vor.u32 v7, v10;
	v8 =	vld.idx.msk [tilespmem:v63+s17+$0x0], $0xffff  }
.Ltmp2:
0x18b: {  	_ = 	snop;
	(pc) =	sbr.rel @p0 .LBB2_4-.Ltmp2, $4  }
0x18c: {  	_ = 	snop  }
0x18d: {  	s15 =	simm.s32 $0x400;
	s11 =	simm.s32 $0x200  }
0x18e: {  	s21 =	simm.s32 $0x2200;
	s12 =	simm.s32 $0x4200;
	s13 =	simm.s32 $0x6200  }
0x18f: {  	s14 =	simm.s32 $0x8200;
	s8 =	simm.s32 $0xC200;
	s7 =	simm.s32 $0xA200;
	[tilespmem:v10+s19+$0x0] =	vst.idx.msk $0xffff, v8  }
0x190: {  	(v2sf) =	vpush v9, $0x7;
	_ =	sdelay $0xe  }
.Ltmp3:
0x191: {  	s1 =	spop (v2sf);
	(pc) =	sbr.rel .LBB2_2-.Ltmp3, $4  }
0x192: {  	s1 =	sand.u32 $0xFFFFF80, s1  }
0x193: {  	s2 =	simm.s32 $0x7A1400;
	s30 =	smin.u32 s31, $0x1D0;
	s1 =	sadd.s32 s0, s1  }
0x194: {  	[tilespmem:s17], [sflag:$0x8] =	stream.strided.gather [hbm4b:s1+s15], $0x2000, s2, s15, $0x38;
	[tilespmem:$0x18200] =	vst v63  }
0x195: {  	s31 =	sadd.s32 $0x10, s31;
	s11 =	simm.s32 $0x7A1400;
	s15 =	simm.s32 $0x400;
	v8 =	vld [tilespmem:s30+$0x20]  }
.LBB2_5:
0x196: {  	_ =	sfence.sel $0x180000  }
0x197: {  	[bflag:$0x0] =	sbarrier.arrive $0xFFFF  }
0x198: {  	_ =	strace $0x90000047  }
0x199: {  	s0 =	stileid.u32;
	[bflag:$0x2] =	sbarrier.arrive $0xFFFF  }
0x19a: {  	p0 =	sne.s32 s0, $0x0;
	s0 =	rddreg [dreg:$0x3]  }
0x19b: {  	s0 =	sadd.s32 @!p0 $0x100000, s0  }
0x19c: {  	[sflag:s0] =	ssyncadd.tile.s32 @!p0 $0x1;
	_ =	shalt  }
.Lfunc_end2:
_tile_overlayer_lowered:
.L_overlay_start_2:
0x19d: {  	(tag) =	ssettag $0x2  }
0x19e: {  	s0 =	rddreg [dreg:$0x0];
	s2 =	stileid.u32  }
0x19f: {  	s1 =	rddreg [dreg:$0x1];
	p0 =	sne.s32 s2, $0x0  }
0x1a0: {  	s3 =	rddreg [dreg:$0x2];
	[bflag:$0x3] =	sbarrier.arrive $0xFFFF;
	s2 =	simm.s32 @!p0 $0x1C09  }
0x1a1: {  	[timem:s3], [sflag:s2] =	dma.local @!p0 [hbm:s0], s1  }
0x1a2: {  	s0 =	simm.s32 @!p0 $0x9  }
0x1a3: {  	_ =	swait.ge @!p0 [sflag:s0], s1  }
0x1a4: {  	s1 =	ssub.s32 @!p0 $0x0, s1;
	[sflag:s0] =	ssyncset.done @!p0 $0x0  }
0x1a5: {  	[sflag:s0] =	ssyncadd.s32 @!p0 s1  }
0x1a6: {  	[bflag:$0x3] =	sbarrier.arrive $0xFFFF  }
0x1a7: {  	_ =	shalt  }

</sc_bundles>
